<compile_context>
chip_gen: v7x
topology: tpu7x:2x2x1
jax: 0.10.2.dev20260603
libtpu: 0.0.44.dev20260713+nightly
codegen_flags: <defaults>
</compile_context>

<pallas_src>
import jax
import jax.numpy as jnp
from jax import lax
from jax.experimental import pallas as pl
from jax.experimental.pallas import tpu as pltpu
from jax.experimental.pallas import tpu_sc as plsc

_L = 16
_NC = 2
_NS = 16
_NW = _NC * _NS
_B = 16384
_D = 64
_PER_W = _B // _NW
_C = 32
_NCH = _PER_W // _C


def _sin(x):
    x2 = x * x
    p = jnp.float32(1.0 / 362880.0)
    p = p * x2 + jnp.float32(-1.0 / 5040.0)
    p = p * x2 + jnp.float32(1.0 / 120.0)
    p = p * x2 + jnp.float32(-1.0 / 6.0)
    p = p * x2 + jnp.float32(1.0)
    return x * p


def _body(heads_hbm, rels_hbm, tails_hbm, years_hbm, months_hbm, days_hbm,
          ent_hbm, rel_hbm, *rest):
    tabs = rest[:18]
    out_hbm = rest[18]
    hidx, tidx, ridx = rest[19:22]
    yr_v, mo_v, dy_v = rest[22:25]
    eh_v, et_v, rel_v = rest[25:28]
    gh = rest[28:46]
    gt = rest[46:64]
    p_v, sc_v, sem = rest[64:67]

    wid = lax.axis_index("s") * _NC + lax.axis_index("c")
    base = wid * _PER_W
    lanes = lax.iota(jnp.int32, _L)

    def row(buf, jf, dv):
        return plsc.load_gather(buf, [jf, lanes + dv * _L])

    def chunk_body(c, carry):
        cb = base + c * _C
        pltpu.sync_copy(heads_hbm.at[pl.ds(cb, _C)], hidx)
        pltpu.sync_copy(tails_hbm.at[pl.ds(cb, _C)], tidx)
        pltpu.sync_copy(rels_hbm.at[pl.ds(cb, _C)], ridx)
        pltpu.sync_copy(years_hbm.at[pl.ds(cb, _C)], yr_v.at[0, pl.ds(0, _C)])
        pltpu.sync_copy(months_hbm.at[pl.ds(cb, _C)], mo_v.at[0, pl.ds(0, _C)])
        pltpu.sync_copy(days_hbm.at[pl.ds(cb, _C)], dy_v.at[0, pl.ds(0, _C)])

        handles = [pltpu.async_copy(ent_hbm.at[hidx], eh_v, sem),
                   pltpu.async_copy(ent_hbm.at[tidx], et_v, sem),
                   pltpu.async_copy(rel_hbm.at[ridx], rel_v, sem)]
        for i in range(18):
            handles.append(pltpu.async_copy(tabs[i].at[hidx], gh[i], sem))
            handles.append(pltpu.async_copy(tabs[i].at[tidx], gt[i], sem))
        for h in handles:
            h.wait()

        def elem_body(j, cc):
            jf = jnp.full((_L,), j, jnp.int32)
            z16 = jnp.zeros((_L,), jnp.int32)
            yb = plsc.load_gather(yr_v, [z16, jf])
            mb = plsc.load_gather(mo_v, [z16, jf])
            db = plsc.load_gather(dy_v, [z16, jf])

            def temb(bufs, toff, dv):
                r = None
                for k, tb in enumerate((yb, mb, db)):
                    fq = row(bufs[toff + 3 * k], jf, dv)
                    ph = row(bufs[toff + 3 * k + 1], jf, dv)
                    am = row(bufs[toff + 3 * k + 2], jf, dv)
                    v = am * _sin(fq * tb + ph)
                    r = v if r is None else r + v
                return r

            acc = None
            for dv in range(_D // _L):
                a = row(eh_v, jf, dv)
                b = row(et_v, jf, dv)
                rs = row(rel_v, jf, dv)
                rt = row(rel_v, jf, dv + 4)
                th_h = temb(gh, 0, dv)
                th_t = temb(gt, 0, dv)
                tt_h = temb(gh, 9, dv)
                tt_t = temb(gt, 9, dv)
                v = (a * b * rs
                     + jnp.float32(0.5) * rt * (th_h * tt_t + th_t * tt_h))
                acc = v if acc is None else acc + v
            plsc.store_scatter(p_v, [jf, lanes], acc)
            return cc

        lax.fori_loop(0, _C, elem_body, 0)

        def grp_body(g, cc):
            eidx = lanes + g * _L
            s = jnp.zeros((_L,), jnp.float32)
            for d in range(_L):
                s = s + plsc.load_gather(
                    p_v, [eidx, jnp.full((_L,), d, jnp.int32)])
            sc_v[pl.ds(g * _L, _L)] = s
            return cc

        lax.fori_loop(0, _C // _L, grp_body, 0)
        pltpu.sync_copy(sc_v, out_hbm.at[pl.ds(cb, _C)])
        return carry

    lax.fori_loop(0, _NCH, chunk_body, 0)


@jax.jit
def _run(heads, rels, tails, years, months, days, ent_emb, rel_emb, *tabs):
    mesh = plsc.VectorSubcoreMesh(core_axis_name="c", subcore_axis_name="s")
    fn = pl.kernel(
        _body,
        mesh=mesh,
        out_type=jax.ShapeDtypeStruct((_B,), jnp.float32),
        scratch_types=(
            [pltpu.VMEM((_C,), jnp.int32)] * 3
            + [pltpu.VMEM((1, 128), jnp.float32)] * 3
            + [pltpu.VMEM((_C, _D), jnp.float32)] * 2
            + [pltpu.VMEM((_C, 2 * _D), jnp.float32)]
            + [pltpu.VMEM((_C, _D), jnp.float32)] * 36
            + [pltpu.VMEM((_C, 128), jnp.float32),
               pltpu.VMEM((_C,), jnp.float32),
               pltpu.SemaphoreType.DMA]
        ),
        compiler_params=pltpu.CompilerParams(use_tc_tiling_on_sc=False,
                                             needs_layout_passes=False),
    )
    return fn(heads, rels, tails, years, months, days, ent_emb, rel_emb, *tabs)


def kernel(heads, rels, tails, years, months, days, ent_emb, rel_emb,
           y_freq_h, y_phi_h, y_amps_h, m_freq_h, m_phi_h, m_amps_h,
           d_freq_h, d_phi_h, d_amps_h, y_freq_t, y_phi_t, y_amps_t,
           m_freq_t, m_phi_t, m_amps_t, d_freq_t, d_phi_t, d_amps_t):
    return _run(heads.astype(jnp.int32), rels.astype(jnp.int32),
                tails.astype(jnp.int32), years, months, days, ent_emb, rel_emb,
                y_freq_h, y_phi_h, y_amps_h, m_freq_h, m_phi_h, m_amps_h,
                d_freq_h, d_phi_h, d_amps_h, y_freq_t, y_phi_t, y_amps_t,
                m_freq_t, m_phi_t, m_amps_t, d_freq_t, d_phi_t, d_amps_t)

# --- scband reference (transcript-rebuilt; emitter-appended) ---
"""Pipeline reference for scband-de-simpl-e-82566451299279 (READ-ONLY COPY).

The authoritative reference and input builder live on the scoring server;
editing this copy changes nothing except your own understanding.
"""

import jax, jax.numpy as jnp
import numpy as np

NUM_ENT = 100000
NUM_REL = 500
S_DIM = 64
T_DIM = 64
BATCH = 16384
TIME_NAMES = ["y_freq_h","y_phi_h","y_amps_h","m_freq_h","m_phi_h","m_amps_h","d_freq_h","d_phi_h","d_amps_h","y_freq_t","y_phi_t","y_amps_t","m_freq_t","m_phi_t","m_amps_t","d_freq_t","d_phi_t","d_amps_t"]

def setup_inputs(seed: int = 0) -> dict:
    key = jax.random.key(seed)
    ks = jax.random.split(key, 32)
    inp = {}
    inp["heads"] = jax.random.randint(ks[0], (BATCH,), 0, NUM_ENT)
    inp["rels"] = jax.random.randint(ks[1], (BATCH,), 0, NUM_REL)
    inp["tails"] = jax.random.randint(ks[2], (BATCH,), 0, NUM_ENT)
    inp["years"] = jax.random.uniform(ks[3], (BATCH,), dtype=jnp.float32)
    inp["months"] = jax.random.uniform(ks[4], (BATCH,), dtype=jnp.float32)
    inp["days"] = jax.random.uniform(ks[5], (BATCH,), dtype=jnp.float32)
    inp["ent_emb"] = jax.random.normal(ks[6], (NUM_ENT, S_DIM), dtype=jnp.float32) * 0.05
    inp["rel_emb"] = jax.random.normal(ks[7], (NUM_REL, S_DIM + T_DIM), dtype=jnp.float32) * 0.05
    for i, n in enumerate(TIME_NAMES):
        inp[n] = jax.random.normal(ks[8 + i], (NUM_ENT, T_DIM), dtype=jnp.float32) * 0.05
    return inp

def reference(heads, rels, tails, years, months, days, ent_emb, rel_emb, y_freq_h, y_phi_h, y_amps_h, m_freq_h, m_phi_h, m_amps_h, d_freq_h, d_phi_h, d_amps_h, y_freq_t, y_phi_t, y_amps_t, m_freq_t, m_phi_t, m_amps_t, d_freq_t, d_phi_t, d_amps_t):
    yr = years.reshape(-1, 1)
    mo = months.reshape(-1, 1)
    dy = days.reshape(-1, 1)
    def t_emb(e, fy, py, ay, fm, pm, am, fd, pd, ad):
        emb = ay[e] * jnp.sin(fy[e] * yr + py[e])
        emb = emb + am[e] * jnp.sin(fm[e] * mo + pm[e])
        emb = emb + ad[e] * jnp.sin(fd[e] * dy + pd[e])
        return emb
    head_tabs = (y_freq_h, y_phi_h, y_amps_h, m_freq_h, m_phi_h, m_amps_h, d_freq_h, d_phi_h, d_amps_h)
    tail_tabs = (y_freq_t, y_phi_t, y_amps_t, m_freq_t, m_phi_t, m_amps_t, d_freq_t, d_phi_t, d_amps_t)
    h1 = jnp.concatenate([ent_emb[heads], t_emb(heads, *head_tabs)], axis=1)
    t1 = jnp.concatenate([ent_emb[tails], t_emb(tails, *tail_tabs)], axis=1)
    h2 = jnp.concatenate([ent_emb[tails], t_emb(tails, *head_tabs)], axis=1)
    t2 = jnp.concatenate([ent_emb[heads], t_emb(heads, *tail_tabs)], axis=1)
    r1 = rel_emb[rels]
    r2 = rel_emb[rels]
    scores = jnp.sum((h1 * r1 * t1 + h2 * r2 * t2) / 2.0, axis=1)
    return scores

if __name__ == "__main__":
    import jax
    _d = setup_inputs()
    print(jax.jit(kernel)(*tuple(_d.values())))

</pallas_src>

<mosaic_0001>
#map = affine_map<(d0, d1) -> (0)>
#map1 = affine_map<(d0, d1) -> (0, 0)>
module attributes {stable_mosaic.version = 14 : i64} {
  func.func @_body(%arg0: i32, %arg1: i32, %arg2: memref<16384xi32, #tpu.memory_space<hbm>>, %arg3: memref<16384xi32, #tpu.memory_space<hbm>>, %arg4: memref<16384xi32, #tpu.memory_space<hbm>>, %arg5: memref<16384xf32, #tpu.memory_space<hbm>>, %arg6: memref<16384xf32, #tpu.memory_space<hbm>>, %arg7: memref<16384xf32, #tpu.memory_space<hbm>>, %arg8: memref<100000x64xf32, #tpu.memory_space<hbm>>, %arg9: memref<500x128xf32, #tpu.memory_space<hbm>>, %arg10: memref<100000x64xf32, #tpu.memory_space<hbm>>, %arg11: memref<100000x64xf32, #tpu.memory_space<hbm>>, %arg12: memref<100000x64xf32, #tpu.memory_space<hbm>>, %arg13: memref<100000x64xf32, #tpu.memory_space<hbm>>, %arg14: memref<100000x64xf32, #tpu.memory_space<hbm>>, %arg15: memref<100000x64xf32, #tpu.memory_space<hbm>>, %arg16: memref<100000x64xf32, #tpu.memory_space<hbm>>, %arg17: memref<100000x64xf32, #tpu.memory_space<hbm>>, %arg18: memref<100000x64xf32, #tpu.memory_space<hbm>>, %arg19: memref<100000x64xf32, #tpu.memory_space<hbm>>, %arg20: memref<100000x64xf32, #tpu.memory_space<hbm>>, %arg21: memref<100000x64xf32, #tpu.memory_space<hbm>>, %arg22: memref<100000x64xf32, #tpu.memory_space<hbm>>, %arg23: memref<100000x64xf32, #tpu.memory_space<hbm>>, %arg24: memref<100000x64xf32, #tpu.memory_space<hbm>>, %arg25: memref<100000x64xf32, #tpu.memory_space<hbm>>, %arg26: memref<100000x64xf32, #tpu.memory_space<hbm>>, %arg27: memref<100000x64xf32, #tpu.memory_space<hbm>>, %arg28: memref<16384xf32, #tpu.memory_space<hbm>>, %arg29: memref<32xi32, #tpu.memory_space<vmem>>, %arg30: memref<32xi32, #tpu.memory_space<vmem>>, %arg31: memref<32xi32, #tpu.memory_space<vmem>>, %arg32: memref<1x128xf32, #tpu.memory_space<vmem>>, %arg33: memref<1x128xf32, #tpu.memory_space<vmem>>, %arg34: memref<1x128xf32, #tpu.memory_space<vmem>>, %arg35: memref<32x64xf32, #tpu.memory_space<vmem>>, %arg36: memref<32x64xf32, #tpu.memory_space<vmem>>, %arg37: memref<32x128xf32, #tpu.memory_space<vmem>>, %arg38: memref<32x64xf32, #tpu.memory_space<vmem>>, %arg39: memref<32x64xf32, #tpu.memory_space<vmem>>, %arg40: memref<32x64xf32, #tpu.memory_space<vmem>>, %arg41: memref<32x64xf32, #tpu.memory_space<vmem>>, %arg42: memref<32x64xf32, #tpu.memory_space<vmem>>, %arg43: memref<32x64xf32, #tpu.memory_space<vmem>>, %arg44: memref<32x64xf32, #tpu.memory_space<vmem>>, %arg45: memref<32x64xf32, #tpu.memory_space<vmem>>, %arg46: memref<32x64xf32, #tpu.memory_space<vmem>>, %arg47: memref<32x64xf32, #tpu.memory_space<vmem>>, %arg48: memref<32x64xf32, #tpu.memory_space<vmem>>, %arg49: memref<32x64xf32, #tpu.memory_space<vmem>>, %arg50: memref<32x64xf32, #tpu.memory_space<vmem>>, %arg51: memref<32x64xf32, #tpu.memory_space<vmem>>, %arg52: memref<32x64xf32, #tpu.memory_space<vmem>>, %arg53: memref<32x64xf32, #tpu.memory_space<vmem>>, %arg54: memref<32x64xf32, #tpu.memory_space<vmem>>, %arg55: memref<32x64xf32, #tpu.memory_space<vmem>>, %arg56: memref<32x64xf32, #tpu.memory_space<vmem>>, %arg57: memref<32x64xf32, #tpu.memory_space<vmem>>, %arg58: memref<32x64xf32, #tpu.memory_space<vmem>>, %arg59: memref<32x64xf32, #tpu.memory_space<vmem>>, %arg60: memref<32x64xf32, #tpu.memory_space<vmem>>, %arg61: memref<32x64xf32, #tpu.memory_space<vmem>>, %arg62: memref<32x64xf32, #tpu.memory_space<vmem>>, %arg63: memref<32x64xf32, #tpu.memory_space<vmem>>, %arg64: memref<32x64xf32, #tpu.memory_space<vmem>>, %arg65: memref<32x64xf32, #tpu.memory_space<vmem>>, %arg66: memref<32x64xf32, #tpu.memory_space<vmem>>, %arg67: memref<32x64xf32, #tpu.memory_space<vmem>>, %arg68: memref<32x64xf32, #tpu.memory_space<vmem>>, %arg69: memref<32x64xf32, #tpu.memory_space<vmem>>, %arg70: memref<32x64xf32, #tpu.memory_space<vmem>>, %arg71: memref<32x64xf32, #tpu.memory_space<vmem>>, %arg72: memref<32x64xf32, #tpu.memory_space<vmem>>, %arg73: memref<32x64xf32, #tpu.memory_space<vmem>>, %arg74: memref<32x128xf32, #tpu.memory_space<vmem>>, %arg75: memref<32xf32, #tpu.memory_space<vmem>>, %arg76: memref<!tpu.dma_semaphore, #tpu.memory_space<semaphore_mem>>) attributes {dimension_semantics = [#tpu.dimension_semantics<core_parallel>, #tpu.dimension_semantics<subcore_parallel>], iteration_bounds = array<i64: 2, 16>, scalar_prefetch = 0 : i64, scratch_operands = 48 : i64, tpu.core_type = #tpu.core_type<sc_vector_subcore>, window_params = [{transform_indices = #map}, {transform_indices = #map}, {transform_indices = #map}, {transform_indices = #map}, {transform_indices = #map}, {transform_indices = #map}, {transform_indices = #map1}, {transform_indices = #map1}, {transform_indices = #map1}, {transform_indices = #map1}, {transform_indices = #map1}, {transform_indices = #map1}, {transform_indices = #map1}, {transform_indices = #map1}, {transform_indices = #map1}, {transform_indices = #map1}, {transform_indices = #map1}, {transform_indices = #map1}, {transform_indices = #map1}, {transform_indices = #map1}, {transform_indices = #map1}, {transform_indices = #map1}, {transform_indices = #map1}, {transform_indices = #map1}, {transform_indices = #map1}, {transform_indices = #map1}, {transform_indices = #map}]} {
    %mul3A = arith.constant 2 : i32
    %mul3A_0 = arith.muli %arg1, %mul3A : i32
    %add3A = arith.addi %mul3A_0, %arg0 : i32
    %mul3A_1 = arith.constant 512 : i32
    %mul3A_2 = arith.muli %add3A, %mul3A_1 : i32
    %iota3A = tpu.iota {dimensions = array<i32: 0>} : vector<16xi32>
    %scan3A = arith.constant 0 : i32
    %scan3A_3 = arith.constant 0 : i32
    %scan3A_4 = arith.constant 16 : i32
    %scan3A_5 = arith.addi %scan3A_3, %scan3A_4 : i32
    %scan3A_6 = arith.constant 1 : i32
    scf.for %scan3A_8 = %scan3A_3 to %scan3A_5 step %scan3A_6  : i32 {
      %mul3A_9 = arith.constant 32 : i32
      %mul3A_10 = arith.muli %scan3A_8, %mul3A_9 : i32
      %add3A_11 = arith.addi %mul3A_2, %mul3A_10 : i32
      "tpu.region"() ({
        %run_scoped3A_258 = tpu.sem_alloc : memref<!tpu.dma_semaphore, #tpu.memory_space<semaphore_mem>>
        %dma_start3A_259 = tpu.memref_slice %arg2[%add3A_11] : memref<16384xi32, #tpu.memory_space<hbm>> -> memref<32xi32, #tpu.memory_space<hbm>>
        %dma_start3A_260 = tpu.memref_slice %arg2[%add3A_11] : memref<16384xi32, #tpu.memory_space<hbm>> -> memref<32xi32, #tpu.memory_space<hbm>>
        tpu.enqueue_dma source(%dma_start3A_260 : memref<32xi32, #tpu.memory_space<hbm>>) target(%arg29 : memref<32xi32, #tpu.memory_space<vmem>>) target_semaphore(%run_scoped3A_258 : memref<!tpu.dma_semaphore, #tpu.memory_space<semaphore_mem>>)
        %dma_wait3A_261 = tpu.memref_slice %arg2[%add3A_11] : memref<16384xi32, #tpu.memory_space<hbm>> -> memref<32xi32, #tpu.memory_space<hbm>>
        %dma_wait3A_262 = tpu.memref_slice %arg2[%add3A_11] : memref<16384xi32, #tpu.memory_space<hbm>> -> memref<32xi32, #tpu.memory_space<hbm>>
        tpu.wait_dma2 semaphore(%run_scoped3A_258 : memref<!tpu.dma_semaphore, #tpu.memory_space<semaphore_mem>>) src(%dma_wait3A_262 : memref<32xi32, #tpu.memory_space<hbm>>) dst(%arg29 : memref<32xi32, #tpu.memory_space<vmem>>)
        tpu.yield
      }) : () -> ()
      "tpu.region"() ({
        %run_scoped3A_258 = tpu.sem_alloc : memref<!tpu.dma_semaphore, #tpu.memory_space<semaphore_mem>>
        %dma_start3A_259 = tpu.memref_slice %arg4[%add3A_11] : memref<16384xi32, #tpu.memory_space<hbm>> -> memref<32xi32, #tpu.memory_space<hbm>>
        %dma_start3A_260 = tpu.memref_slice %arg4[%add3A_11] : memref<16384xi32, #tpu.memory_space<hbm>> -> memref<32xi32, #tpu.memory_space<hbm>>
        tpu.enqueue_dma source(%dma_start3A_260 : memref<32xi32, #tpu.memory_space<hbm>>) target(%arg30 : memref<32xi32, #tpu.memory_space<vmem>>) target_semaphore(%run_scoped3A_258 : memref<!tpu.dma_semaphore, #tpu.memory_space<semaphore_mem>>)
        %dma_wait3A_261 = tpu.memref_slice %arg4[%add3A_11] : memref<16384xi32, #tpu.memory_space<hbm>> -> memref<32xi32, #tpu.memory_space<hbm>>
        %dma_wait3A_262 = tpu.memref_slice %arg4[%add3A_11] : memref<16384xi32, #tpu.memory_space<hbm>> -> memref<32xi32, #tpu.memory_space<hbm>>
        tpu.wait_dma2 semaphore(%run_scoped3A_258 : memref<!tpu.dma_semaphore, #tpu.memory_space<semaphore_mem>>) src(%dma_wait3A_262 : memref<32xi32, #tpu.memory_space<hbm>>) dst(%arg30 : memref<32xi32, #tpu.memory_space<vmem>>)
        tpu.yield
      }) : () -> ()
      "tpu.region"() ({
        %run_scoped3A_258 = tpu.sem_alloc : memref<!tpu.dma_semaphore, #tpu.memory_space<semaphore_mem>>
        %dma_start3A_259 = tpu.memref_slice %arg3[%add3A_11] : memref<16384xi32, #tpu.memory_space<hbm>> -> memref<32xi32, #tpu.memory_space<hbm>>
        %dma_start3A_260 = tpu.memref_slice %arg3[%add3A_11] : memref<16384xi32, #tpu.memory_space<hbm>> -> memref<32xi32, #tpu.memory_space<hbm>>
        tpu.enqueue_dma source(%dma_start3A_260 : memref<32xi32, #tpu.memory_space<hbm>>) target(%arg31 : memref<32xi32, #tpu.memory_space<vmem>>) target_semaphore(%run_scoped3A_258 : memref<!tpu.dma_semaphore, #tpu.memory_space<semaphore_mem>>)
        %dma_wait3A_261 = tpu.memref_slice %arg3[%add3A_11] : memref<16384xi32, #tpu.memory_space<hbm>> -> memref<32xi32, #tpu.memory_space<hbm>>
        %dma_wait3A_262 = tpu.memref_slice %arg3[%add3A_11] : memref<16384xi32, #tpu.memory_space<hbm>> -> memref<32xi32, #tpu.memory_space<hbm>>
        tpu.wait_dma2 semaphore(%run_scoped3A_258 : memref<!tpu.dma_semaphore, #tpu.memory_space<semaphore_mem>>) src(%dma_wait3A_262 : memref<32xi32, #tpu.memory_space<hbm>>) dst(%arg31 : memref<32xi32, #tpu.memory_space<vmem>>)
        tpu.yield
      }) : () -> ()
      %run_scoped3A = arith.constant 0 : i32
      "tpu.region"() ({
        %run_scoped3A_258 = tpu.sem_alloc : memref<!tpu.dma_semaphore, #tpu.memory_space<semaphore_mem>>
        %dma_start3A_259 = arith.constant 0 : i32
        %dma_start3A_260 = tpu.memref_slice %arg32[%run_scoped3A, %dma_start3A_259] : memref<1x128xf32, #tpu.memory_space<vmem>> -> memref<1x32xf32, #tpu.memory_space<vmem>>
        %dma_start3A_261 = tpu.memref_squeeze %dma_start3A_260 : memref<1x32xf32, #tpu.memory_space<vmem>> -> memref<32xf32, #tpu.memory_space<vmem>>
        %dma_start3A_262 = tpu.memref_slice %arg5[%add3A_11] : memref<16384xf32, #tpu.memory_space<hbm>> -> memref<32xf32, #tpu.memory_space<hbm>>
        %dma_start3A_263 = arith.constant 0 : i32
        %dma_start3A_264 = tpu.memref_slice %arg32[%run_scoped3A, %dma_start3A_263] : memref<1x128xf32, #tpu.memory_space<vmem>> -> memref<1x32xf32, #tpu.memory_space<vmem>>
        %dma_start3A_265 = tpu.memref_squeeze %dma_start3A_264 : memref<1x32xf32, #tpu.memory_space<vmem>> -> memref<32xf32, #tpu.memory_space<vmem>>
        %dma_start3A_266 = tpu.memref_slice %arg5[%add3A_11] : memref<16384xf32, #tpu.memory_space<hbm>> -> memref<32xf32, #tpu.memory_space<hbm>>
        tpu.enqueue_dma source(%dma_start3A_266 : memref<32xf32, #tpu.memory_space<hbm>>) target(%dma_start3A_265 : memref<32xf32, #tpu.memory_space<vmem>>) target_semaphore(%run_scoped3A_258 : memref<!tpu.dma_semaphore, #tpu.memory_space<semaphore_mem>>)
        %dma_wait3A_267 = arith.constant 0 : i32
        %dma_wait3A_268 = tpu.memref_slice %arg32[%run_scoped3A, %dma_wait3A_267] : memref<1x128xf32, #tpu.memory_space<vmem>> -> memref<1x32xf32, #tpu.memory_space<vmem>>
        %dma_wait3A_269 = tpu.memref_squeeze %dma_wait3A_268 : memref<1x32xf32, #tpu.memory_space<vmem>> -> memref<32xf32, #tpu.memory_space<vmem>>
        %dma_wait3A_270 = tpu.memref_slice %arg5[%add3A_11] : memref<16384xf32, #tpu.memory_space<hbm>> -> memref<32xf32, #tpu.memory_space<hbm>>
        %dma_wait3A_271 = arith.constant 0 : i32
        %dma_wait3A_272 = tpu.memref_slice %arg32[%run_scoped3A, %dma_wait3A_271] : memref<1x128xf32, #tpu.memory_space<vmem>> -> memref<1x32xf32, #tpu.memory_space<vmem>>
        %dma_wait3A_273 = tpu.memref_squeeze %dma_wait3A_272 : memref<1x32xf32, #tpu.memory_space<vmem>> -> memref<32xf32, #tpu.memory_space<vmem>>
        %dma_wait3A_274 = tpu.memref_slice %arg5[%add3A_11] : memref<16384xf32, #tpu.memory_space<hbm>> -> memref<32xf32, #tpu.memory_space<hbm>>
        tpu.wait_dma2 semaphore(%run_scoped3A_258 : memref<!tpu.dma_semaphore, #tpu.memory_space<semaphore_mem>>) src(%dma_wait3A_274 : memref<32xf32, #tpu.memory_space<hbm>>) dst(%dma_wait3A_273 : memref<32xf32, #tpu.memory_space<vmem>>)
        tpu.yield
      }) : () -> ()
      %run_scoped3A_12 = arith.constant 0 : i32
      "tpu.region"() ({
        %run_scoped3A_258 = tpu.sem_alloc : memref<!tpu.dma_semaphore, #tpu.memory_space<semaphore_mem>>
        %dma_start3A_259 = arith.constant 0 : i32
        %dma_start3A_260 = tpu.memref_slice %arg33[%run_scoped3A_12, %dma_start3A_259] : memref<1x128xf32, #tpu.memory_space<vmem>> -> memref<1x32xf32, #tpu.memory_space<vmem>>
        %dma_start3A_261 = tpu.memref_squeeze %dma_start3A_260 : memref<1x32xf32, #tpu.memory_space<vmem>> -> memref<32xf32, #tpu.memory_space<vmem>>
        %dma_start3A_262 = tpu.memref_slice %arg6[%add3A_11] : memref<16384xf32, #tpu.memory_space<hbm>> -> memref<32xf32, #tpu.memory_space<hbm>>
        %dma_start3A_263 = arith.constant 0 : i32
        %dma_start3A_264 = tpu.memref_slice %arg33[%run_scoped3A_12, %dma_start3A_263] : memref<1x128xf32, #tpu.memory_space<vmem>> -> memref<1x32xf32, #tpu.memory_space<vmem>>
        %dma_start3A_265 = tpu.memref_squeeze %dma_start3A_264 : memref<1x32xf32, #tpu.memory_space<vmem>> -> memref<32xf32, #tpu.memory_space<vmem>>
        %dma_start3A_266 = tpu.memref_slice %arg6[%add3A_11] : memref<16384xf32, #tpu.memory_space<hbm>> -> memref<32xf32, #tpu.memory_space<hbm>>
        tpu.enqueue_dma source(%dma_start3A_266 : memref<32xf32, #tpu.memory_space<hbm>>) target(%dma_start3A_265 : memref<32xf32, #tpu.memory_space<vmem>>) target_semaphore(%run_scoped3A_258 : memref<!tpu.dma_semaphore, #tpu.memory_space<semaphore_mem>>)
        %dma_wait3A_267 = arith.constant 0 : i32
        %dma_wait3A_268 = tpu.memref_slice %arg33[%run_scoped3A_12, %dma_wait3A_267] : memref<1x128xf32, #tpu.memory_space<vmem>> -> memref<1x32xf32, #tpu.memory_space<vmem>>
        %dma_wait3A_269 = tpu.memref_squeeze %dma_wait3A_268 : memref<1x32xf32, #tpu.memory_space<vmem>> -> memref<32xf32, #tpu.memory_space<vmem>>
        %dma_wait3A_270 = tpu.memref_slice %arg6[%add3A_11] : memref<16384xf32, #tpu.memory_space<hbm>> -> memref<32xf32, #tpu.memory_space<hbm>>
        %dma_wait3A_271 = arith.constant 0 : i32
        %dma_wait3A_272 = tpu.memref_slice %arg33[%run_scoped3A_12, %dma_wait3A_271] : memref<1x128xf32, #tpu.memory_space<vmem>> -> memref<1x32xf32, #tpu.memory_space<vmem>>
        %dma_wait3A_273 = tpu.memref_squeeze %dma_wait3A_272 : memref<1x32xf32, #tpu.memory_space<vmem>> -> memref<32xf32, #tpu.memory_space<vmem>>
        %dma_wait3A_274 = tpu.memref_slice %arg6[%add3A_11] : memref<16384xf32, #tpu.memory_space<hbm>> -> memref<32xf32, #tpu.memory_space<hbm>>
        tpu.wait_dma2 semaphore(%run_scoped3A_258 : memref<!tpu.dma_semaphore, #tpu.memory_space<semaphore_mem>>) src(%dma_wait3A_274 : memref<32xf32, #tpu.memory_space<hbm>>) dst(%dma_wait3A_273 : memref<32xf32, #tpu.memory_space<vmem>>)
        tpu.yield
      }) : () -> ()
      %run_scoped3A_13 = arith.constant 0 : i32
      "tpu.region"() ({
        %run_scoped3A_258 = tpu.sem_alloc : memref<!tpu.dma_semaphore, #tpu.memory_space<semaphore_mem>>
        %dma_start3A_259 = arith.constant 0 : i32
        %dma_start3A_260 = tpu.memref_slice %arg34[%run_scoped3A_13, %dma_start3A_259] : memref<1x128xf32, #tpu.memory_space<vmem>> -> memref<1x32xf32, #tpu.memory_space<vmem>>
        %dma_start3A_261 = tpu.memref_squeeze %dma_start3A_260 : memref<1x32xf32, #tpu.memory_space<vmem>> -> memref<32xf32, #tpu.memory_space<vmem>>
        %dma_start3A_262 = tpu.memref_slice %arg7[%add3A_11] : memref<16384xf32, #tpu.memory_space<hbm>> -> memref<32xf32, #tpu.memory_space<hbm>>
        %dma_start3A_263 = arith.constant 0 : i32
        %dma_start3A_264 = tpu.memref_slice %arg34[%run_scoped3A_13, %dma_start3A_263] : memref<1x128xf32, #tpu.memory_space<vmem>> -> memref<1x32xf32, #tpu.memory_space<vmem>>
        %dma_start3A_265 = tpu.memref_squeeze %dma_start3A_264 : memref<1x32xf32, #tpu.memory_space<vmem>> -> memref<32xf32, #tpu.memory_space<vmem>>
        %dma_start3A_266 = tpu.memref_slice %arg7[%add3A_11] : memref<16384xf32, #tpu.memory_space<hbm>> -> memref<32xf32, #tpu.memory_space<hbm>>
        tpu.enqueue_dma source(%dma_start3A_266 : memref<32xf32, #tpu.memory_space<hbm>>) target(%dma_start3A_265 : memref<32xf32, #tpu.memory_space<vmem>>) target_semaphore(%run_scoped3A_258 : memref<!tpu.dma_semaphore, #tpu.memory_space<semaphore_mem>>)
        %dma_wait3A_267 = arith.constant 0 : i32
        %dma_wait3A_268 = tpu.memref_slice %arg34[%run_scoped3A_13, %dma_wait3A_267] : memref<1x128xf32, #tpu.memory_space<vmem>> -> memref<1x32xf32, #tpu.memory_space<vmem>>
        %dma_wait3A_269 = tpu.memref_squeeze %dma_wait3A_268 : memref<1x32xf32, #tpu.memory_space<vmem>> -> memref<32xf32, #tpu.memory_space<vmem>>
        %dma_wait3A_270 = tpu.memref_slice %arg7[%add3A_11] : memref<16384xf32, #tpu.memory_space<hbm>> -> memref<32xf32, #tpu.memory_space<hbm>>
        %dma_wait3A_271 = arith.constant 0 : i32
        %dma_wait3A_272 = tpu.memref_slice %arg34[%run_scoped3A_13, %dma_wait3A_271] : memref<1x128xf32, #tpu.memory_space<vmem>> -> memref<1x32xf32, #tpu.memory_space<vmem>>
        %dma_wait3A_273 = tpu.memref_squeeze %dma_wait3A_272 : memref<1x32xf32, #tpu.memory_space<vmem>> -> memref<32xf32, #tpu.memory_space<vmem>>
        %dma_wait3A_274 = tpu.memref_slice %arg7[%add3A_11] : memref<16384xf32, #tpu.memory_space<hbm>> -> memref<32xf32, #tpu.memory_space<hbm>>
        tpu.wait_dma2 semaphore(%run_scoped3A_258 : memref<!tpu.dma_semaphore, #tpu.memory_space<semaphore_mem>>) src(%dma_wait3A_274 : memref<32xf32, #tpu.memory_space<hbm>>) dst(%dma_wait3A_273 : memref<32xf32, #tpu.memory_space<vmem>>)
        tpu.yield
      }) : () -> ()
      %dma_start3A = arith.constant 0 : i32
      %dma_start3A_14 = arith.constant 0 : i32
      %dma_start3A_15 = tpu.memref_slice %arg8[%dma_start3A, %dma_start3A_14] : memref<100000x64xf32, #tpu.memory_space<hbm>> -> memref<100000x64xf32, #tpu.memory_space<hbm>>
      tpu.enqueue_indirect_dma source(%dma_start3A_15 : memref<100000x64xf32, #tpu.memory_space<hbm>>) target(%arg35 : memref<32x64xf32, #tpu.memory_space<vmem>>) offsets(%arg29 : memref<32xi32, #tpu.memory_space<vmem>>) semaphore(%arg76 : memref<!tpu.dma_semaphore, #tpu.memory_space<semaphore_mem>>)
      %dma_start3A_16 = arith.constant 0 : i32
      %dma_start3A_17 = arith.constant 0 : i32
      %dma_start3A_18 = tpu.memref_slice %arg8[%dma_start3A_16, %dma_start3A_17] : memref<100000x64xf32, #tpu.memory_space<hbm>> -> memref<100000x64xf32, #tpu.memory_space<hbm>>
      tpu.enqueue_indirect_dma source(%dma_start3A_18 : memref<100000x64xf32, #tpu.memory_space<hbm>>) target(%arg36 : memref<32x64xf32, #tpu.memory_space<vmem>>) offsets(%arg30 : memref<32xi32, #tpu.memory_space<vmem>>) semaphore(%arg76 : memref<!tpu.dma_semaphore, #tpu.memory_space<semaphore_mem>>)
      %dma_start3A_19 = arith.constant 0 : i32
      %dma_start3A_20 = arith.constant 0 : i32
      %dma_start3A_21 = tpu.memref_slice %arg9[%dma_start3A_19, %dma_start3A_20] : memref<500x128xf32, #tpu.memory_space<hbm>> -> memref<500x128xf32, #tpu.memory_space<hbm>>
      tpu.enqueue_indirect_dma source(%dma_start3A_21 : memref<500x128xf32, #tpu.memory_space<hbm>>) target(%arg37 : memref<32x128xf32, #tpu.memory_space<vmem>>) offsets(%arg31 : memref<32xi32, #tpu.memory_space<vmem>>) semaphore(%arg76 : memref<!tpu.dma_semaphore, #tpu.memory_space<semaphore_mem>>)
      %dma_start3A_22 = arith.constant 0 : i32
      %dma_start3A_23 = arith.constant 0 : i32
      %dma_start3A_24 = tpu.memref_slice %arg10[%dma_start3A_22, %dma_start3A_23] : memref<100000x64xf32, #tpu.memory_space<hbm>> -> memref<100000x64xf32, #tpu.memory_space<hbm>>
      tpu.enqueue_indirect_dma source(%dma_start3A_24 : memref<100000x64xf32, #tpu.memory_space<hbm>>) target(%arg38 : memref<32x64xf32, #tpu.memory_space<vmem>>) offsets(%arg29 : memref<32xi32, #tpu.memory_space<vmem>>) semaphore(%arg76 : memref<!tpu.dma_semaphore, #tpu.memory_space<semaphore_mem>>)
      %dma_start3A_25 = arith.constant 0 : i32
      %dma_start3A_26 = arith.constant 0 : i32
      %dma_start3A_27 = tpu.memref_slice %arg10[%dma_start3A_25, %dma_start3A_26] : memref<100000x64xf32, #tpu.memory_space<hbm>> -> memref<100000x64xf32, #tpu.memory_space<hbm>>
      tpu.enqueue_indirect_dma source(%dma_start3A_27 : memref<100000x64xf32, #tpu.memory_space<hbm>>) target(%arg56 : memref<32x64xf32, #tpu.memory_space<vmem>>) offsets(%arg30 : memref<32xi32, #tpu.memory_space<vmem>>) semaphore(%arg76 : memref<!tpu.dma_semaphore, #tpu.memory_space<semaphore_mem>>)
      %dma_start3A_28 = arith.constant 0 : i32
      %dma_start3A_29 = arith.constant 0 : i32
      %dma_start3A_30 = tpu.memref_slice %arg11[%dma_start3A_28, %dma_start3A_29] : memref<100000x64xf32, #tpu.memory_space<hbm>> -> memref<100000x64xf32, #tpu.memory_space<hbm>>
      tpu.enqueue_indirect_dma source(%dma_start3A_30 : memref<100000x64xf32, #tpu.memory_space<hbm>>) target(%arg39 : memref<32x64xf32, #tpu.memory_space<vmem>>) offsets(%arg29 : memref<32xi32, #tpu.memory_space<vmem>>) semaphore(%arg76 : memref<!tpu.dma_semaphore, #tpu.memory_space<semaphore_mem>>)
      %dma_start3A_31 = arith.constant 0 : i32
      %dma_start3A_32 = arith.constant 0 : i32
      %dma_start3A_33 = tpu.memref_slice %arg11[%dma_start3A_31, %dma_start3A_32] : memref<100000x64xf32, #tpu.memory_space<hbm>> -> memref<100000x64xf32, #tpu.memory_space<hbm>>
      tpu.enqueue_indirect_dma source(%dma_start3A_33 : memref<100000x64xf32, #tpu.memory_space<hbm>>) target(%arg57 : memref<32x64xf32, #tpu.memory_space<vmem>>) offsets(%arg30 : memref<32xi32, #tpu.memory_space<vmem>>) semaphore(%arg76 : memref<!tpu.dma_semaphore, #tpu.memory_space<semaphore_mem>>)
      %dma_start3A_34 = arith.constant 0 : i32
      %dma_start3A_35 = arith.constant 0 : i32
      %dma_start3A_36 = tpu.memref_slice %arg12[%dma_start3A_34, %dma_start3A_35] : memref<100000x64xf32, #tpu.memory_space<hbm>> -> memref<100000x64xf32, #tpu.memory_space<hbm>>
      tpu.enqueue_indirect_dma source(%dma_start3A_36 : memref<100000x64xf32, #tpu.memory_space<hbm>>) target(%arg40 : memref<32x64xf32, #tpu.memory_space<vmem>>) offsets(%arg29 : memref<32xi32, #tpu.memory_space<vmem>>) semaphore(%arg76 : memref<!tpu.dma_semaphore, #tpu.memory_space<semaphore_mem>>)
      %dma_start3A_37 = arith.constant 0 : i32
      %dma_start3A_38 = arith.constant 0 : i32
      %dma_start3A_39 = tpu.memref_slice %arg12[%dma_start3A_37, %dma_start3A_38] : memref<100000x64xf32, #tpu.memory_space<hbm>> -> memref<100000x64xf32, #tpu.memory_space<hbm>>
      tpu.enqueue_indirect_dma source(%dma_start3A_39 : memref<100000x64xf32, #tpu.memory_space<hbm>>) target(%arg58 : memref<32x64xf32, #tpu.memory_space<vmem>>) offsets(%arg30 : memref<32xi32, #tpu.memory_space<vmem>>) semaphore(%arg76 : memref<!tpu.dma_semaphore, #tpu.memory_space<semaphore_mem>>)
      %dma_start3A_40 = arith.constant 0 : i32
      %dma_start3A_41 = arith.constant 0 : i32
      %dma_start3A_42 = tpu.memref_slice %arg13[%dma_start3A_40, %dma_start3A_41] : memref<100000x64xf32, #tpu.memory_space<hbm>> -> memref<100000x64xf32, #tpu.memory_space<hbm>>
      tpu.enqueue_indirect_dma source(%dma_start3A_42 : memref<100000x64xf32, #tpu.memory_space<hbm>>) target(%arg41 : memref<32x64xf32, #tpu.memory_space<vmem>>) offsets(%arg29 : memref<32xi32, #tpu.memory_space<vmem>>) semaphore(%arg76 : memref<!tpu.dma_semaphore, #tpu.memory_space<semaphore_mem>>)
      %dma_start3A_43 = arith.constant 0 : i32
      %dma_start3A_44 = arith.constant 0 : i32
      %dma_start3A_45 = tpu.memref_slice %arg13[%dma_start3A_43, %dma_start3A_44] : memref<100000x64xf32, #tpu.memory_space<hbm>> -> memref<100000x64xf32, #tpu.memory_space<hbm>>
      tpu.enqueue_indirect_dma source(%dma_start3A_45 : memref<100000x64xf32, #tpu.memory_space<hbm>>) target(%arg59 : memref<32x64xf32, #tpu.memory_space<vmem>>) offsets(%arg30 : memref<32xi32, #tpu.memory_space<vmem>>) semaphore(%arg76 : memref<!tpu.dma_semaphore, #tpu.memory_space<semaphore_mem>>)
      %dma_start3A_46 = arith.constant 0 : i32
      %dma_start3A_47 = arith.constant 0 : i32
      %dma_start3A_48 = tpu.memref_slice %arg14[%dma_start3A_46, %dma_start3A_47] : memref<100000x64xf32, #tpu.memory_space<hbm>> -> memref<100000x64xf32, #tpu.memory_space<hbm>>
      tpu.enqueue_indirect_dma source(%dma_start3A_48 : memref<100000x64xf32, #tpu.memory_space<hbm>>) target(%arg42 : memref<32x64xf32, #tpu.memory_space<vmem>>) offsets(%arg29 : memref<32xi32, #tpu.memory_space<vmem>>) semaphore(%arg76 : memref<!tpu.dma_semaphore, #tpu.memory_space<semaphore_mem>>)
      %dma_start3A_49 = arith.constant 0 : i32
      %dma_start3A_50 = arith.constant 0 : i32
      %dma_start3A_51 = tpu.memref_slice %arg14[%dma_start3A_49, %dma_start3A_50] : memref<100000x64xf32, #tpu.memory_space<hbm>> -> memref<100000x64xf32, #tpu.memory_space<hbm>>
      tpu.enqueue_indirect_dma source(%dma_start3A_51 : memref<100000x64xf32, #tpu.memory_space<hbm>>) target(%arg60 : memref<32x64xf32, #tpu.memory_space<vmem>>) offsets(%arg30 : memref<32xi32, #tpu.memory_space<vmem>>) semaphore(%arg76 : memref<!tpu.dma_semaphore, #tpu.memory_space<semaphore_mem>>)
      %dma_start3A_52 = arith.constant 0 : i32
      %dma_start3A_53 = arith.constant 0 : i32
      %dma_start3A_54 = tpu.memref_slice %arg15[%dma_start3A_52, %dma_start3A_53] : memref<100000x64xf32, #tpu.memory_space<hbm>> -> memref<100000x64xf32, #tpu.memory_space<hbm>>
      tpu.enqueue_indirect_dma source(%dma_start3A_54 : memref<100000x64xf32, #tpu.memory_space<hbm>>) target(%arg43 : memref<32x64xf32, #tpu.memory_space<vmem>>) offsets(%arg29 : memref<32xi32, #tpu.memory_space<vmem>>) semaphore(%arg76 : memref<!tpu.dma_semaphore, #tpu.memory_space<semaphore_mem>>)
      %dma_start3A_55 = arith.constant 0 : i32
      %dma_start3A_56 = arith.constant 0 : i32
      %dma_start3A_57 = tpu.memref_slice %arg15[%dma_start3A_55, %dma_start3A_56] : memref<100000x64xf32, #tpu.memory_space<hbm>> -> memref<100000x64xf32, #tpu.memory_space<hbm>>
      tpu.enqueue_indirect_dma source(%dma_start3A_57 : memref<100000x64xf32, #tpu.memory_space<hbm>>) target(%arg61 : memref<32x64xf32, #tpu.memory_space<vmem>>) offsets(%arg30 : memref<32xi32, #tpu.memory_space<vmem>>) semaphore(%arg76 : memref<!tpu.dma_semaphore, #tpu.memory_space<semaphore_mem>>)
      %dma_start3A_58 = arith.constant 0 : i32
      %dma_start3A_59 = arith.constant 0 : i32
      %dma_start3A_60 = tpu.memref_slice %arg16[%dma_start3A_58, %dma_start3A_59] : memref<100000x64xf32, #tpu.memory_space<hbm>> -> memref<100000x64xf32, #tpu.memory_space<hbm>>
      tpu.enqueue_indirect_dma source(%dma_start3A_60 : memref<100000x64xf32, #tpu.memory_space<hbm>>) target(%arg44 : memref<32x64xf32, #tpu.memory_space<vmem>>) offsets(%arg29 : memref<32xi32, #tpu.memory_space<vmem>>) semaphore(%arg76 : memref<!tpu.dma_semaphore, #tpu.memory_space<semaphore_mem>>)
      %dma_start3A_61 = arith.constant 0 : i32
      %dma_start3A_62 = arith.constant 0 : i32
      %dma_start3A_63 = tpu.memref_slice %arg16[%dma_start3A_61, %dma_start3A_62] : memref<100000x64xf32, #tpu.memory_space<hbm>> -> memref<100000x64xf32, #tpu.memory_space<hbm>>
      tpu.enqueue_indirect_dma source(%dma_start3A_63 : memref<100000x64xf32, #tpu.memory_space<hbm>>) target(%arg62 : memref<32x64xf32, #tpu.memory_space<vmem>>) offsets(%arg30 : memref<32xi32, #tpu.memory_space<vmem>>) semaphore(%arg76 : memref<!tpu.dma_semaphore, #tpu.memory_space<semaphore_mem>>)
      %dma_start3A_64 = arith.constant 0 : i32
      %dma_start3A_65 = arith.constant 0 : i32
      %dma_start3A_66 = tpu.memref_slice %arg17[%dma_start3A_64, %dma_start3A_65] : memref<100000x64xf32, #tpu.memory_space<hbm>> -> memref<100000x64xf32, #tpu.memory_space<hbm>>
      tpu.enqueue_indirect_dma source(%dma_start3A_66 : memref<100000x64xf32, #tpu.memory_space<hbm>>) target(%arg45 : memref<32x64xf32, #tpu.memory_space<vmem>>) offsets(%arg29 : memref<32xi32, #tpu.memory_space<vmem>>) semaphore(%arg76 : memref<!tpu.dma_semaphore, #tpu.memory_space<semaphore_mem>>)
      %dma_start3A_67 = arith.constant 0 : i32
      %dma_start3A_68 = arith.constant 0 : i32
      %dma_start3A_69 = tpu.memref_slice %arg17[%dma_start3A_67, %dma_start3A_68] : memref<100000x64xf32, #tpu.memory_space<hbm>> -> memref<100000x64xf32, #tpu.memory_space<hbm>>
      tpu.enqueue_indirect_dma source(%dma_start3A_69 : memref<100000x64xf32, #tpu.memory_space<hbm>>) target(%arg63 : memref<32x64xf32, #tpu.memory_space<vmem>>) offsets(%arg30 : memref<32xi32, #tpu.memory_space<vmem>>) semaphore(%arg76 : memref<!tpu.dma_semaphore, #tpu.memory_space<semaphore_mem>>)
      %dma_start3A_70 = arith.constant 0 : i32
      %dma_start3A_71 = arith.constant 0 : i32
      %dma_start3A_72 = tpu.memref_slice %arg18[%dma_start3A_70, %dma_start3A_71] : memref<100000x64xf32, #tpu.memory_space<hbm>> -> memref<100000x64xf32, #tpu.memory_space<hbm>>
      tpu.enqueue_indirect_dma source(%dma_start3A_72 : memref<100000x64xf32, #tpu.memory_space<hbm>>) target(%arg46 : memref<32x64xf32, #tpu.memory_space<vmem>>) offsets(%arg29 : memref<32xi32, #tpu.memory_space<vmem>>) semaphore(%arg76 : memref<!tpu.dma_semaphore, #tpu.memory_space<semaphore_mem>>)
      %dma_start3A_73 = arith.constant 0 : i32
      %dma_start3A_74 = arith.constant 0 : i32
      %dma_start3A_75 = tpu.memref_slice %arg18[%dma_start3A_73, %dma_start3A_74] : memref<100000x64xf32, #tpu.memory_space<hbm>> -> memref<100000x64xf32, #tpu.memory_space<hbm>>
      tpu.enqueue_indirect_dma source(%dma_start3A_75 : memref<100000x64xf32, #tpu.memory_space<hbm>>) target(%arg64 : memref<32x64xf32, #tpu.memory_space<vmem>>) offsets(%arg30 : memref<32xi32, #tpu.memory_space<vmem>>) semaphore(%arg76 : memref<!tpu.dma_semaphore, #tpu.memory_space<semaphore_mem>>)
      %dma_start3A_76 = arith.constant 0 : i32
      %dma_start3A_77 = arith.constant 0 : i32
      %dma_start3A_78 = tpu.memref_slice %arg19[%dma_start3A_76, %dma_start3A_77] : memref<100000x64xf32, #tpu.memory_space<hbm>> -> memref<100000x64xf32, #tpu.memory_space<hbm>>
      tpu.enqueue_indirect_dma source(%dma_start3A_78 : memref<100000x64xf32, #tpu.memory_space<hbm>>) target(%arg47 : memref<32x64xf32, #tpu.memory_space<vmem>>) offsets(%arg29 : memref<32xi32, #tpu.memory_space<vmem>>) semaphore(%arg76 : memref<!tpu.dma_semaphore, #tpu.memory_space<semaphore_mem>>)
      %dma_start3A_79 = arith.constant 0 : i32
      %dma_start3A_80 = arith.constant 0 : i32
      %dma_start3A_81 = tpu.memref_slice %arg19[%dma_start3A_79, %dma_start3A_80] : memref<100000x64xf32, #tpu.memory_space<hbm>> -> memref<100000x64xf32, #tpu.memory_space<hbm>>
      tpu.enqueue_indirect_dma source(%dma_start3A_81 : memref<100000x64xf32, #tpu.memory_space<hbm>>) target(%arg65 : memref<32x64xf32, #tpu.memory_space<vmem>>) offsets(%arg30 : memref<32xi32, #tpu.memory_space<vmem>>) semaphore(%arg76 : memref<!tpu.dma_semaphore, #tpu.memory_space<semaphore_mem>>)
      %dma_start3A_82 = arith.constant 0 : i32
      %dma_start3A_83 = arith.constant 0 : i32
      %dma_start3A_84 = tpu.memref_slice %arg20[%dma_start3A_82, %dma_start3A_83] : memref<100000x64xf32, #tpu.memory_space<hbm>> -> memref<100000x64xf32, #tpu.memory_space<hbm>>
      tpu.enqueue_indirect_dma source(%dma_start3A_84 : memref<100000x64xf32, #tpu.memory_space<hbm>>) target(%arg48 : memref<32x64xf32, #tpu.memory_space<vmem>>) offsets(%arg29 : memref<32xi32, #tpu.memory_space<vmem>>) semaphore(%arg76 : memref<!tpu.dma_semaphore, #tpu.memory_space<semaphore_mem>>)
      %dma_start3A_85 = arith.constant 0 : i32
      %dma_start3A_86 = arith.constant 0 : i32
      %dma_start3A_87 = tpu.memref_slice %arg20[%dma_start3A_85, %dma_start3A_86] : memref<100000x64xf32, #tpu.memory_space<hbm>> -> memref<100000x64xf32, #tpu.memory_space<hbm>>
      tpu.enqueue_indirect_dma source(%dma_start3A_87 : memref<100000x64xf32, #tpu.memory_space<hbm>>) target(%arg66 : memref<32x64xf32, #tpu.memory_space<vmem>>) offsets(%arg30 : memref<32xi32, #tpu.memory_space<vmem>>) semaphore(%arg76 : memref<!tpu.dma_semaphore, #tpu.memory_space<semaphore_mem>>)
      %dma_start3A_88 = arith.constant 0 : i32
      %dma_start3A_89 = arith.constant 0 : i32
      %dma_start3A_90 = tpu.memref_slice %arg21[%dma_start3A_88, %dma_start3A_89] : memref<100000x64xf32, #tpu.memory_space<hbm>> -> memref<100000x64xf32, #tpu.memory_space<hbm>>
      tpu.enqueue_indirect_dma source(%dma_start3A_90 : memref<100000x64xf32, #tpu.memory_space<hbm>>) target(%arg49 : memref<32x64xf32, #tpu.memory_space<vmem>>) offsets(%arg29 : memref<32xi32, #tpu.memory_space<vmem>>) semaphore(%arg76 : memref<!tpu.dma_semaphore, #tpu.memory_space<semaphore_mem>>)
      %dma_start3A_91 = arith.constant 0 : i32
      %dma_start3A_92 = arith.constant 0 : i32
      %dma_start3A_93 = tpu.memref_slice %arg21[%dma_start3A_91, %dma_start3A_92] : memref<100000x64xf32, #tpu.memory_space<hbm>> -> memref<100000x64xf32, #tpu.memory_space<hbm>>
      tpu.enqueue_indirect_dma source(%dma_start3A_93 : memref<100000x64xf32, #tpu.memory_space<hbm>>) target(%arg67 : memref<32x64xf32, #tpu.memory_space<vmem>>) offsets(%arg30 : memref<32xi32, #tpu.memory_space<vmem>>) semaphore(%arg76 : memref<!tpu.dma_semaphore, #tpu.memory_space<semaphore_mem>>)
      %dma_start3A_94 = arith.constant 0 : i32
      %dma_start3A_95 = arith.constant 0 : i32
      %dma_start3A_96 = tpu.memref_slice %arg22[%dma_start3A_94, %dma_start3A_95] : memref<100000x64xf32, #tpu.memory_space<hbm>> -> memref<100000x64xf32, #tpu.memory_space<hbm>>
      tpu.enqueue_indirect_dma source(%dma_start3A_96 : memref<100000x64xf32, #tpu.memory_space<hbm>>) target(%arg50 : memref<32x64xf32, #tpu.memory_space<vmem>>) offsets(%arg29 : memref<32xi32, #tpu.memory_space<vmem>>) semaphore(%arg76 : memref<!tpu.dma_semaphore, #tpu.memory_space<semaphore_mem>>)
      %dma_start3A_97 = arith.constant 0 : i32
      %dma_start3A_98 = arith.constant 0 : i32
      %dma_start3A_99 = tpu.memref_slice %arg22[%dma_start3A_97, %dma_start3A_98] : memref<100000x64xf32, #tpu.memory_space<hbm>> -> memref<100000x64xf32, #tpu.memory_space<hbm>>
      tpu.enqueue_indirect_dma source(%dma_start3A_99 : memref<100000x64xf32, #tpu.memory_space<hbm>>) target(%arg68 : memref<32x64xf32, #tpu.memory_space<vmem>>) offsets(%arg30 : memref<32xi32, #tpu.memory_space<vmem>>) semaphore(%arg76 : memref<!tpu.dma_semaphore, #tpu.memory_space<semaphore_mem>>)
      %dma_start3A_100 = arith.constant 0 : i32
      %dma_start3A_101 = arith.constant 0 : i32
      %dma_start3A_102 = tpu.memref_slice %arg23[%dma_start3A_100, %dma_start3A_101] : memref<100000x64xf32, #tpu.memory_space<hbm>> -> memref<100000x64xf32, #tpu.memory_space<hbm>>
      tpu.enqueue_indirect_dma source(%dma_start3A_102 : memref<100000x64xf32, #tpu.memory_space<hbm>>) target(%arg51 : memref<32x64xf32, #tpu.memory_space<vmem>>) offsets(%arg29 : memref<32xi32, #tpu.memory_space<vmem>>) semaphore(%arg76 : memref<!tpu.dma_semaphore, #tpu.memory_space<semaphore_mem>>)
      %dma_start3A_103 = arith.constant 0 : i32
      %dma_start3A_104 = arith.constant 0 : i32
      %dma_start3A_105 = tpu.memref_slice %arg23[%dma_start3A_103, %dma_start3A_104] : memref<100000x64xf32, #tpu.memory_space<hbm>> -> memref<100000x64xf32, #tpu.memory_space<hbm>>
      tpu.enqueue_indirect_dma source(%dma_start3A_105 : memref<100000x64xf32, #tpu.memory_space<hbm>>) target(%arg69 : memref<32x64xf32, #tpu.memory_space<vmem>>) offsets(%arg30 : memref<32xi32, #tpu.memory_space<vmem>>) semaphore(%arg76 : memref<!tpu.dma_semaphore, #tpu.memory_space<semaphore_mem>>)
      %dma_start3A_106 = arith.constant 0 : i32
      %dma_start3A_107 = arith.constant 0 : i32
      %dma_start3A_108 = tpu.memref_slice %arg24[%dma_start3A_106, %dma_start3A_107] : memref<100000x64xf32, #tpu.memory_space<hbm>> -> memref<100000x64xf32, #tpu.memory_space<hbm>>
      tpu.enqueue_indirect_dma source(%dma_start3A_108 : memref<100000x64xf32, #tpu.memory_space<hbm>>) target(%arg52 : memref<32x64xf32, #tpu.memory_space<vmem>>) offsets(%arg29 : memref<32xi32, #tpu.memory_space<vmem>>) semaphore(%arg76 : memref<!tpu.dma_semaphore, #tpu.memory_space<semaphore_mem>>)
      %dma_start3A_109 = arith.constant 0 : i32
      %dma_start3A_110 = arith.constant 0 : i32
      %dma_start3A_111 = tpu.memref_slice %arg24[%dma_start3A_109, %dma_start3A_110] : memref<100000x64xf32, #tpu.memory_space<hbm>> -> memref<100000x64xf32, #tpu.memory_space<hbm>>
      tpu.enqueue_indirect_dma source(%dma_start3A_111 : memref<100000x64xf32, #tpu.memory_space<hbm>>) target(%arg70 : memref<32x64xf32, #tpu.memory_space<vmem>>) offsets(%arg30 : memref<32xi32, #tpu.memory_space<vmem>>) semaphore(%arg76 : memref<!tpu.dma_semaphore, #tpu.memory_space<semaphore_mem>>)
      %dma_start3A_112 = arith.constant 0 : i32
      %dma_start3A_113 = arith.constant 0 : i32
      %dma_start3A_114 = tpu.memref_slice %arg25[%dma_start3A_112, %dma_start3A_113] : memref<100000x64xf32, #tpu.memory_space<hbm>> -> memref<100000x64xf32, #tpu.memory_space<hbm>>
      tpu.enqueue_indirect_dma source(%dma_start3A_114 : memref<100000x64xf32, #tpu.memory_space<hbm>>) target(%arg53 : memref<32x64xf32, #tpu.memory_space<vmem>>) offsets(%arg29 : memref<32xi32, #tpu.memory_space<vmem>>) semaphore(%arg76 : memref<!tpu.dma_semaphore, #tpu.memory_space<semaphore_mem>>)
      %dma_start3A_115 = arith.constant 0 : i32
      %dma_start3A_116 = arith.constant 0 : i32
      %dma_start3A_117 = tpu.memref_slice %arg25[%dma_start3A_115, %dma_start3A_116] : memref<100000x64xf32, #tpu.memory_space<hbm>> -> memref<100000x64xf32, #tpu.memory_space<hbm>>
      tpu.enqueue_indirect_dma source(%dma_start3A_117 : memref<100000x64xf32, #tpu.memory_space<hbm>>) target(%arg71 : memref<32x64xf32, #tpu.memory_space<vmem>>) offsets(%arg30 : memref<32xi32, #tpu.memory_space<vmem>>) semaphore(%arg76 : memref<!tpu.dma_semaphore, #tpu.memory_space<semaphore_mem>>)
      %dma_start3A_118 = arith.constant 0 : i32
      %dma_start3A_119 = arith.constant 0 : i32
      %dma_start3A_120 = tpu.memref_slice %arg26[%dma_start3A_118, %dma_start3A_119] : memref<100000x64xf32, #tpu.memory_space<hbm>> -> memref<100000x64xf32, #tpu.memory_space<hbm>>
      tpu.enqueue_indirect_dma source(%dma_start3A_120 : memref<100000x64xf32, #tpu.memory_space<hbm>>) target(%arg54 : memref<32x64xf32, #tpu.memory_space<vmem>>) offsets(%arg29 : memref<32xi32, #tpu.memory_space<vmem>>) semaphore(%arg76 : memref<!tpu.dma_semaphore, #tpu.memory_space<semaphore_mem>>)
      %dma_start3A_121 = arith.constant 0 : i32
      %dma_start3A_122 = arith.constant 0 : i32
      %dma_start3A_123 = tpu.memref_slice %arg26[%dma_start3A_121, %dma_start3A_122] : memref<100000x64xf32, #tpu.memory_space<hbm>> -> memref<100000x64xf32, #tpu.memory_space<hbm>>
      tpu.enqueue_indirect_dma source(%dma_start3A_123 : memref<100000x64xf32, #tpu.memory_space<hbm>>) target(%arg72 : memref<32x64xf32, #tpu.memory_space<vmem>>) offsets(%arg30 : memref<32xi32, #tpu.memory_space<vmem>>) semaphore(%arg76 : memref<!tpu.dma_semaphore, #tpu.memory_space<semaphore_mem>>)
      %dma_start3A_124 = arith.constant 0 : i32
      %dma_start3A_125 = arith.constant 0 : i32
      %dma_start3A_126 = tpu.memref_slice %arg27[%dma_start3A_124, %dma_start3A_125] : memref<100000x64xf32, #tpu.memory_space<hbm>> -> memref<100000x64xf32, #tpu.memory_space<hbm>>
      tpu.enqueue_indirect_dma source(%dma_start3A_126 : memref<100000x64xf32, #tpu.memory_space<hbm>>) target(%arg55 : memref<32x64xf32, #tpu.memory_space<vmem>>) offsets(%arg29 : memref<32xi32, #tpu.memory_space<vmem>>) semaphore(%arg76 : memref<!tpu.dma_semaphore, #tpu.memory_space<semaphore_mem>>)
      %dma_start3A_127 = arith.constant 0 : i32
      %dma_start3A_128 = arith.constant 0 : i32
      %dma_start3A_129 = tpu.memref_slice %arg27[%dma_start3A_127, %dma_start3A_128] : memref<100000x64xf32, #tpu.memory_space<hbm>> -> memref<100000x64xf32, #tpu.memory_space<hbm>>
      tpu.enqueue_indirect_dma source(%dma_start3A_129 : memref<100000x64xf32, #tpu.memory_space<hbm>>) target(%arg73 : memref<32x64xf32, #tpu.memory_space<vmem>>) offsets(%arg30 : memref<32xi32, #tpu.memory_space<vmem>>) semaphore(%arg76 : memref<!tpu.dma_semaphore, #tpu.memory_space<semaphore_mem>>)
      %dma_wait3A = arith.constant 0 : i32
      %dma_wait3A_130 = arith.constant 0 : i32
      %dma_wait3A_131 = tpu.memref_slice %arg8[%dma_wait3A, %dma_wait3A_130] : memref<100000x64xf32, #tpu.memory_space<hbm>> -> memref<100000x64xf32, #tpu.memory_space<hbm>>
      tpu.wait_indirect_dma semaphore(%arg76 : memref<!tpu.dma_semaphore, #tpu.memory_space<semaphore_mem>>) src(%dma_wait3A_131 : memref<100000x64xf32, #tpu.memory_space<hbm>>) dst(%arg35 : memref<32x64xf32, #tpu.memory_space<vmem>>)
      %dma_wait3A_132 = arith.constant 0 : i32
      %dma_wait3A_133 = arith.constant 0 : i32
      %dma_wait3A_134 = tpu.memref_slice %arg8[%dma_wait3A_132, %dma_wait3A_133] : memref<100000x64xf32, #tpu.memory_space<hbm>> -> memref<100000x64xf32, #tpu.memory_space<hbm>>
      tpu.wait_indirect_dma semaphore(%arg76 : memref<!tpu.dma_semaphore, #tpu.memory_space<semaphore_mem>>) src(%dma_wait3A_134 : memref<100000x64xf32, #tpu.memory_space<hbm>>) dst(%arg36 : memref<32x64xf32, #tpu.memory_space<vmem>>)
      %dma_wait3A_135 = arith.constant 0 : i32
      %dma_wait3A_136 = arith.constant 0 : i32
      %dma_wait3A_137 = tpu.memref_slice %arg9[%dma_wait3A_135, %dma_wait3A_136] : memref<500x128xf32, #tpu.memory_space<hbm>> -> memref<500x128xf32, #tpu.memory_space<hbm>>
      tpu.wait_indirect_dma semaphore(%arg76 : memref<!tpu.dma_semaphore, #tpu.memory_space<semaphore_mem>>) src(%dma_wait3A_137 : memref<500x128xf32, #tpu.memory_space<hbm>>) dst(%arg37 : memref<32x128xf32, #tpu.memory_space<vmem>>)
      %dma_wait3A_138 = arith.constant 0 : i32
      %dma_wait3A_139 = arith.constant 0 : i32
      %dma_wait3A_140 = tpu.memref_slice %arg10[%dma_wait3A_138, %dma_wait3A_139] : memref<100000x64xf32, #tpu.memory_space<hbm>> -> memref<100000x64xf32, #tpu.memory_space<hbm>>
      tpu.wait_indirect_dma semaphore(%arg76 : memref<!tpu.dma_semaphore, #tpu.memory_space<semaphore_mem>>) src(%dma_wait3A_140 : memref<100000x64xf32, #tpu.memory_space<hbm>>) dst(%arg38 : memref<32x64xf32, #tpu.memory_space<vmem>>)
      %dma_wait3A_141 = arith.constant 0 : i32
      %dma_wait3A_142 = arith.constant 0 : i32
      %dma_wait3A_143 = tpu.memref_slice %arg10[%dma_wait3A_141, %dma_wait3A_142] : memref<100000x64xf32, #tpu.memory_space<hbm>> -> memref<100000x64xf32, #tpu.memory_space<hbm>>
      tpu.wait_indirect_dma semaphore(%arg76 : memref<!tpu.dma_semaphore, #tpu.memory_space<semaphore_mem>>) src(%dma_wait3A_143 : memref<100000x64xf32, #tpu.memory_space<hbm>>) dst(%arg56 : memref<32x64xf32, #tpu.memory_space<vmem>>)
      %dma_wait3A_144 = arith.constant 0 : i32
      %dma_wait3A_145 = arith.constant 0 : i32
      %dma_wait3A_146 = tpu.memref_slice %arg11[%dma_wait3A_144, %dma_wait3A_145] : memref<100000x64xf32, #tpu.memory_space<hbm>> -> memref<100000x64xf32, #tpu.memory_space<hbm>>
      tpu.wait_indirect_dma semaphore(%arg76 : memref<!tpu.dma_semaphore, #tpu.memory_space<semaphore_mem>>) src(%dma_wait3A_146 : memref<100000x64xf32, #tpu.memory_space<hbm>>) dst(%arg39 : memref<32x64xf32, #tpu.memory_space<vmem>>)
      %dma_wait3A_147 = arith.constant 0 : i32
      %dma_wait3A_148 = arith.constant 0 : i32
      %dma_wait3A_149 = tpu.memref_slice %arg11[%dma_wait3A_147, %dma_wait3A_148] : memref<100000x64xf32, #tpu.memory_space<hbm>> -> memref<100000x64xf32, #tpu.memory_space<hbm>>
      tpu.wait_indirect_dma semaphore(%arg76 : memref<!tpu.dma_semaphore, #tpu.memory_space<semaphore_mem>>) src(%dma_wait3A_149 : memref<100000x64xf32, #tpu.memory_space<hbm>>) dst(%arg57 : memref<32x64xf32, #tpu.memory_space<vmem>>)
      %dma_wait3A_150 = arith.constant 0 : i32
      %dma_wait3A_151 = arith.constant 0 : i32
      %dma_wait3A_152 = tpu.memref_slice %arg12[%dma_wait3A_150, %dma_wait3A_151] : memref<100000x64xf32, #tpu.memory_space<hbm>> -> memref<100000x64xf32, #tpu.memory_space<hbm>>
      tpu.wait_indirect_dma semaphore(%arg76 : memref<!tpu.dma_semaphore, #tpu.memory_space<semaphore_mem>>) src(%dma_wait3A_152 : memref<100000x64xf32, #tpu.memory_space<hbm>>) dst(%arg40 : memref<32x64xf32, #tpu.memory_space<vmem>>)
      %dma_wait3A_153 = arith.constant 0 : i32
      %dma_wait3A_154 = arith.constant 0 : i32
      %dma_wait3A_155 = tpu.memref_slice %arg12[%dma_wait3A_153, %dma_wait3A_154] : memref<100000x64xf32, #tpu.memory_space<hbm>> -> memref<100000x64xf32, #tpu.memory_space<hbm>>
      tpu.wait_indirect_dma semaphore(%arg76 : memref<!tpu.dma_semaphore, #tpu.memory_space<semaphore_mem>>) src(%dma_wait3A_155 : memref<100000x64xf32, #tpu.memory_space<hbm>>) dst(%arg58 : memref<32x64xf32, #tpu.memory_space<vmem>>)
      %dma_wait3A_156 = arith.constant 0 : i32
      %dma_wait3A_157 = arith.constant 0 : i32
      %dma_wait3A_158 = tpu.memref_slice %arg13[%dma_wait3A_156, %dma_wait3A_157] : memref<100000x64xf32, #tpu.memory_space<hbm>> -> memref<100000x64xf32, #tpu.memory_space<hbm>>
      tpu.wait_indirect_dma semaphore(%arg76 : memref<!tpu.dma_semaphore, #tpu.memory_space<semaphore_mem>>) src(%dma_wait3A_158 : memref<100000x64xf32, #tpu.memory_space<hbm>>) dst(%arg41 : memref<32x64xf32, #tpu.memory_space<vmem>>)
      %dma_wait3A_159 = arith.constant 0 : i32
      %dma_wait3A_160 = arith.constant 0 : i32
      %dma_wait3A_161 = tpu.memref_slice %arg13[%dma_wait3A_159, %dma_wait3A_160] : memref<100000x64xf32, #tpu.memory_space<hbm>> -> memref<100000x64xf32, #tpu.memory_space<hbm>>
      tpu.wait_indirect_dma semaphore(%arg76 : memref<!tpu.dma_semaphore, #tpu.memory_space<semaphore_mem>>) src(%dma_wait3A_161 : memref<100000x64xf32, #tpu.memory_space<hbm>>) dst(%arg59 : memref<32x64xf32, #tpu.memory_space<vmem>>)
      %dma_wait3A_162 = arith.constant 0 : i32
      %dma_wait3A_163 = arith.constant 0 : i32
      %dma_wait3A_164 = tpu.memref_slice %arg14[%dma_wait3A_162, %dma_wait3A_163] : memref<100000x64xf32, #tpu.memory_space<hbm>> -> memref<100000x64xf32, #tpu.memory_space<hbm>>
      tpu.wait_indirect_dma semaphore(%arg76 : memref<!tpu.dma_semaphore, #tpu.memory_space<semaphore_mem>>) src(%dma_wait3A_164 : memref<100000x64xf32, #tpu.memory_space<hbm>>) dst(%arg42 : memref<32x64xf32, #tpu.memory_space<vmem>>)
      %dma_wait3A_165 = arith.constant 0 : i32
      %dma_wait3A_166 = arith.constant 0 : i32
      %dma_wait3A_167 = tpu.memref_slice %arg14[%dma_wait3A_165, %dma_wait3A_166] : memref<100000x64xf32, #tpu.memory_space<hbm>> -> memref<100000x64xf32, #tpu.memory_space<hbm>>
      tpu.wait_indirect_dma semaphore(%arg76 : memref<!tpu.dma_semaphore, #tpu.memory_space<semaphore_mem>>) src(%dma_wait3A_167 : memref<100000x64xf32, #tpu.memory_space<hbm>>) dst(%arg60 : memref<32x64xf32, #tpu.memory_space<vmem>>)
      %dma_wait3A_168 = arith.constant 0 : i32
      %dma_wait3A_169 = arith.constant 0 : i32
      %dma_wait3A_170 = tpu.memref_slice %arg15[%dma_wait3A_168, %dma_wait3A_169] : memref<100000x64xf32, #tpu.memory_space<hbm>> -> memref<100000x64xf32, #tpu.memory_space<hbm>>
      tpu.wait_indirect_dma semaphore(%arg76 : memref<!tpu.dma_semaphore, #tpu.memory_space<semaphore_mem>>) src(%dma_wait3A_170 : memref<100000x64xf32, #tpu.memory_space<hbm>>) dst(%arg43 : memref<32x64xf32, #tpu.memory_space<vmem>>)
      %dma_wait3A_171 = arith.constant 0 : i32
      %dma_wait3A_172 = arith.constant 0 : i32
      %dma_wait3A_173 = tpu.memref_slice %arg15[%dma_wait3A_171, %dma_wait3A_172] : memref<100000x64xf32, #tpu.memory_space<hbm>> -> memref<100000x64xf32, #tpu.memory_space<hbm>>
      tpu.wait_indirect_dma semaphore(%arg76 : memref<!tpu.dma_semaphore, #tpu.memory_space<semaphore_mem>>) src(%dma_wait3A_173 : memref<100000x64xf32, #tpu.memory_space<hbm>>) dst(%arg61 : memref<32x64xf32, #tpu.memory_space<vmem>>)
      %dma_wait3A_174 = arith.constant 0 : i32
      %dma_wait3A_175 = arith.constant 0 : i32
      %dma_wait3A_176 = tpu.memref_slice %arg16[%dma_wait3A_174, %dma_wait3A_175] : memref<100000x64xf32, #tpu.memory_space<hbm>> -> memref<100000x64xf32, #tpu.memory_space<hbm>>
      tpu.wait_indirect_dma semaphore(%arg76 : memref<!tpu.dma_semaphore, #tpu.memory_space<semaphore_mem>>) src(%dma_wait3A_176 : memref<100000x64xf32, #tpu.memory_space<hbm>>) dst(%arg44 : memref<32x64xf32, #tpu.memory_space<vmem>>)
      %dma_wait3A_177 = arith.constant 0 : i32
      %dma_wait3A_178 = arith.constant 0 : i32
      %dma_wait3A_179 = tpu.memref_slice %arg16[%dma_wait3A_177, %dma_wait3A_178] : memref<100000x64xf32, #tpu.memory_space<hbm>> -> memref<100000x64xf32, #tpu.memory_space<hbm>>
      tpu.wait_indirect_dma semaphore(%arg76 : memref<!tpu.dma_semaphore, #tpu.memory_space<semaphore_mem>>) src(%dma_wait3A_179 : memref<100000x64xf32, #tpu.memory_space<hbm>>) dst(%arg62 : memref<32x64xf32, #tpu.memory_space<vmem>>)
      %dma_wait3A_180 = arith.constant 0 : i32
      %dma_wait3A_181 = arith.constant 0 : i32
      %dma_wait3A_182 = tpu.memref_slice %arg17[%dma_wait3A_180, %dma_wait3A_181] : memref<100000x64xf32, #tpu.memory_space<hbm>> -> memref<100000x64xf32, #tpu.memory_space<hbm>>
      tpu.wait_indirect_dma semaphore(%arg76 : memref<!tpu.dma_semaphore, #tpu.memory_space<semaphore_mem>>) src(%dma_wait3A_182 : memref<100000x64xf32, #tpu.memory_space<hbm>>) dst(%arg45 : memref<32x64xf32, #tpu.memory_space<vmem>>)
      %dma_wait3A_183 = arith.constant 0 : i32
      %dma_wait3A_184 = arith.constant 0 : i32
      %dma_wait3A_185 = tpu.memref_slice %arg17[%dma_wait3A_183, %dma_wait3A_184] : memref<100000x64xf32, #tpu.memory_space<hbm>> -> memref<100000x64xf32, #tpu.memory_space<hbm>>
      tpu.wait_indirect_dma semaphore(%arg76 : memref<!tpu.dma_semaphore, #tpu.memory_space<semaphore_mem>>) src(%dma_wait3A_185 : memref<100000x64xf32, #tpu.memory_space<hbm>>) dst(%arg63 : memref<32x64xf32, #tpu.memory_space<vmem>>)
      %dma_wait3A_186 = arith.constant 0 : i32
      %dma_wait3A_187 = arith.constant 0 : i32
      %dma_wait3A_188 = tpu.memref_slice %arg18[%dma_wait3A_186, %dma_wait3A_187] : memref<100000x64xf32, #tpu.memory_space<hbm>> -> memref<100000x64xf32, #tpu.memory_space<hbm>>
      tpu.wait_indirect_dma semaphore(%arg76 : memref<!tpu.dma_semaphore, #tpu.memory_space<semaphore_mem>>) src(%dma_wait3A_188 : memref<100000x64xf32, #tpu.memory_space<hbm>>) dst(%arg46 : memref<32x64xf32, #tpu.memory_space<vmem>>)
      %dma_wait3A_189 = arith.constant 0 : i32
      %dma_wait3A_190 = arith.constant 0 : i32
      %dma_wait3A_191 = tpu.memref_slice %arg18[%dma_wait3A_189, %dma_wait3A_190] : memref<100000x64xf32, #tpu.memory_space<hbm>> -> memref<100000x64xf32, #tpu.memory_space<hbm>>
      tpu.wait_indirect_dma semaphore(%arg76 : memref<!tpu.dma_semaphore, #tpu.memory_space<semaphore_mem>>) src(%dma_wait3A_191 : memref<100000x64xf32, #tpu.memory_space<hbm>>) dst(%arg64 : memref<32x64xf32, #tpu.memory_space<vmem>>)
      %dma_wait3A_192 = arith.constant 0 : i32
      %dma_wait3A_193 = arith.constant 0 : i32
      %dma_wait3A_194 = tpu.memref_slice %arg19[%dma_wait3A_192, %dma_wait3A_193] : memref<100000x64xf32, #tpu.memory_space<hbm>> -> memref<100000x64xf32, #tpu.memory_space<hbm>>
      tpu.wait_indirect_dma semaphore(%arg76 : memref<!tpu.dma_semaphore, #tpu.memory_space<semaphore_mem>>) src(%dma_wait3A_194 : memref<100000x64xf32, #tpu.memory_space<hbm>>) dst(%arg47 : memref<32x64xf32, #tpu.memory_space<vmem>>)
      %dma_wait3A_195 = arith.constant 0 : i32
      %dma_wait3A_196 = arith.constant 0 : i32
      %dma_wait3A_197 = tpu.memref_slice %arg19[%dma_wait3A_195, %dma_wait3A_196] : memref<100000x64xf32, #tpu.memory_space<hbm>> -> memref<100000x64xf32, #tpu.memory_space<hbm>>
      tpu.wait_indirect_dma semaphore(%arg76 : memref<!tpu.dma_semaphore, #tpu.memory_space<semaphore_mem>>) src(%dma_wait3A_197 : memref<100000x64xf32, #tpu.memory_space<hbm>>) dst(%arg65 : memref<32x64xf32, #tpu.memory_space<vmem>>)
      %dma_wait3A_198 = arith.constant 0 : i32
      %dma_wait3A_199 = arith.constant 0 : i32
      %dma_wait3A_200 = tpu.memref_slice %arg20[%dma_wait3A_198, %dma_wait3A_199] : memref<100000x64xf32, #tpu.memory_space<hbm>> -> memref<100000x64xf32, #tpu.memory_space<hbm>>
      tpu.wait_indirect_dma semaphore(%arg76 : memref<!tpu.dma_semaphore, #tpu.memory_space<semaphore_mem>>) src(%dma_wait3A_200 : memref<100000x64xf32, #tpu.memory_space<hbm>>) dst(%arg48 : memref<32x64xf32, #tpu.memory_space<vmem>>)
      %dma_wait3A_201 = arith.constant 0 : i32
      %dma_wait3A_202 = arith.constant 0 : i32
      %dma_wait3A_203 = tpu.memref_slice %arg20[%dma_wait3A_201, %dma_wait3A_202] : memref<100000x64xf32, #tpu.memory_space<hbm>> -> memref<100000x64xf32, #tpu.memory_space<hbm>>
      tpu.wait_indirect_dma semaphore(%arg76 : memref<!tpu.dma_semaphore, #tpu.memory_space<semaphore_mem>>) src(%dma_wait3A_203 : memref<100000x64xf32, #tpu.memory_space<hbm>>) dst(%arg66 : memref<32x64xf32, #tpu.memory_space<vmem>>)
      %dma_wait3A_204 = arith.constant 0 : i32
      %dma_wait3A_205 = arith.constant 0 : i32
      %dma_wait3A_206 = tpu.memref_slice %arg21[%dma_wait3A_204, %dma_wait3A_205] : memref<100000x64xf32, #tpu.memory_space<hbm>> -> memref<100000x64xf32, #tpu.memory_space<hbm>>
      tpu.wait_indirect_dma semaphore(%arg76 : memref<!tpu.dma_semaphore, #tpu.memory_space<semaphore_mem>>) src(%dma_wait3A_206 : memref<100000x64xf32, #tpu.memory_space<hbm>>) dst(%arg49 : memref<32x64xf32, #tpu.memory_space<vmem>>)
      %dma_wait3A_207 = arith.constant 0 : i32
      %dma_wait3A_208 = arith.constant 0 : i32
      %dma_wait3A_209 = tpu.memref_slice %arg21[%dma_wait3A_207, %dma_wait3A_208] : memref<100000x64xf32, #tpu.memory_space<hbm>> -> memref<100000x64xf32, #tpu.memory_space<hbm>>
      tpu.wait_indirect_dma semaphore(%arg76 : memref<!tpu.dma_semaphore, #tpu.memory_space<semaphore_mem>>) src(%dma_wait3A_209 : memref<100000x64xf32, #tpu.memory_space<hbm>>) dst(%arg67 : memref<32x64xf32, #tpu.memory_space<vmem>>)
      %dma_wait3A_210 = arith.constant 0 : i32
      %dma_wait3A_211 = arith.constant 0 : i32
      %dma_wait3A_212 = tpu.memref_slice %arg22[%dma_wait3A_210, %dma_wait3A_211] : memref<100000x64xf32, #tpu.memory_space<hbm>> -> memref<100000x64xf32, #tpu.memory_space<hbm>>
      tpu.wait_indirect_dma semaphore(%arg76 : memref<!tpu.dma_semaphore, #tpu.memory_space<semaphore_mem>>) src(%dma_wait3A_212 : memref<100000x64xf32, #tpu.memory_space<hbm>>) dst(%arg50 : memref<32x64xf32, #tpu.memory_space<vmem>>)
      %dma_wait3A_213 = arith.constant 0 : i32
      %dma_wait3A_214 = arith.constant 0 : i32
      %dma_wait3A_215 = tpu.memref_slice %arg22[%dma_wait3A_213, %dma_wait3A_214] : memref<100000x64xf32, #tpu.memory_space<hbm>> -> memref<100000x64xf32, #tpu.memory_space<hbm>>
      tpu.wait_indirect_dma semaphore(%arg76 : memref<!tpu.dma_semaphore, #tpu.memory_space<semaphore_mem>>) src(%dma_wait3A_215 : memref<100000x64xf32, #tpu.memory_space<hbm>>) dst(%arg68 : memref<32x64xf32, #tpu.memory_space<vmem>>)
      %dma_wait3A_216 = arith.constant 0 : i32
      %dma_wait3A_217 = arith.constant 0 : i32
      %dma_wait3A_218 = tpu.memref_slice %arg23[%dma_wait3A_216, %dma_wait3A_217] : memref<100000x64xf32, #tpu.memory_space<hbm>> -> memref<100000x64xf32, #tpu.memory_space<hbm>>
      tpu.wait_indirect_dma semaphore(%arg76 : memref<!tpu.dma_semaphore, #tpu.memory_space<semaphore_mem>>) src(%dma_wait3A_218 : memref<100000x64xf32, #tpu.memory_space<hbm>>) dst(%arg51 : memref<32x64xf32, #tpu.memory_space<vmem>>)
      %dma_wait3A_219 = arith.constant 0 : i32
      %dma_wait3A_220 = arith.constant 0 : i32
      %dma_wait3A_221 = tpu.memref_slice %arg23[%dma_wait3A_219, %dma_wait3A_220] : memref<100000x64xf32, #tpu.memory_space<hbm>> -> memref<100000x64xf32, #tpu.memory_space<hbm>>
      tpu.wait_indirect_dma semaphore(%arg76 : memref<!tpu.dma_semaphore, #tpu.memory_space<semaphore_mem>>) src(%dma_wait3A_221 : memref<100000x64xf32, #tpu.memory_space<hbm>>) dst(%arg69 : memref<32x64xf32, #tpu.memory_space<vmem>>)
      %dma_wait3A_222 = arith.constant 0 : i32
      %dma_wait3A_223 = arith.constant 0 : i32
      %dma_wait3A_224 = tpu.memref_slice %arg24[%dma_wait3A_222, %dma_wait3A_223] : memref<100000x64xf32, #tpu.memory_space<hbm>> -> memref<100000x64xf32, #tpu.memory_space<hbm>>
      tpu.wait_indirect_dma semaphore(%arg76 : memref<!tpu.dma_semaphore, #tpu.memory_space<semaphore_mem>>) src(%dma_wait3A_224 : memref<100000x64xf32, #tpu.memory_space<hbm>>) dst(%arg52 : memref<32x64xf32, #tpu.memory_space<vmem>>)
      %dma_wait3A_225 = arith.constant 0 : i32
      %dma_wait3A_226 = arith.constant 0 : i32
      %dma_wait3A_227 = tpu.memref_slice %arg24[%dma_wait3A_225, %dma_wait3A_226] : memref<100000x64xf32, #tpu.memory_space<hbm>> -> memref<100000x64xf32, #tpu.memory_space<hbm>>
      tpu.wait_indirect_dma semaphore(%arg76 : memref<!tpu.dma_semaphore, #tpu.memory_space<semaphore_mem>>) src(%dma_wait3A_227 : memref<100000x64xf32, #tpu.memory_space<hbm>>) dst(%arg70 : memref<32x64xf32, #tpu.memory_space<vmem>>)
      %dma_wait3A_228 = arith.constant 0 : i32
      %dma_wait3A_229 = arith.constant 0 : i32
      %dma_wait3A_230 = tpu.memref_slice %arg25[%dma_wait3A_228, %dma_wait3A_229] : memref<100000x64xf32, #tpu.memory_space<hbm>> -> memref<100000x64xf32, #tpu.memory_space<hbm>>
      tpu.wait_indirect_dma semaphore(%arg76 : memref<!tpu.dma_semaphore, #tpu.memory_space<semaphore_mem>>) src(%dma_wait3A_230 : memref<100000x64xf32, #tpu.memory_space<hbm>>) dst(%arg53 : memref<32x64xf32, #tpu.memory_space<vmem>>)
      %dma_wait3A_231 = arith.constant 0 : i32
      %dma_wait3A_232 = arith.constant 0 : i32
      %dma_wait3A_233 = tpu.memref_slice %arg25[%dma_wait3A_231, %dma_wait3A_232] : memref<100000x64xf32, #tpu.memory_space<hbm>> -> memref<100000x64xf32, #tpu.memory_space<hbm>>
      tpu.wait_indirect_dma semaphore(%arg76 : memref<!tpu.dma_semaphore, #tpu.memory_space<semaphore_mem>>) src(%dma_wait3A_233 : memref<100000x64xf32, #tpu.memory_space<hbm>>) dst(%arg71 : memref<32x64xf32, #tpu.memory_space<vmem>>)
      %dma_wait3A_234 = arith.constant 0 : i32
      %dma_wait3A_235 = arith.constant 0 : i32
      %dma_wait3A_236 = tpu.memref_slice %arg26[%dma_wait3A_234, %dma_wait3A_235] : memref<100000x64xf32, #tpu.memory_space<hbm>> -> memref<100000x64xf32, #tpu.memory_space<hbm>>
      tpu.wait_indirect_dma semaphore(%arg76 : memref<!tpu.dma_semaphore, #tpu.memory_space<semaphore_mem>>) src(%dma_wait3A_236 : memref<100000x64xf32, #tpu.memory_space<hbm>>) dst(%arg54 : memref<32x64xf32, #tpu.memory_space<vmem>>)
      %dma_wait3A_237 = arith.constant 0 : i32
      %dma_wait3A_238 = arith.constant 0 : i32
      %dma_wait3A_239 = tpu.memref_slice %arg26[%dma_wait3A_237, %dma_wait3A_238] : memref<100000x64xf32, #tpu.memory_space<hbm>> -> memref<100000x64xf32, #tpu.memory_space<hbm>>
      tpu.wait_indirect_dma semaphore(%arg76 : memref<!tpu.dma_semaphore, #tpu.memory_space<semaphore_mem>>) src(%dma_wait3A_239 : memref<100000x64xf32, #tpu.memory_space<hbm>>) dst(%arg72 : memref<32x64xf32, #tpu.memory_space<vmem>>)
      %dma_wait3A_240 = arith.constant 0 : i32
      %dma_wait3A_241 = arith.constant 0 : i32
      %dma_wait3A_242 = tpu.memref_slice %arg27[%dma_wait3A_240, %dma_wait3A_241] : memref<100000x64xf32, #tpu.memory_space<hbm>> -> memref<100000x64xf32, #tpu.memory_space<hbm>>
      tpu.wait_indirect_dma semaphore(%arg76 : memref<!tpu.dma_semaphore, #tpu.memory_space<semaphore_mem>>) src(%dma_wait3A_242 : memref<100000x64xf32, #tpu.memory_space<hbm>>) dst(%arg55 : memref<32x64xf32, #tpu.memory_space<vmem>>)
      %dma_wait3A_243 = arith.constant 0 : i32
      %dma_wait3A_244 = arith.constant 0 : i32
      %dma_wait3A_245 = tpu.memref_slice %arg27[%dma_wait3A_243, %dma_wait3A_244] : memref<100000x64xf32, #tpu.memory_space<hbm>> -> memref<100000x64xf32, #tpu.memory_space<hbm>>
      tpu.wait_indirect_dma semaphore(%arg76 : memref<!tpu.dma_semaphore, #tpu.memory_space<semaphore_mem>>) src(%dma_wait3A_245 : memref<100000x64xf32, #tpu.memory_space<hbm>>) dst(%arg73 : memref<32x64xf32, #tpu.memory_space<vmem>>)
      %scan3A_246 = arith.constant 0 : i32
      %scan3A_247 = arith.constant 0 : i32
      %scan3A_248 = arith.constant 32 : i32
      %scan3A_249 = arith.addi %scan3A_247, %scan3A_248 : i32
      %scan3A_250 = arith.constant 1 : i32
      scf.for %scan3A_258 = %scan3A_247 to %scan3A_249 step %scan3A_250  : i32 {
        %broadcast_in_dim3A = vector.broadcast %scan3A_258 : i32 to vector<16xi32>
        %broadcast_in_dim3A_259 = arith.constant 0 : i32
        %broadcast_in_dim3A_260 = vector.broadcast %broadcast_in_dim3A_259 : i32 to vector<16xi32>
        %gather3A = tpu.vector_load_idx %arg32[%broadcast_in_dim3A_260, %broadcast_in_dim3A] : memref<1x128xf32, #tpu.memory_space<vmem>>[vector<16xi32>, vector<16xi32>], vector<16xf32>,
        %gather3A_261 = tpu.vector_load_idx %arg33[%broadcast_in_dim3A_260, %broadcast_in_dim3A] : memref<1x128xf32, #tpu.memory_space<vmem>>[vector<16xi32>, vector<16xi32>], vector<16xf32>,
        %gather3A_262 = tpu.vector_load_idx %arg34[%broadcast_in_dim3A_260, %broadcast_in_dim3A] : memref<1x128xf32, #tpu.memory_space<vmem>>[vector<16xi32>, vector<16xi32>], vector<16xf32>,
        %add3A_263 = arith.constant 0 : i32
        %add3A_264 = vector.broadcast %add3A_263 : i32 to vector<16xi32>
        %add3A_265 = arith.addi %iota3A, %add3A_264 : vector<16xi32>
        %gather3A_266 = tpu.vector_load_idx %arg35[%broadcast_in_dim3A, %add3A_265] : memref<32x64xf32, #tpu.memory_space<vmem>>[vector<16xi32>, vector<16xi32>], vector<16xf32>,
        %add3A_267 = arith.constant 0 : i32
        %add3A_268 = vector.broadcast %add3A_267 : i32 to vector<16xi32>
        %add3A_269 = arith.addi %iota3A, %add3A_268 : vector<16xi32>
        %gather3A_270 = tpu.vector_load_idx %arg36[%broadcast_in_dim3A, %add3A_269] : memref<32x64xf32, #tpu.memory_space<vmem>>[vector<16xi32>, vector<16xi32>], vector<16xf32>,
        %add3A_271 = arith.constant 0 : i32
        %add3A_272 = vector.broadcast %add3A_271 : i32 to vector<16xi32>
        %add3A_273 = arith.addi %iota3A, %add3A_272 : vector<16xi32>
        %gather3A_274 = tpu.vector_load_idx %arg37[%broadcast_in_dim3A, %add3A_273] : memref<32x128xf32, #tpu.memory_space<vmem>>[vector<16xi32>, vector<16xi32>], vector<16xf32>,
        %add3A_275 = arith.constant 64 : i32
        %add3A_276 = vector.broadcast %add3A_275 : i32 to vector<16xi32>
        %add3A_277 = arith.addi %iota3A, %add3A_276 : vector<16xi32>
        %gather3A_278 = tpu.vector_load_idx %arg37[%broadcast_in_dim3A, %add3A_277] : memref<32x128xf32, #tpu.memory_space<vmem>>[vector<16xi32>, vector<16xi32>], vector<16xf32>,
        %add3A_279 = arith.constant 0 : i32
        %add3A_280 = vector.broadcast %add3A_279 : i32 to vector<16xi32>
        %add3A_281 = arith.addi %iota3A, %add3A_280 : vector<16xi32>
        %gather3A_282 = tpu.vector_load_idx %arg38[%broadcast_in_dim3A, %add3A_281] : memref<32x64xf32, #tpu.memory_space<vmem>>[vector<16xi32>, vector<16xi32>], vector<16xf32>,
        %add3A_283 = arith.constant 0 : i32
        %add3A_284 = vector.broadcast %add3A_283 : i32 to vector<16xi32>
        %add3A_285 = arith.addi %iota3A, %add3A_284 : vector<16xi32>
        %gather3A_286 = tpu.vector_load_idx %arg39[%broadcast_in_dim3A, %add3A_285] : memref<32x64xf32, #tpu.memory_space<vmem>>[vector<16xi32>, vector<16xi32>], vector<16xf32>,
        %add3A_287 = arith.constant 0 : i32
        %add3A_288 = vector.broadcast %add3A_287 : i32 to vector<16xi32>
        %add3A_289 = arith.addi %iota3A, %add3A_288 : vector<16xi32>
        %gather3A_290 = tpu.vector_load_idx %arg40[%broadcast_in_dim3A, %add3A_289] : memref<32x64xf32, #tpu.memory_space<vmem>>[vector<16xi32>, vector<16xi32>], vector<16xf32>,
        %mul3A_291 = arith.mulf %gather3A_282, %gather3A : vector<16xf32>
        %add3A_292 = arith.addf %mul3A_291, %gather3A_286 : vector<16xf32>
        %mul3A_293 = arith.mulf %add3A_292, %add3A_292 : vector<16xf32>
        %mul3A_294 = arith.constant 2.75573188E-6 : f32
        %mul3A_295 = vector.broadcast %mul3A_294 : f32 to vector<16xf32>
        %mul3A_296 = arith.mulf %mul3A_295, %mul3A_293 : vector<16xf32>
        %add3A_297 = arith.constant -1.98412701E-4 : f32
        %add3A_298 = vector.broadcast %add3A_297 : f32 to vector<16xf32>
        %add3A_299 = arith.addf %mul3A_296, %add3A_298 : vector<16xf32>
        %mul3A_300 = arith.mulf %add3A_299, %mul3A_293 : vector<16xf32>
        %add3A_301 = arith.constant 0.00833333377 : f32
        %add3A_302 = vector.broadcast %add3A_301 : f32 to vector<16xf32>
        %add3A_303 = arith.addf %mul3A_300, %add3A_302 : vector<16xf32>
        %mul3A_304 = arith.mulf %add3A_303, %mul3A_293 : vector<16xf32>
        %add3A_305 = arith.constant -0.166666672 : f32
        %add3A_306 = vector.broadcast %add3A_305 : f32 to vector<16xf32>
        %add3A_307 = arith.addf %mul3A_304, %add3A_306 : vector<16xf32>
        %mul3A_308 = arith.mulf %add3A_307, %mul3A_293 : vector<16xf32>
        %add3A_309 = arith.constant 1.000000e+00 : f32
        %add3A_310 = vector.broadcast %add3A_309 : f32 to vector<16xf32>
        %add3A_311 = arith.addf %mul3A_308, %add3A_310 : vector<16xf32>
        %mul3A_312 = arith.mulf %add3A_292, %add3A_311 : vector<16xf32>
        %mul3A_313 = arith.mulf %gather3A_290, %mul3A_312 : vector<16xf32>
        %add3A_314 = arith.constant 0 : i32
        %add3A_315 = vector.broadcast %add3A_314 : i32 to vector<16xi32>
        %add3A_316 = arith.addi %iota3A, %add3A_315 : vector<16xi32>
        %gather3A_317 = tpu.vector_load_idx %arg41[%broadcast_in_dim3A, %add3A_316] : memref<32x64xf32, #tpu.memory_space<vmem>>[vector<16xi32>, vector<16xi32>], vector<16xf32>,
        %add3A_318 = arith.constant 0 : i32
        %add3A_319 = vector.broadcast %add3A_318 : i32 to vector<16xi32>
        %add3A_320 = arith.addi %iota3A, %add3A_319 : vector<16xi32>
        %gather3A_321 = tpu.vector_load_idx %arg42[%broadcast_in_dim3A, %add3A_320] : memref<32x64xf32, #tpu.memory_space<vmem>>[vector<16xi32>, vector<16xi32>], vector<16xf32>,
        %add3A_322 = arith.constant 0 : i32
        %add3A_323 = vector.broadcast %add3A_322 : i32 to vector<16xi32>
        %add3A_324 = arith.addi %iota3A, %add3A_323 : vector<16xi32>
        %gather3A_325 = tpu.vector_load_idx %arg43[%broadcast_in_dim3A, %add3A_324] : memref<32x64xf32, #tpu.memory_space<vmem>>[vector<16xi32>, vector<16xi32>], vector<16xf32>,
        %mul3A_326 = arith.mulf %gather3A_317, %gather3A_261 : vector<16xf32>
        %add3A_327 = arith.addf %mul3A_326, %gather3A_321 : vector<16xf32>
        %mul3A_328 = arith.mulf %add3A_327, %add3A_327 : vector<16xf32>
        %mul3A_329 = arith.constant 2.75573188E-6 : f32
        %mul3A_330 = vector.broadcast %mul3A_329 : f32 to vector<16xf32>
        %mul3A_331 = arith.mulf %mul3A_330, %mul3A_328 : vector<16xf32>
        %add3A_332 = arith.constant -1.98412701E-4 : f32
        %add3A_333 = vector.broadcast %add3A_332 : f32 to vector<16xf32>
        %add3A_334 = arith.addf %mul3A_331, %add3A_333 : vector<16xf32>
        %mul3A_335 = arith.mulf %add3A_334, %mul3A_328 : vector<16xf32>
        %add3A_336 = arith.constant 0.00833333377 : f32
        %add3A_337 = vector.broadcast %add3A_336 : f32 to vector<16xf32>
        %add3A_338 = arith.addf %mul3A_335, %add3A_337 : vector<16xf32>
        %mul3A_339 = arith.mulf %add3A_338, %mul3A_328 : vector<16xf32>
        %add3A_340 = arith.constant -0.166666672 : f32
        %add3A_341 = vector.broadcast %add3A_340 : f32 to vector<16xf32>
        %add3A_342 = arith.addf %mul3A_339, %add3A_341 : vector<16xf32>
        %mul3A_343 = arith.mulf %add3A_342, %mul3A_328 : vector<16xf32>
        %add3A_344 = arith.constant 1.000000e+00 : f32
        %add3A_345 = vector.broadcast %add3A_344 : f32 to vector<16xf32>
        %add3A_346 = arith.addf %mul3A_343, %add3A_345 : vector<16xf32>
        %mul3A_347 = arith.mulf %add3A_327, %add3A_346 : vector<16xf32>
        %mul3A_348 = arith.mulf %gather3A_325, %mul3A_347 : vector<16xf32>
        %add3A_349 = arith.addf %mul3A_313, %mul3A_348 : vector<16xf32>
        %add3A_350 = arith.constant 0 : i32
        %add3A_351 = vector.broadcast %add3A_350 : i32 to vector<16xi32>
        %add3A_352 = arith.addi %iota3A, %add3A_351 : vector<16xi32>
        %gather3A_353 = tpu.vector_load_idx %arg44[%broadcast_in_dim3A, %add3A_352] : memref<32x64xf32, #tpu.memory_space<vmem>>[vector<16xi32>, vector<16xi32>], vector<16xf32>,
        %add3A_354 = arith.constant 0 : i32
        %add3A_355 = vector.broadcast %add3A_354 : i32 to vector<16xi32>
        %add3A_356 = arith.addi %iota3A, %add3A_355 : vector<16xi32>
        %gather3A_357 = tpu.vector_load_idx %arg45[%broadcast_in_dim3A, %add3A_356] : memref<32x64xf32, #tpu.memory_space<vmem>>[vector<16xi32>, vector<16xi32>], vector<16xf32>,
        %add3A_358 = arith.constant 0 : i32
        %add3A_359 = vector.broadcast %add3A_358 : i32 to vector<16xi32>
        %add3A_360 = arith.addi %iota3A, %add3A_359 : vector<16xi32>
        %gather3A_361 = tpu.vector_load_idx %arg46[%broadcast_in_dim3A, %add3A_360] : memref<32x64xf32, #tpu.memory_space<vmem>>[vector<16xi32>, vector<16xi32>], vector<16xf32>,
        %mul3A_362 = arith.mulf %gather3A_353, %gather3A_262 : vector<16xf32>
        %add3A_363 = arith.addf %mul3A_362, %gather3A_357 : vector<16xf32>
        %mul3A_364 = arith.mulf %add3A_363, %add3A_363 : vector<16xf32>
        %mul3A_365 = arith.constant 2.75573188E-6 : f32
        %mul3A_366 = vector.broadcast %mul3A_365 : f32 to vector<16xf32>
        %mul3A_367 = arith.mulf %mul3A_366, %mul3A_364 : vector<16xf32>
        %add3A_368 = arith.constant -1.98412701E-4 : f32
        %add3A_369 = vector.broadcast %add3A_368 : f32 to vector<16xf32>
        %add3A_370 = arith.addf %mul3A_367, %add3A_369 : vector<16xf32>
        %mul3A_371 = arith.mulf %add3A_370, %mul3A_364 : vector<16xf32>
        %add3A_372 = arith.constant 0.00833333377 : f32
        %add3A_373 = vector.broadcast %add3A_372 : f32 to vector<16xf32>
        %add3A_374 = arith.addf %mul3A_371, %add3A_373 : vector<16xf32>
        %mul3A_375 = arith.mulf %add3A_374, %mul3A_364 : vector<16xf32>
        %add3A_376 = arith.constant -0.166666672 : f32
        %add3A_377 = vector.broadcast %add3A_376 : f32 to vector<16xf32>
        %add3A_378 = arith.addf %mul3A_375, %add3A_377 : vector<16xf32>
        %mul3A_379 = arith.mulf %add3A_378, %mul3A_364 : vector<16xf32>
        %add3A_380 = arith.constant 1.000000e+00 : f32
        %add3A_381 = vector.broadcast %add3A_380 : f32 to vector<16xf32>
        %add3A_382 = arith.addf %mul3A_379, %add3A_381 : vector<16xf32>
        %mul3A_383 = arith.mulf %add3A_363, %add3A_382 : vector<16xf32>
        %mul3A_384 = arith.mulf %gather3A_361, %mul3A_383 : vector<16xf32>
        %add3A_385 = arith.addf %add3A_349, %mul3A_384 : vector<16xf32>
        %add3A_386 = arith.constant 0 : i32
        %add3A_387 = vector.broadcast %add3A_386 : i32 to vector<16xi32>
        %add3A_388 = arith.addi %iota3A, %add3A_387 : vector<16xi32>
        %gather3A_389 = tpu.vector_load_idx %arg56[%broadcast_in_dim3A, %add3A_388] : memref<32x64xf32, #tpu.memory_space<vmem>>[vector<16xi32>, vector<16xi32>], vector<16xf32>,
        %add3A_390 = arith.constant 0 : i32
        %add3A_391 = vector.broadcast %add3A_390 : i32 to vector<16xi32>
        %add3A_392 = arith.addi %iota3A, %add3A_391 : vector<16xi32>
        %gather3A_393 = tpu.vector_load_idx %arg57[%broadcast_in_dim3A, %add3A_392] : memref<32x64xf32, #tpu.memory_space<vmem>>[vector<16xi32>, vector<16xi32>], vector<16xf32>,
        %add3A_394 = arith.constant 0 : i32
        %add3A_395 = vector.broadcast %add3A_394 : i32 to vector<16xi32>
        %add3A_396 = arith.addi %iota3A, %add3A_395 : vector<16xi32>
        %gather3A_397 = tpu.vector_load_idx %arg58[%broadcast_in_dim3A, %add3A_396] : memref<32x64xf32, #tpu.memory_space<vmem>>[vector<16xi32>, vector<16xi32>], vector<16xf32>,
        %mul3A_398 = arith.mulf %gather3A_389, %gather3A : vector<16xf32>
        %add3A_399 = arith.addf %mul3A_398, %gather3A_393 : vector<16xf32>
        %mul3A_400 = arith.mulf %add3A_399, %add3A_399 : vector<16xf32>
        %mul3A_401 = arith.constant 2.75573188E-6 : f32
        %mul3A_402 = vector.broadcast %mul3A_401 : f32 to vector<16xf32>
        %mul3A_403 = arith.mulf %mul3A_402, %mul3A_400 : vector<16xf32>
        %add3A_404 = arith.constant -1.98412701E-4 : f32
        %add3A_405 = vector.broadcast %add3A_404 : f32 to vector<16xf32>
        %add3A_406 = arith.addf %mul3A_403, %add3A_405 : vector<16xf32>
        %mul3A_407 = arith.mulf %add3A_406, %mul3A_400 : vector<16xf32>
        %add3A_408 = arith.constant 0.00833333377 : f32
        %add3A_409 = vector.broadcast %add3A_408 : f32 to vector<16xf32>
        %add3A_410 = arith.addf %mul3A_407, %add3A_409 : vector<16xf32>
        %mul3A_411 = arith.mulf %add3A_410, %mul3A_400 : vector<16xf32>
        %add3A_412 = arith.constant -0.166666672 : f32
        %add3A_413 = vector.broadcast %add3A_412 : f32 to vector<16xf32>
        %add3A_414 = arith.addf %mul3A_411, %add3A_413 : vector<16xf32>
        %mul3A_415 = arith.mulf %add3A_414, %mul3A_400 : vector<16xf32>
        %add3A_416 = arith.constant 1.000000e+00 : f32
        %add3A_417 = vector.broadcast %add3A_416 : f32 to vector<16xf32>
        %add3A_418 = arith.addf %mul3A_415, %add3A_417 : vector<16xf32>
        %mul3A_419 = arith.mulf %add3A_399, %add3A_418 : vector<16xf32>
        %mul3A_420 = arith.mulf %gather3A_397, %mul3A_419 : vector<16xf32>
        %add3A_421 = arith.constant 0 : i32
        %add3A_422 = vector.broadcast %add3A_421 : i32 to vector<16xi32>
        %add3A_423 = arith.addi %iota3A, %add3A_422 : vector<16xi32>
        %gather3A_424 = tpu.vector_load_idx %arg59[%broadcast_in_dim3A, %add3A_423] : memref<32x64xf32, #tpu.memory_space<vmem>>[vector<16xi32>, vector<16xi32>], vector<16xf32>,
        %add3A_425 = arith.constant 0 : i32
        %add3A_426 = vector.broadcast %add3A_425 : i32 to vector<16xi32>
        %add3A_427 = arith.addi %iota3A, %add3A_426 : vector<16xi32>
        %gather3A_428 = tpu.vector_load_idx %arg60[%broadcast_in_dim3A, %add3A_427] : memref<32x64xf32, #tpu.memory_space<vmem>>[vector<16xi32>, vector<16xi32>], vector<16xf32>,
        %add3A_429 = arith.constant 0 : i32
        %add3A_430 = vector.broadcast %add3A_429 : i32 to vector<16xi32>
        %add3A_431 = arith.addi %iota3A, %add3A_430 : vector<16xi32>
        %gather3A_432 = tpu.vector_load_idx %arg61[%broadcast_in_dim3A, %add3A_431] : memref<32x64xf32, #tpu.memory_space<vmem>>[vector<16xi32>, vector<16xi32>], vector<16xf32>,
        %mul3A_433 = arith.mulf %gather3A_424, %gather3A_261 : vector<16xf32>
        %add3A_434 = arith.addf %mul3A_433, %gather3A_428 : vector<16xf32>
        %mul3A_435 = arith.mulf %add3A_434, %add3A_434 : vector<16xf32>
        %mul3A_436 = arith.constant 2.75573188E-6 : f32
        %mul3A_437 = vector.broadcast %mul3A_436 : f32 to vector<16xf32>
        %mul3A_438 = arith.mulf %mul3A_437, %mul3A_435 : vector<16xf32>
        %add3A_439 = arith.constant -1.98412701E-4 : f32
        %add3A_440 = vector.broadcast %add3A_439 : f32 to vector<16xf32>
        %add3A_441 = arith.addf %mul3A_438, %add3A_440 : vector<16xf32>
        %mul3A_442 = arith.mulf %add3A_441, %mul3A_435 : vector<16xf32>
        %add3A_443 = arith.constant 0.00833333377 : f32
        %add3A_444 = vector.broadcast %add3A_443 : f32 to vector<16xf32>
        %add3A_445 = arith.addf %mul3A_442, %add3A_444 : vector<16xf32>
        %mul3A_446 = arith.mulf %add3A_445, %mul3A_435 : vector<16xf32>
        %add3A_447 = arith.constant -0.166666672 : f32
        %add3A_448 = vector.broadcast %add3A_447 : f32 to vector<16xf32>
        %add3A_449 = arith.addf %mul3A_446, %add3A_448 : vector<16xf32>
        %mul3A_450 = arith.mulf %add3A_449, %mul3A_435 : vector<16xf32>
        %add3A_451 = arith.constant 1.000000e+00 : f32
        %add3A_452 = vector.broadcast %add3A_451 : f32 to vector<16xf32>
        %add3A_453 = arith.addf %mul3A_450, %add3A_452 : vector<16xf32>
        %mul3A_454 = arith.mulf %add3A_434, %add3A_453 : vector<16xf32>
        %mul3A_455 = arith.mulf %gather3A_432, %mul3A_454 : vector<16xf32>
        %add3A_456 = arith.addf %mul3A_420, %mul3A_455 : vector<16xf32>
        %add3A_457 = arith.constant 0 : i32
        %add3A_458 = vector.broadcast %add3A_457 : i32 to vector<16xi32>
        %add3A_459 = arith.addi %iota3A, %add3A_458 : vector<16xi32>
        %gather3A_460 = tpu.vector_load_idx %arg62[%broadcast_in_dim3A, %add3A_459] : memref<32x64xf32, #tpu.memory_space<vmem>>[vector<16xi32>, vector<16xi32>], vector<16xf32>,
        %add3A_461 = arith.constant 0 : i32
        %add3A_462 = vector.broadcast %add3A_461 : i32 to vector<16xi32>
        %add3A_463 = arith.addi %iota3A, %add3A_462 : vector<16xi32>
        %gather3A_464 = tpu.vector_load_idx %arg63[%broadcast_in_dim3A, %add3A_463] : memref<32x64xf32, #tpu.memory_space<vmem>>[vector<16xi32>, vector<16xi32>], vector<16xf32>,
        %add3A_465 = arith.constant 0 : i32
        %add3A_466 = vector.broadcast %add3A_465 : i32 to vector<16xi32>
        %add3A_467 = arith.addi %iota3A, %add3A_466 : vector<16xi32>
        %gather3A_468 = tpu.vector_load_idx %arg64[%broadcast_in_dim3A, %add3A_467] : memref<32x64xf32, #tpu.memory_space<vmem>>[vector<16xi32>, vector<16xi32>], vector<16xf32>,
        %mul3A_469 = arith.mulf %gather3A_460, %gather3A_262 : vector<16xf32>
        %add3A_470 = arith.addf %mul3A_469, %gather3A_464 : vector<16xf32>
        %mul3A_471 = arith.mulf %add3A_470, %add3A_470 : vector<16xf32>
        %mul3A_472 = arith.constant 2.75573188E-6 : f32
        %mul3A_473 = vector.broadcast %mul3A_472 : f32 to vector<16xf32>
        %mul3A_474 = arith.mulf %mul3A_473, %mul3A_471 : vector<16xf32>
        %add3A_475 = arith.constant -1.98412701E-4 : f32
        %add3A_476 = vector.broadcast %add3A_475 : f32 to vector<16xf32>
        %add3A_477 = arith.addf %mul3A_474, %add3A_476 : vector<16xf32>
        %mul3A_478 = arith.mulf %add3A_477, %mul3A_471 : vector<16xf32>
        %add3A_479 = arith.constant 0.00833333377 : f32
        %add3A_480 = vector.broadcast %add3A_479 : f32 to vector<16xf32>
        %add3A_481 = arith.addf %mul3A_478, %add3A_480 : vector<16xf32>
        %mul3A_482 = arith.mulf %add3A_481, %mul3A_471 : vector<16xf32>
        %add3A_483 = arith.constant -0.166666672 : f32
        %add3A_484 = vector.broadcast %add3A_483 : f32 to vector<16xf32>
        %add3A_485 = arith.addf %mul3A_482, %add3A_484 : vector<16xf32>
        %mul3A_486 = arith.mulf %add3A_485, %mul3A_471 : vector<16xf32>
        %add3A_487 = arith.constant 1.000000e+00 : f32
        %add3A_488 = vector.broadcast %add3A_487 : f32 to vector<16xf32>
        %add3A_489 = arith.addf %mul3A_486, %add3A_488 : vector<16xf32>
        %mul3A_490 = arith.mulf %add3A_470, %add3A_489 : vector<16xf32>
        %mul3A_491 = arith.mulf %gather3A_468, %mul3A_490 : vector<16xf32>
        %add3A_492 = arith.addf %add3A_456, %mul3A_491 : vector<16xf32>
        %add3A_493 = arith.constant 0 : i32
        %add3A_494 = vector.broadcast %add3A_493 : i32 to vector<16xi32>
        %add3A_495 = arith.addi %iota3A, %add3A_494 : vector<16xi32>
        %gather3A_496 = tpu.vector_load_idx %arg47[%broadcast_in_dim3A, %add3A_495] : memref<32x64xf32, #tpu.memory_space<vmem>>[vector<16xi32>, vector<16xi32>], vector<16xf32>,
        %add3A_497 = arith.constant 0 : i32
        %add3A_498 = vector.broadcast %add3A_497 : i32 to vector<16xi32>
        %add3A_499 = arith.addi %iota3A, %add3A_498 : vector<16xi32>
        %gather3A_500 = tpu.vector_load_idx %arg48[%broadcast_in_dim3A, %add3A_499] : memref<32x64xf32, #tpu.memory_space<vmem>>[vector<16xi32>, vector<16xi32>], vector<16xf32>,
        %add3A_501 = arith.constant 0 : i32
        %add3A_502 = vector.broadcast %add3A_501 : i32 to vector<16xi32>
        %add3A_503 = arith.addi %iota3A, %add3A_502 : vector<16xi32>
        %gather3A_504 = tpu.vector_load_idx %arg49[%broadcast_in_dim3A, %add3A_503] : memref<32x64xf32, #tpu.memory_space<vmem>>[vector<16xi32>, vector<16xi32>], vector<16xf32>,
        %mul3A_505 = arith.mulf %gather3A_496, %gather3A : vector<16xf32>
        %add3A_506 = arith.addf %mul3A_505, %gather3A_500 : vector<16xf32>
        %mul3A_507 = arith.mulf %add3A_506, %add3A_506 : vector<16xf32>
        %mul3A_508 = arith.constant 2.75573188E-6 : f32
        %mul3A_509 = vector.broadcast %mul3A_508 : f32 to vector<16xf32>
        %mul3A_510 = arith.mulf %mul3A_509, %mul3A_507 : vector<16xf32>
        %add3A_511 = arith.constant -1.98412701E-4 : f32
        %add3A_512 = vector.broadcast %add3A_511 : f32 to vector<16xf32>
        %add3A_513 = arith.addf %mul3A_510, %add3A_512 : vector<16xf32>
        %mul3A_514 = arith.mulf %add3A_513, %mul3A_507 : vector<16xf32>
        %add3A_515 = arith.constant 0.00833333377 : f32
        %add3A_516 = vector.broadcast %add3A_515 : f32 to vector<16xf32>
        %add3A_517 = arith.addf %mul3A_514, %add3A_516 : vector<16xf32>
        %mul3A_518 = arith.mulf %add3A_517, %mul3A_507 : vector<16xf32>
        %add3A_519 = arith.constant -0.166666672 : f32
        %add3A_520 = vector.broadcast %add3A_519 : f32 to vector<16xf32>
        %add3A_521 = arith.addf %mul3A_518, %add3A_520 : vector<16xf32>
        %mul3A_522 = arith.mulf %add3A_521, %mul3A_507 : vector<16xf32>
        %add3A_523 = arith.constant 1.000000e+00 : f32
        %add3A_524 = vector.broadcast %add3A_523 : f32 to vector<16xf32>
        %add3A_525 = arith.addf %mul3A_522, %add3A_524 : vector<16xf32>
        %mul3A_526 = arith.mulf %add3A_506, %add3A_525 : vector<16xf32>
        %mul3A_527 = arith.mulf %gather3A_504, %mul3A_526 : vector<16xf32>
        %add3A_528 = arith.constant 0 : i32
        %add3A_529 = vector.broadcast %add3A_528 : i32 to vector<16xi32>
        %add3A_530 = arith.addi %iota3A, %add3A_529 : vector<16xi32>
        %gather3A_531 = tpu.vector_load_idx %arg50[%broadcast_in_dim3A, %add3A_530] : memref<32x64xf32, #tpu.memory_space<vmem>>[vector<16xi32>, vector<16xi32>], vector<16xf32>,
        %add3A_532 = arith.constant 0 : i32
        %add3A_533 = vector.broadcast %add3A_532 : i32 to vector<16xi32>
        %add3A_534 = arith.addi %iota3A, %add3A_533 : vector<16xi32>
        %gather3A_535 = tpu.vector_load_idx %arg51[%broadcast_in_dim3A, %add3A_534] : memref<32x64xf32, #tpu.memory_space<vmem>>[vector<16xi32>, vector<16xi32>], vector<16xf32>,
        %add3A_536 = arith.constant 0 : i32
        %add3A_537 = vector.broadcast %add3A_536 : i32 to vector<16xi32>
        %add3A_538 = arith.addi %iota3A, %add3A_537 : vector<16xi32>
        %gather3A_539 = tpu.vector_load_idx %arg52[%broadcast_in_dim3A, %add3A_538] : memref<32x64xf32, #tpu.memory_space<vmem>>[vector<16xi32>, vector<16xi32>], vector<16xf32>,
        %mul3A_540 = arith.mulf %gather3A_531, %gather3A_261 : vector<16xf32>
        %add3A_541 = arith.addf %mul3A_540, %gather3A_535 : vector<16xf32>
        %mul3A_542 = arith.mulf %add3A_541, %add3A_541 : vector<16xf32>
        %mul3A_543 = arith.constant 2.75573188E-6 : f32
        %mul3A_544 = vector.broadcast %mul3A_543 : f32 to vector<16xf32>
        %mul3A_545 = arith.mulf %mul3A_544, %mul3A_542 : vector<16xf32>
        %add3A_546 = arith.constant -1.98412701E-4 : f32
        %add3A_547 = vector.broadcast %add3A_546 : f32 to vector<16xf32>
        %add3A_548 = arith.addf %mul3A_545, %add3A_547 : vector<16xf32>
        %mul3A_549 = arith.mulf %add3A_548, %mul3A_542 : vector<16xf32>
        %add3A_550 = arith.constant 0.00833333377 : f32
        %add3A_551 = vector.broadcast %add3A_550 : f32 to vector<16xf32>
        %add3A_552 = arith.addf %mul3A_549, %add3A_551 : vector<16xf32>
        %mul3A_553 = arith.mulf %add3A_552, %mul3A_542 : vector<16xf32>
        %add3A_554 = arith.constant -0.166666672 : f32
        %add3A_555 = vector.broadcast %add3A_554 : f32 to vector<16xf32>
        %add3A_556 = arith.addf %mul3A_553, %add3A_555 : vector<16xf32>
        %mul3A_557 = arith.mulf %add3A_556, %mul3A_542 : vector<16xf32>
        %add3A_558 = arith.constant 1.000000e+00 : f32
        %add3A_559 = vector.broadcast %add3A_558 : f32 to vector<16xf32>
        %add3A_560 = arith.addf %mul3A_557, %add3A_559 : vector<16xf32>
        %mul3A_561 = arith.mulf %add3A_541, %add3A_560 : vector<16xf32>
        %mul3A_562 = arith.mulf %gather3A_539, %mul3A_561 : vector<16xf32>
        %add3A_563 = arith.addf %mul3A_527, %mul3A_562 : vector<16xf32>
        %add3A_564 = arith.constant 0 : i32
        %add3A_565 = vector.broadcast %add3A_564 : i32 to vector<16xi32>
        %add3A_566 = arith.addi %iota3A, %add3A_565 : vector<16xi32>
        %gather3A_567 = tpu.vector_load_idx %arg53[%broadcast_in_dim3A, %add3A_566] : memref<32x64xf32, #tpu.memory_space<vmem>>[vector<16xi32>, vector<16xi32>], vector<16xf32>,
        %add3A_568 = arith.constant 0 : i32
        %add3A_569 = vector.broadcast %add3A_568 : i32 to vector<16xi32>
        %add3A_570 = arith.addi %iota3A, %add3A_569 : vector<16xi32>
        %gather3A_571 = tpu.vector_load_idx %arg54[%broadcast_in_dim3A, %add3A_570] : memref<32x64xf32, #tpu.memory_space<vmem>>[vector<16xi32>, vector<16xi32>], vector<16xf32>,
        %add3A_572 = arith.constant 0 : i32
        %add3A_573 = vector.broadcast %add3A_572 : i32 to vector<16xi32>
        %add3A_574 = arith.addi %iota3A, %add3A_573 : vector<16xi32>
        %gather3A_575 = tpu.vector_load_idx %arg55[%broadcast_in_dim3A, %add3A_574] : memref<32x64xf32, #tpu.memory_space<vmem>>[vector<16xi32>, vector<16xi32>], vector<16xf32>,
        %mul3A_576 = arith.mulf %gather3A_567, %gather3A_262 : vector<16xf32>
        %add3A_577 = arith.addf %mul3A_576, %gather3A_571 : vector<16xf32>
        %mul3A_578 = arith.mulf %add3A_577, %add3A_577 : vector<16xf32>
        %mul3A_579 = arith.constant 2.75573188E-6 : f32
        %mul3A_580 = vector.broadcast %mul3A_579 : f32 to vector<16xf32>
        %mul3A_581 = arith.mulf %mul3A_580, %mul3A_578 : vector<16xf32>
        %add3A_582 = arith.constant -1.98412701E-4 : f32
        %add3A_583 = vector.broadcast %add3A_582 : f32 to vector<16xf32>
        %add3A_584 = arith.addf %mul3A_581, %add3A_583 : vector<16xf32>
        %mul3A_585 = arith.mulf %add3A_584, %mul3A_578 : vector<16xf32>
        %add3A_586 = arith.constant 0.00833333377 : f32
        %add3A_587 = vector.broadcast %add3A_586 : f32 to vector<16xf32>
        %add3A_588 = arith.addf %mul3A_585, %add3A_587 : vector<16xf32>
        %mul3A_589 = arith.mulf %add3A_588, %mul3A_578 : vector<16xf32>
        %add3A_590 = arith.constant -0.166666672 : f32
        %add3A_591 = vector.broadcast %add3A_590 : f32 to vector<16xf32>
        %add3A_592 = arith.addf %mul3A_589, %add3A_591 : vector<16xf32>
        %mul3A_593 = arith.mulf %add3A_592, %mul3A_578 : vector<16xf32>
        %add3A_594 = arith.constant 1.000000e+00 : f32
        %add3A_595 = vector.broadcast %add3A_594 : f32 to vector<16xf32>
        %add3A_596 = arith.addf %mul3A_593, %add3A_595 : vector<16xf32>
        %mul3A_597 = arith.mulf %add3A_577, %add3A_596 : vector<16xf32>
        %mul3A_598 = arith.mulf %gather3A_575, %mul3A_597 : vector<16xf32>
        %add3A_599 = arith.addf %add3A_563, %mul3A_598 : vector<16xf32>
        %add3A_600 = arith.constant 0 : i32
        %add3A_601 = vector.broadcast %add3A_600 : i32 to vector<16xi32>
        %add3A_602 = arith.addi %iota3A, %add3A_601 : vector<16xi32>
        %gather3A_603 = tpu.vector_load_idx %arg65[%broadcast_in_dim3A, %add3A_602] : memref<32x64xf32, #tpu.memory_space<vmem>>[vector<16xi32>, vector<16xi32>], vector<16xf32>,
        %add3A_604 = arith.constant 0 : i32
        %add3A_605 = vector.broadcast %add3A_604 : i32 to vector<16xi32>
        %add3A_606 = arith.addi %iota3A, %add3A_605 : vector<16xi32>
        %gather3A_607 = tpu.vector_load_idx %arg66[%broadcast_in_dim3A, %add3A_606] : memref<32x64xf32, #tpu.memory_space<vmem>>[vector<16xi32>, vector<16xi32>], vector<16xf32>,
        %add3A_608 = arith.constant 0 : i32
        %add3A_609 = vector.broadcast %add3A_608 : i32 to vector<16xi32>
        %add3A_610 = arith.addi %iota3A, %add3A_609 : vector<16xi32>
        %gather3A_611 = tpu.vector_load_idx %arg67[%broadcast_in_dim3A, %add3A_610] : memref<32x64xf32, #tpu.memory_space<vmem>>[vector<16xi32>, vector<16xi32>], vector<16xf32>,
        %mul3A_612 = arith.mulf %gather3A_603, %gather3A : vector<16xf32>
        %add3A_613 = arith.addf %mul3A_612, %gather3A_607 : vector<16xf32>
        %mul3A_614 = arith.mulf %add3A_613, %add3A_613 : vector<16xf32>
        %mul3A_615 = arith.constant 2.75573188E-6 : f32
        %mul3A_616 = vector.broadcast %mul3A_615 : f32 to vector<16xf32>
        %mul3A_617 = arith.mulf %mul3A_616, %mul3A_614 : vector<16xf32>
        %add3A_618 = arith.constant -1.98412701E-4 : f32
        %add3A_619 = vector.broadcast %add3A_618 : f32 to vector<16xf32>
        %add3A_620 = arith.addf %mul3A_617, %add3A_619 : vector<16xf32>
        %mul3A_621 = arith.mulf %add3A_620, %mul3A_614 : vector<16xf32>
        %add3A_622 = arith.constant 0.00833333377 : f32
        %add3A_623 = vector.broadcast %add3A_622 : f32 to vector<16xf32>
        %add3A_624 = arith.addf %mul3A_621, %add3A_623 : vector<16xf32>
        %mul3A_625 = arith.mulf %add3A_624, %mul3A_614 : vector<16xf32>
        %add3A_626 = arith.constant -0.166666672 : f32
        %add3A_627 = vector.broadcast %add3A_626 : f32 to vector<16xf32>
        %add3A_628 = arith.addf %mul3A_625, %add3A_627 : vector<16xf32>
        %mul3A_629 = arith.mulf %add3A_628, %mul3A_614 : vector<16xf32>
        %add3A_630 = arith.constant 1.000000e+00 : f32
        %add3A_631 = vector.broadcast %add3A_630 : f32 to vector<16xf32>
        %add3A_632 = arith.addf %mul3A_629, %add3A_631 : vector<16xf32>
        %mul3A_633 = arith.mulf %add3A_613, %add3A_632 : vector<16xf32>
        %mul3A_634 = arith.mulf %gather3A_611, %mul3A_633 : vector<16xf32>
        %add3A_635 = arith.constant 0 : i32
        %add3A_636 = vector.broadcast %add3A_635 : i32 to vector<16xi32>
        %add3A_637 = arith.addi %iota3A, %add3A_636 : vector<16xi32>
        %gather3A_638 = tpu.vector_load_idx %arg68[%broadcast_in_dim3A, %add3A_637] : memref<32x64xf32, #tpu.memory_space<vmem>>[vector<16xi32>, vector<16xi32>], vector<16xf32>,
        %add3A_639 = arith.constant 0 : i32
        %add3A_640 = vector.broadcast %add3A_639 : i32 to vector<16xi32>
        %add3A_641 = arith.addi %iota3A, %add3A_640 : vector<16xi32>
        %gather3A_642 = tpu.vector_load_idx %arg69[%broadcast_in_dim3A, %add3A_641] : memref<32x64xf32, #tpu.memory_space<vmem>>[vector<16xi32>, vector<16xi32>], vector<16xf32>,
        %add3A_643 = arith.constant 0 : i32
        %add3A_644 = vector.broadcast %add3A_643 : i32 to vector<16xi32>
        %add3A_645 = arith.addi %iota3A, %add3A_644 : vector<16xi32>
        %gather3A_646 = tpu.vector_load_idx %arg70[%broadcast_in_dim3A, %add3A_645] : memref<32x64xf32, #tpu.memory_space<vmem>>[vector<16xi32>, vector<16xi32>], vector<16xf32>,
        %mul3A_647 = arith.mulf %gather3A_638, %gather3A_261 : vector<16xf32>
        %add3A_648 = arith.addf %mul3A_647, %gather3A_642 : vector<16xf32>
        %mul3A_649 = arith.mulf %add3A_648, %add3A_648 : vector<16xf32>
        %mul3A_650 = arith.constant 2.75573188E-6 : f32
        %mul3A_651 = vector.broadcast %mul3A_650 : f32 to vector<16xf32>
        %mul3A_652 = arith.mulf %mul3A_651, %mul3A_649 : vector<16xf32>
        %add3A_653 = arith.constant -1.98412701E-4 : f32
        %add3A_654 = vector.broadcast %add3A_653 : f32 to vector<16xf32>
        %add3A_655 = arith.addf %mul3A_652, %add3A_654 : vector<16xf32>
        %mul3A_656 = arith.mulf %add3A_655, %mul3A_649 : vector<16xf32>
        %add3A_657 = arith.constant 0.00833333377 : f32
        %add3A_658 = vector.broadcast %add3A_657 : f32 to vector<16xf32>
        %add3A_659 = arith.addf %mul3A_656, %add3A_658 : vector<16xf32>
        %mul3A_660 = arith.mulf %add3A_659, %mul3A_649 : vector<16xf32>
        %add3A_661 = arith.constant -0.166666672 : f32
        %add3A_662 = vector.broadcast %add3A_661 : f32 to vector<16xf32>
        %add3A_663 = arith.addf %mul3A_660, %add3A_662 : vector<16xf32>
        %mul3A_664 = arith.mulf %add3A_663, %mul3A_649 : vector<16xf32>
        %add3A_665 = arith.constant 1.000000e+00 : f32
        %add3A_666 = vector.broadcast %add3A_665 : f32 to vector<16xf32>
        %add3A_667 = arith.addf %mul3A_664, %add3A_666 : vector<16xf32>
        %mul3A_668 = arith.mulf %add3A_648, %add3A_667 : vector<16xf32>
        %mul3A_669 = arith.mulf %gather3A_646, %mul3A_668 : vector<16xf32>
        %add3A_670 = arith.addf %mul3A_634, %mul3A_669 : vector<16xf32>
        %add3A_671 = arith.constant 0 : i32
        %add3A_672 = vector.broadcast %add3A_671 : i32 to vector<16xi32>
        %add3A_673 = arith.addi %iota3A, %add3A_672 : vector<16xi32>
        %gather3A_674 = tpu.vector_load_idx %arg71[%broadcast_in_dim3A, %add3A_673] : memref<32x64xf32, #tpu.memory_space<vmem>>[vector<16xi32>, vector<16xi32>], vector<16xf32>,
        %add3A_675 = arith.constant 0 : i32
        %add3A_676 = vector.broadcast %add3A_675 : i32 to vector<16xi32>
        %add3A_677 = arith.addi %iota3A, %add3A_676 : vector<16xi32>
        %gather3A_678 = tpu.vector_load_idx %arg72[%broadcast_in_dim3A, %add3A_677] : memref<32x64xf32, #tpu.memory_space<vmem>>[vector<16xi32>, vector<16xi32>], vector<16xf32>,
        %add3A_679 = arith.constant 0 : i32
        %add3A_680 = vector.broadcast %add3A_679 : i32 to vector<16xi32>
        %add3A_681 = arith.addi %iota3A, %add3A_680 : vector<16xi32>
        %gather3A_682 = tpu.vector_load_idx %arg73[%broadcast_in_dim3A, %add3A_681] : memref<32x64xf32, #tpu.memory_space<vmem>>[vector<16xi32>, vector<16xi32>], vector<16xf32>,
        %mul3A_683 = arith.mulf %gather3A_674, %gather3A_262 : vector<16xf32>
        %add3A_684 = arith.addf %mul3A_683, %gather3A_678 : vector<16xf32>
        %mul3A_685 = arith.mulf %add3A_684, %add3A_684 : vector<16xf32>
        %mul3A_686 = arith.constant 2.75573188E-6 : f32
        %mul3A_687 = vector.broadcast %mul3A_686 : f32 to vector<16xf32>
        %mul3A_688 = arith.mulf %mul3A_687, %mul3A_685 : vector<16xf32>
        %add3A_689 = arith.constant -1.98412701E-4 : f32
        %add3A_690 = vector.broadcast %add3A_689 : f32 to vector<16xf32>
        %add3A_691 = arith.addf %mul3A_688, %add3A_690 : vector<16xf32>
        %mul3A_692 = arith.mulf %add3A_691, %mul3A_685 : vector<16xf32>
        %add3A_693 = arith.constant 0.00833333377 : f32
        %add3A_694 = vector.broadcast %add3A_693 : f32 to vector<16xf32>
        %add3A_695 = arith.addf %mul3A_692, %add3A_694 : vector<16xf32>
        %mul3A_696 = arith.mulf %add3A_695, %mul3A_685 : vector<16xf32>
        %add3A_697 = arith.constant -0.166666672 : f32
        %add3A_698 = vector.broadcast %add3A_697 : f32 to vector<16xf32>
        %add3A_699 = arith.addf %mul3A_696, %add3A_698 : vector<16xf32>
        %mul3A_700 = arith.mulf %add3A_699, %mul3A_685 : vector<16xf32>
        %add3A_701 = arith.constant 1.000000e+00 : f32
        %add3A_702 = vector.broadcast %add3A_701 : f32 to vector<16xf32>
        %add3A_703 = arith.addf %mul3A_700, %add3A_702 : vector<16xf32>
        %mul3A_704 = arith.mulf %add3A_684, %add3A_703 : vector<16xf32>
        %mul3A_705 = arith.mulf %gather3A_682, %mul3A_704 : vector<16xf32>
        %add3A_706 = arith.addf %add3A_670, %mul3A_705 : vector<16xf32>
        %mul3A_707 = arith.mulf %gather3A_266, %gather3A_270 : vector<16xf32>
        %mul3A_708 = arith.mulf %mul3A_707, %gather3A_274 : vector<16xf32>
        %mul3A_709 = arith.constant 5.000000e-01 : f32
        %mul3A_710 = vector.broadcast %mul3A_709 : f32 to vector<16xf32>
        %mul3A_711 = arith.mulf %mul3A_710, %gather3A_278 : vector<16xf32>
        %mul3A_712 = arith.mulf %add3A_385, %add3A_706 : vector<16xf32>
        %mul3A_713 = arith.mulf %add3A_492, %add3A_599 : vector<16xf32>
        %add3A_714 = arith.addf %mul3A_712, %mul3A_713 : vector<16xf32>
        %mul3A_715 = arith.mulf %mul3A_711, %add3A_714 : vector<16xf32>
        %add3A_716 = arith.addf %mul3A_708, %mul3A_715 : vector<16xf32>
        %add3A_717 = arith.constant 16 : i32
        %add3A_718 = vector.broadcast %add3A_717 : i32 to vector<16xi32>
        %add3A_719 = arith.addi %iota3A, %add3A_718 : vector<16xi32>
        %gather3A_720 = tpu.vector_load_idx %arg35[%broadcast_in_dim3A, %add3A_719] : memref<32x64xf32, #tpu.memory_space<vmem>>[vector<16xi32>, vector<16xi32>], vector<16xf32>,
        %add3A_721 = arith.constant 16 : i32
        %add3A_722 = vector.broadcast %add3A_721 : i32 to vector<16xi32>
        %add3A_723 = arith.addi %iota3A, %add3A_722 : vector<16xi32>
        %gather3A_724 = tpu.vector_load_idx %arg36[%broadcast_in_dim3A, %add3A_723] : memref<32x64xf32, #tpu.memory_space<vmem>>[vector<16xi32>, vector<16xi32>], vector<16xf32>,
        %add3A_725 = arith.constant 16 : i32
        %add3A_726 = vector.broadcast %add3A_725 : i32 to vector<16xi32>
        %add3A_727 = arith.addi %iota3A, %add3A_726 : vector<16xi32>
        %gather3A_728 = tpu.vector_load_idx %arg37[%broadcast_in_dim3A, %add3A_727] : memref<32x128xf32, #tpu.memory_space<vmem>>[vector<16xi32>, vector<16xi32>], vector<16xf32>,
        %add3A_729 = arith.constant 80 : i32
        %add3A_730 = vector.broadcast %add3A_729 : i32 to vector<16xi32>
        %add3A_731 = arith.addi %iota3A, %add3A_730 : vector<16xi32>
        %gather3A_732 = tpu.vector_load_idx %arg37[%broadcast_in_dim3A, %add3A_731] : memref<32x128xf32, #tpu.memory_space<vmem>>[vector<16xi32>, vector<16xi32>], vector<16xf32>,
        %add3A_733 = arith.constant 16 : i32
        %add3A_734 = vector.broadcast %add3A_733 : i32 to vector<16xi32>
        %add3A_735 = arith.addi %iota3A, %add3A_734 : vector<16xi32>
        %gather3A_736 = tpu.vector_load_idx %arg38[%broadcast_in_dim3A, %add3A_735] : memref<32x64xf32, #tpu.memory_space<vmem>>[vector<16xi32>, vector<16xi32>], vector<16xf32>,
        %add3A_737 = arith.constant 16 : i32
        %add3A_738 = vector.broadcast %add3A_737 : i32 to vector<16xi32>
        %add3A_739 = arith.addi %iota3A, %add3A_738 : vector<16xi32>
        %gather3A_740 = tpu.vector_load_idx %arg39[%broadcast_in_dim3A, %add3A_739] : memref<32x64xf32, #tpu.memory_space<vmem>>[vector<16xi32>, vector<16xi32>], vector<16xf32>,
        %add3A_741 = arith.constant 16 : i32
        %add3A_742 = vector.broadcast %add3A_741 : i32 to vector<16xi32>
        %add3A_743 = arith.addi %iota3A, %add3A_742 : vector<16xi32>
        %gather3A_744 = tpu.vector_load_idx %arg40[%broadcast_in_dim3A, %add3A_743] : memref<32x64xf32, #tpu.memory_space<vmem>>[vector<16xi32>, vector<16xi32>], vector<16xf32>,
        %mul3A_745 = arith.mulf %gather3A_736, %gather3A : vector<16xf32>
        %add3A_746 = arith.addf %mul3A_745, %gather3A_740 : vector<16xf32>
        %mul3A_747 = arith.mulf %add3A_746, %add3A_746 : vector<16xf32>
        %mul3A_748 = arith.constant 2.75573188E-6 : f32
        %mul3A_749 = vector.broadcast %mul3A_748 : f32 to vector<16xf32>
        %mul3A_750 = arith.mulf %mul3A_749, %mul3A_747 : vector<16xf32>
        %add3A_751 = arith.constant -1.98412701E-4 : f32
        %add3A_752 = vector.broadcast %add3A_751 : f32 to vector<16xf32>
        %add3A_753 = arith.addf %mul3A_750, %add3A_752 : vector<16xf32>
        %mul3A_754 = arith.mulf %add3A_753, %mul3A_747 : vector<16xf32>
        %add3A_755 = arith.constant 0.00833333377 : f32
        %add3A_756 = vector.broadcast %add3A_755 : f32 to vector<16xf32>
        %add3A_757 = arith.addf %mul3A_754, %add3A_756 : vector<16xf32>
        %mul3A_758 = arith.mulf %add3A_757, %mul3A_747 : vector<16xf32>
        %add3A_759 = arith.constant -0.166666672 : f32
        %add3A_760 = vector.broadcast %add3A_759 : f32 to vector<16xf32>
        %add3A_761 = arith.addf %mul3A_758, %add3A_760 : vector<16xf32>
        %mul3A_762 = arith.mulf %add3A_761, %mul3A_747 : vector<16xf32>
        %add3A_763 = arith.constant 1.000000e+00 : f32
        %add3A_764 = vector.broadcast %add3A_763 : f32 to vector<16xf32>
        %add3A_765 = arith.addf %mul3A_762, %add3A_764 : vector<16xf32>
        %mul3A_766 = arith.mulf %add3A_746, %add3A_765 : vector<16xf32>
        %mul3A_767 = arith.mulf %gather3A_744, %mul3A_766 : vector<16xf32>
        %add3A_768 = arith.constant 16 : i32
        %add3A_769 = vector.broadcast %add3A_768 : i32 to vector<16xi32>
        %add3A_770 = arith.addi %iota3A, %add3A_769 : vector<16xi32>
        %gather3A_771 = tpu.vector_load_idx %arg41[%broadcast_in_dim3A, %add3A_770] : memref<32x64xf32, #tpu.memory_space<vmem>>[vector<16xi32>, vector<16xi32>], vector<16xf32>,
        %add3A_772 = arith.constant 16 : i32
        %add3A_773 = vector.broadcast %add3A_772 : i32 to vector<16xi32>
        %add3A_774 = arith.addi %iota3A, %add3A_773 : vector<16xi32>
        %gather3A_775 = tpu.vector_load_idx %arg42[%broadcast_in_dim3A, %add3A_774] : memref<32x64xf32, #tpu.memory_space<vmem>>[vector<16xi32>, vector<16xi32>], vector<16xf32>,
        %add3A_776 = arith.constant 16 : i32
        %add3A_777 = vector.broadcast %add3A_776 : i32 to vector<16xi32>
        %add3A_778 = arith.addi %iota3A, %add3A_777 : vector<16xi32>
        %gather3A_779 = tpu.vector_load_idx %arg43[%broadcast_in_dim3A, %add3A_778] : memref<32x64xf32, #tpu.memory_space<vmem>>[vector<16xi32>, vector<16xi32>], vector<16xf32>,
        %mul3A_780 = arith.mulf %gather3A_771, %gather3A_261 : vector<16xf32>
        %add3A_781 = arith.addf %mul3A_780, %gather3A_775 : vector<16xf32>
        %mul3A_782 = arith.mulf %add3A_781, %add3A_781 : vector<16xf32>
        %mul3A_783 = arith.constant 2.75573188E-6 : f32
        %mul3A_784 = vector.broadcast %mul3A_783 : f32 to vector<16xf32>
        %mul3A_785 = arith.mulf %mul3A_784, %mul3A_782 : vector<16xf32>
        %add3A_786 = arith.constant -1.98412701E-4 : f32
        %add3A_787 = vector.broadcast %add3A_786 : f32 to vector<16xf32>
        %add3A_788 = arith.addf %mul3A_785, %add3A_787 : vector<16xf32>
        %mul3A_789 = arith.mulf %add3A_788, %mul3A_782 : vector<16xf32>
        %add3A_790 = arith.constant 0.00833333377 : f32
        %add3A_791 = vector.broadcast %add3A_790 : f32 to vector<16xf32>
        %add3A_792 = arith.addf %mul3A_789, %add3A_791 : vector<16xf32>
        %mul3A_793 = arith.mulf %add3A_792, %mul3A_782 : vector<16xf32>
        %add3A_794 = arith.constant -0.166666672 : f32
        %add3A_795 = vector.broadcast %add3A_794 : f32 to vector<16xf32>
        %add3A_796 = arith.addf %mul3A_793, %add3A_795 : vector<16xf32>
        %mul3A_797 = arith.mulf %add3A_796, %mul3A_782 : vector<16xf32>
        %add3A_798 = arith.constant 1.000000e+00 : f32
        %add3A_799 = vector.broadcast %add3A_798 : f32 to vector<16xf32>
        %add3A_800 = arith.addf %mul3A_797, %add3A_799 : vector<16xf32>
        %mul3A_801 = arith.mulf %add3A_781, %add3A_800 : vector<16xf32>
        %mul3A_802 = arith.mulf %gather3A_779, %mul3A_801 : vector<16xf32>
        %add3A_803 = arith.addf %mul3A_767, %mul3A_802 : vector<16xf32>
        %add3A_804 = arith.constant 16 : i32
        %add3A_805 = vector.broadcast %add3A_804 : i32 to vector<16xi32>
        %add3A_806 = arith.addi %iota3A, %add3A_805 : vector<16xi32>
        %gather3A_807 = tpu.vector_load_idx %arg44[%broadcast_in_dim3A, %add3A_806] : memref<32x64xf32, #tpu.memory_space<vmem>>[vector<16xi32>, vector<16xi32>], vector<16xf32>,
        %add3A_808 = arith.constant 16 : i32
        %add3A_809 = vector.broadcast %add3A_808 : i32 to vector<16xi32>
        %add3A_810 = arith.addi %iota3A, %add3A_809 : vector<16xi32>
        %gather3A_811 = tpu.vector_load_idx %arg45[%broadcast_in_dim3A, %add3A_810] : memref<32x64xf32, #tpu.memory_space<vmem>>[vector<16xi32>, vector<16xi32>], vector<16xf32>,
        %add3A_812 = arith.constant 16 : i32
        %add3A_813 = vector.broadcast %add3A_812 : i32 to vector<16xi32>
        %add3A_814 = arith.addi %iota3A, %add3A_813 : vector<16xi32>
        %gather3A_815 = tpu.vector_load_idx %arg46[%broadcast_in_dim3A, %add3A_814] : memref<32x64xf32, #tpu.memory_space<vmem>>[vector<16xi32>, vector<16xi32>], vector<16xf32>,
        %mul3A_816 = arith.mulf %gather3A_807, %gather3A_262 : vector<16xf32>
        %add3A_817 = arith.addf %mul3A_816, %gather3A_811 : vector<16xf32>
        %mul3A_818 = arith.mulf %add3A_817, %add3A_817 : vector<16xf32>
        %mul3A_819 = arith.constant 2.75573188E-6 : f32
        %mul3A_820 = vector.broadcast %mul3A_819 : f32 to vector<16xf32>
        %mul3A_821 = arith.mulf %mul3A_820, %mul3A_818 : vector<16xf32>
        %add3A_822 = arith.constant -1.98412701E-4 : f32
        %add3A_823 = vector.broadcast %add3A_822 : f32 to vector<16xf32>
        %add3A_824 = arith.addf %mul3A_821, %add3A_823 : vector<16xf32>
        %mul3A_825 = arith.mulf %add3A_824, %mul3A_818 : vector<16xf32>
        %add3A_826 = arith.constant 0.00833333377 : f32
        %add3A_827 = vector.broadcast %add3A_826 : f32 to vector<16xf32>
        %add3A_828 = arith.addf %mul3A_825, %add3A_827 : vector<16xf32>
        %mul3A_829 = arith.mulf %add3A_828, %mul3A_818 : vector<16xf32>
        %add3A_830 = arith.constant -0.166666672 : f32
        %add3A_831 = vector.broadcast %add3A_830 : f32 to vector<16xf32>
        %add3A_832 = arith.addf %mul3A_829, %add3A_831 : vector<16xf32>
        %mul3A_833 = arith.mulf %add3A_832, %mul3A_818 : vector<16xf32>
        %add3A_834 = arith.constant 1.000000e+00 : f32
        %add3A_835 = vector.broadcast %add3A_834 : f32 to vector<16xf32>
        %add3A_836 = arith.addf %mul3A_833, %add3A_835 : vector<16xf32>
        %mul3A_837 = arith.mulf %add3A_817, %add3A_836 : vector<16xf32>
        %mul3A_838 = arith.mulf %gather3A_815, %mul3A_837 : vector<16xf32>
        %add3A_839 = arith.addf %add3A_803, %mul3A_838 : vector<16xf32>
        %add3A_840 = arith.constant 16 : i32
        %add3A_841 = vector.broadcast %add3A_840 : i32 to vector<16xi32>
        %add3A_842 = arith.addi %iota3A, %add3A_841 : vector<16xi32>
        %gather3A_843 = tpu.vector_load_idx %arg56[%broadcast_in_dim3A, %add3A_842] : memref<32x64xf32, #tpu.memory_space<vmem>>[vector<16xi32>, vector<16xi32>], vector<16xf32>,
        %add3A_844 = arith.constant 16 : i32
        %add3A_845 = vector.broadcast %add3A_844 : i32 to vector<16xi32>
        %add3A_846 = arith.addi %iota3A, %add3A_845 : vector<16xi32>
        %gather3A_847 = tpu.vector_load_idx %arg57[%broadcast_in_dim3A, %add3A_846] : memref<32x64xf32, #tpu.memory_space<vmem>>[vector<16xi32>, vector<16xi32>], vector<16xf32>,
        %add3A_848 = arith.constant 16 : i32
        %add3A_849 = vector.broadcast %add3A_848 : i32 to vector<16xi32>
        %add3A_850 = arith.addi %iota3A, %add3A_849 : vector<16xi32>
        %gather3A_851 = tpu.vector_load_idx %arg58[%broadcast_in_dim3A, %add3A_850] : memref<32x64xf32, #tpu.memory_space<vmem>>[vector<16xi32>, vector<16xi32>], vector<16xf32>,
        %mul3A_852 = arith.mulf %gather3A_843, %gather3A : vector<16xf32>
        %add3A_853 = arith.addf %mul3A_852, %gather3A_847 : vector<16xf32>
        %mul3A_854 = arith.mulf %add3A_853, %add3A_853 : vector<16xf32>
        %mul3A_855 = arith.constant 2.75573188E-6 : f32
        %mul3A_856 = vector.broadcast %mul3A_855 : f32 to vector<16xf32>
        %mul3A_857 = arith.mulf %mul3A_856, %mul3A_854 : vector<16xf32>
        %add3A_858 = arith.constant -1.98412701E-4 : f32
        %add3A_859 = vector.broadcast %add3A_858 : f32 to vector<16xf32>
        %add3A_860 = arith.addf %mul3A_857, %add3A_859 : vector<16xf32>
        %mul3A_861 = arith.mulf %add3A_860, %mul3A_854 : vector<16xf32>
        %add3A_862 = arith.constant 0.00833333377 : f32
        %add3A_863 = vector.broadcast %add3A_862 : f32 to vector<16xf32>
        %add3A_864 = arith.addf %mul3A_861, %add3A_863 : vector<16xf32>
        %mul3A_865 = arith.mulf %add3A_864, %mul3A_854 : vector<16xf32>
        %add3A_866 = arith.constant -0.166666672 : f32
        %add3A_867 = vector.broadcast %add3A_866 : f32 to vector<16xf32>
        %add3A_868 = arith.addf %mul3A_865, %add3A_867 : vector<16xf32>
        %mul3A_869 = arith.mulf %add3A_868, %mul3A_854 : vector<16xf32>
        %add3A_870 = arith.constant 1.000000e+00 : f32
        %add3A_871 = vector.broadcast %add3A_870 : f32 to vector<16xf32>
        %add3A_872 = arith.addf %mul3A_869, %add3A_871 : vector<16xf32>
        %mul3A_873 = arith.mulf %add3A_853, %add3A_872 : vector<16xf32>
        %mul3A_874 = arith.mulf %gather3A_851, %mul3A_873 : vector<16xf32>
        %add3A_875 = arith.constant 16 : i32
        %add3A_876 = vector.broadcast %add3A_875 : i32 to vector<16xi32>
        %add3A_877 = arith.addi %iota3A, %add3A_876 : vector<16xi32>
        %gather3A_878 = tpu.vector_load_idx %arg59[%broadcast_in_dim3A, %add3A_877] : memref<32x64xf32, #tpu.memory_space<vmem>>[vector<16xi32>, vector<16xi32>], vector<16xf32>,
        %add3A_879 = arith.constant 16 : i32
        %add3A_880 = vector.broadcast %add3A_879 : i32 to vector<16xi32>
        %add3A_881 = arith.addi %iota3A, %add3A_880 : vector<16xi32>
        %gather3A_882 = tpu.vector_load_idx %arg60[%broadcast_in_dim3A, %add3A_881] : memref<32x64xf32, #tpu.memory_space<vmem>>[vector<16xi32>, vector<16xi32>], vector<16xf32>,
        %add3A_883 = arith.constant 16 : i32
        %add3A_884 = vector.broadcast %add3A_883 : i32 to vector<16xi32>
        %add3A_885 = arith.addi %iota3A, %add3A_884 : vector<16xi32>
        %gather3A_886 = tpu.vector_load_idx %arg61[%broadcast_in_dim3A, %add3A_885] : memref<32x64xf32, #tpu.memory_space<vmem>>[vector<16xi32>, vector<16xi32>], vector<16xf32>,
        %mul3A_887 = arith.mulf %gather3A_878, %gather3A_261 : vector<16xf32>
        %add3A_888 = arith.addf %mul3A_887, %gather3A_882 : vector<16xf32>
        %mul3A_889 = arith.mulf %add3A_888, %add3A_888 : vector<16xf32>
        %mul3A_890 = arith.constant 2.75573188E-6 : f32
        %mul3A_891 = vector.broadcast %mul3A_890 : f32 to vector<16xf32>
        %mul3A_892 = arith.mulf %mul3A_891, %mul3A_889 : vector<16xf32>
        %add3A_893 = arith.constant -1.98412701E-4 : f32
        %add3A_894 = vector.broadcast %add3A_893 : f32 to vector<16xf32>
        %add3A_895 = arith.addf %mul3A_892, %add3A_894 : vector<16xf32>
        %mul3A_896 = arith.mulf %add3A_895, %mul3A_889 : vector<16xf32>
        %add3A_897 = arith.constant 0.00833333377 : f32
        %add3A_898 = vector.broadcast %add3A_897 : f32 to vector<16xf32>
        %add3A_899 = arith.addf %mul3A_896, %add3A_898 : vector<16xf32>
        %mul3A_900 = arith.mulf %add3A_899, %mul3A_889 : vector<16xf32>
        %add3A_901 = arith.constant -0.166666672 : f32
        %add3A_902 = vector.broadcast %add3A_901 : f32 to vector<16xf32>
        %add3A_903 = arith.addf %mul3A_900, %add3A_902 : vector<16xf32>
        %mul3A_904 = arith.mulf %add3A_903, %mul3A_889 : vector<16xf32>
        %add3A_905 = arith.constant 1.000000e+00 : f32
        %add3A_906 = vector.broadcast %add3A_905 : f32 to vector<16xf32>
        %add3A_907 = arith.addf %mul3A_904, %add3A_906 : vector<16xf32>
        %mul3A_908 = arith.mulf %add3A_888, %add3A_907 : vector<16xf32>
        %mul3A_909 = arith.mulf %gather3A_886, %mul3A_908 : vector<16xf32>
        %add3A_910 = arith.addf %mul3A_874, %mul3A_909 : vector<16xf32>
        %add3A_911 = arith.constant 16 : i32
        %add3A_912 = vector.broadcast %add3A_911 : i32 to vector<16xi32>
        %add3A_913 = arith.addi %iota3A, %add3A_912 : vector<16xi32>
        %gather3A_914 = tpu.vector_load_idx %arg62[%broadcast_in_dim3A, %add3A_913] : memref<32x64xf32, #tpu.memory_space<vmem>>[vector<16xi32>, vector<16xi32>], vector<16xf32>,
        %add3A_915 = arith.constant 16 : i32
        %add3A_916 = vector.broadcast %add3A_915 : i32 to vector<16xi32>
        %add3A_917 = arith.addi %iota3A, %add3A_916 : vector<16xi32>
        %gather3A_918 = tpu.vector_load_idx %arg63[%broadcast_in_dim3A, %add3A_917] : memref<32x64xf32, #tpu.memory_space<vmem>>[vector<16xi32>, vector<16xi32>], vector<16xf32>,
        %add3A_919 = arith.constant 16 : i32
        %add3A_920 = vector.broadcast %add3A_919 : i32 to vector<16xi32>
        %add3A_921 = arith.addi %iota3A, %add3A_920 : vector<16xi32>
        %gather3A_922 = tpu.vector_load_idx %arg64[%broadcast_in_dim3A, %add3A_921] : memref<32x64xf32, #tpu.memory_space<vmem>>[vector<16xi32>, vector<16xi32>], vector<16xf32>,
        %mul3A_923 = arith.mulf %gather3A_914, %gather3A_262 : vector<16xf32>
        %add3A_924 = arith.addf %mul3A_923, %gather3A_918 : vector<16xf32>
        %mul3A_925 = arith.mulf %add3A_924, %add3A_924 : vector<16xf32>
        %mul3A_926 = arith.constant 2.75573188E-6 : f32
        %mul3A_927 = vector.broadcast %mul3A_926 : f32 to vector<16xf32>
        %mul3A_928 = arith.mulf %mul3A_927, %mul3A_925 : vector<16xf32>
        %add3A_929 = arith.constant -1.98412701E-4 : f32
        %add3A_930 = vector.broadcast %add3A_929 : f32 to vector<16xf32>
        %add3A_931 = arith.addf %mul3A_928, %add3A_930 : vector<16xf32>
        %mul3A_932 = arith.mulf %add3A_931, %mul3A_925 : vector<16xf32>
        %add3A_933 = arith.constant 0.00833333377 : f32
        %add3A_934 = vector.broadcast %add3A_933 : f32 to vector<16xf32>
        %add3A_935 = arith.addf %mul3A_932, %add3A_934 : vector<16xf32>
        %mul3A_936 = arith.mulf %add3A_935, %mul3A_925 : vector<16xf32>
        %add3A_937 = arith.constant -0.166666672 : f32
        %add3A_938 = vector.broadcast %add3A_937 : f32 to vector<16xf32>
        %add3A_939 = arith.addf %mul3A_936, %add3A_938 : vector<16xf32>
        %mul3A_940 = arith.mulf %add3A_939, %mul3A_925 : vector<16xf32>
        %add3A_941 = arith.constant 1.000000e+00 : f32
        %add3A_942 = vector.broadcast %add3A_941 : f32 to vector<16xf32>
        %add3A_943 = arith.addf %mul3A_940, %add3A_942 : vector<16xf32>
        %mul3A_944 = arith.mulf %add3A_924, %add3A_943 : vector<16xf32>
        %mul3A_945 = arith.mulf %gather3A_922, %mul3A_944 : vector<16xf32>
        %add3A_946 = arith.addf %add3A_910, %mul3A_945 : vector<16xf32>
        %add3A_947 = arith.constant 16 : i32
        %add3A_948 = vector.broadcast %add3A_947 : i32 to vector<16xi32>
        %add3A_949 = arith.addi %iota3A, %add3A_948 : vector<16xi32>
        %gather3A_950 = tpu.vector_load_idx %arg47[%broadcast_in_dim3A, %add3A_949] : memref<32x64xf32, #tpu.memory_space<vmem>>[vector<16xi32>, vector<16xi32>], vector<16xf32>,
        %add3A_951 = arith.constant 16 : i32
        %add3A_952 = vector.broadcast %add3A_951 : i32 to vector<16xi32>
        %add3A_953 = arith.addi %iota3A, %add3A_952 : vector<16xi32>
        %gather3A_954 = tpu.vector_load_idx %arg48[%broadcast_in_dim3A, %add3A_953] : memref<32x64xf32, #tpu.memory_space<vmem>>[vector<16xi32>, vector<16xi32>], vector<16xf32>,
        %add3A_955 = arith.constant 16 : i32
        %add3A_956 = vector.broadcast %add3A_955 : i32 to vector<16xi32>
        %add3A_957 = arith.addi %iota3A, %add3A_956 : vector<16xi32>
        %gather3A_958 = tpu.vector_load_idx %arg49[%broadcast_in_dim3A, %add3A_957] : memref<32x64xf32, #tpu.memory_space<vmem>>[vector<16xi32>, vector<16xi32>], vector<16xf32>,
        %mul3A_959 = arith.mulf %gather3A_950, %gather3A : vector<16xf32>
        %add3A_960 = arith.addf %mul3A_959, %gather3A_954 : vector<16xf32>
        %mul3A_961 = arith.mulf %add3A_960, %add3A_960 : vector<16xf32>
        %mul3A_962 = arith.constant 2.75573188E-6 : f32
        %mul3A_963 = vector.broadcast %mul3A_962 : f32 to vector<16xf32>
        %mul3A_964 = arith.mulf %mul3A_963, %mul3A_961 : vector<16xf32>
        %add3A_965 = arith.constant -1.98412701E-4 : f32
        %add3A_966 = vector.broadcast %add3A_965 : f32 to vector<16xf32>
        %add3A_967 = arith.addf %mul3A_964, %add3A_966 : vector<16xf32>
        %mul3A_968 = arith.mulf %add3A_967, %mul3A_961 : vector<16xf32>
        %add3A_969 = arith.constant 0.00833333377 : f32
        %add3A_970 = vector.broadcast %add3A_969 : f32 to vector<16xf32>
        %add3A_971 = arith.addf %mul3A_968, %add3A_970 : vector<16xf32>
        %mul3A_972 = arith.mulf %add3A_971, %mul3A_961 : vector<16xf32>
        %add3A_973 = arith.constant -0.166666672 : f32
        %add3A_974 = vector.broadcast %add3A_973 : f32 to vector<16xf32>
        %add3A_975 = arith.addf %mul3A_972, %add3A_974 : vector<16xf32>
        %mul3A_976 = arith.mulf %add3A_975, %mul3A_961 : vector<16xf32>
        %add3A_977 = arith.constant 1.000000e+00 : f32
        %add3A_978 = vector.broadcast %add3A_977 : f32 to vector<16xf32>
        %add3A_979 = arith.addf %mul3A_976, %add3A_978 : vector<16xf32>
        %mul3A_980 = arith.mulf %add3A_960, %add3A_979 : vector<16xf32>
        %mul3A_981 = arith.mulf %gather3A_958, %mul3A_980 : vector<16xf32>
        %add3A_982 = arith.constant 16 : i32
        %add3A_983 = vector.broadcast %add3A_982 : i32 to vector<16xi32>
        %add3A_984 = arith.addi %iota3A, %add3A_983 : vector<16xi32>
        %gather3A_985 = tpu.vector_load_idx %arg50[%broadcast_in_dim3A, %add3A_984] : memref<32x64xf32, #tpu.memory_space<vmem>>[vector<16xi32>, vector<16xi32>], vector<16xf32>,
        %add3A_986 = arith.constant 16 : i32
        %add3A_987 = vector.broadcast %add3A_986 : i32 to vector<16xi32>
        %add3A_988 = arith.addi %iota3A, %add3A_987 : vector<16xi32>
        %gather3A_989 = tpu.vector_load_idx %arg51[%broadcast_in_dim3A, %add3A_988] : memref<32x64xf32, #tpu.memory_space<vmem>>[vector<16xi32>, vector<16xi32>], vector<16xf32>,
        %add3A_990 = arith.constant 16 : i32
        %add3A_991 = vector.broadcast %add3A_990 : i32 to vector<16xi32>
        %add3A_992 = arith.addi %iota3A, %add3A_991 : vector<16xi32>
        %gather3A_993 = tpu.vector_load_idx %arg52[%broadcast_in_dim3A, %add3A_992] : memref<32x64xf32, #tpu.memory_space<vmem>>[vector<16xi32>, vector<16xi32>], vector<16xf32>,
        %mul3A_994 = arith.mulf %gather3A_985, %gather3A_261 : vector<16xf32>
        %add3A_995 = arith.addf %mul3A_994, %gather3A_989 : vector<16xf32>
        %mul3A_996 = arith.mulf %add3A_995, %add3A_995 : vector<16xf32>
        %mul3A_997 = arith.constant 2.75573188E-6 : f32
        %mul3A_998 = vector.broadcast %mul3A_997 : f32 to vector<16xf32>
        %mul3A_999 = arith.mulf %mul3A_998, %mul3A_996 : vector<16xf32>
        %add3A_1000 = arith.constant -1.98412701E-4 : f32
        %add3A_1001 = vector.broadcast %add3A_1000 : f32 to vector<16xf32>
        %add3A_1002 = arith.addf %mul3A_999, %add3A_1001 : vector<16xf32>
        %mul3A_1003 = arith.mulf %add3A_1002, %mul3A_996 : vector<16xf32>
        %add3A_1004 = arith.constant 0.00833333377 : f32
        %add3A_1005 = vector.broadcast %add3A_1004 : f32 to vector<16xf32>
        %add3A_1006 = arith.addf %mul3A_1003, %add3A_1005 : vector<16xf32>
        %mul3A_1007 = arith.mulf %add3A_1006, %mul3A_996 : vector<16xf32>
        %add3A_1008 = arith.constant -0.166666672 : f32
        %add3A_1009 = vector.broadcast %add3A_1008 : f32 to vector<16xf32>
        %add3A_1010 = arith.addf %mul3A_1007, %add3A_1009 : vector<16xf32>
        %mul3A_1011 = arith.mulf %add3A_1010, %mul3A_996 : vector<16xf32>
        %add3A_1012 = arith.constant 1.000000e+00 : f32
        %add3A_1013 = vector.broadcast %add3A_1012 : f32 to vector<16xf32>
        %add3A_1014 = arith.addf %mul3A_1011, %add3A_1013 : vector<16xf32>
        %mul3A_1015 = arith.mulf %add3A_995, %add3A_1014 : vector<16xf32>
        %mul3A_1016 = arith.mulf %gather3A_993, %mul3A_1015 : vector<16xf32>
        %add3A_1017 = arith.addf %mul3A_981, %mul3A_1016 : vector<16xf32>
        %add3A_1018 = arith.constant 16 : i32
        %add3A_1019 = vector.broadcast %add3A_1018 : i32 to vector<16xi32>
        %add3A_1020 = arith.addi %iota3A, %add3A_1019 : vector<16xi32>
        %gather3A_1021 = tpu.vector_load_idx %arg53[%broadcast_in_dim3A, %add3A_1020] : memref<32x64xf32, #tpu.memory_space<vmem>>[vector<16xi32>, vector<16xi32>], vector<16xf32>,
        %add3A_1022 = arith.constant 16 : i32
        %add3A_1023 = vector.broadcast %add3A_1022 : i32 to vector<16xi32>
        %add3A_1024 = arith.addi %iota3A, %add3A_1023 : vector<16xi32>
        %gather3A_1025 = tpu.vector_load_idx %arg54[%broadcast_in_dim3A, %add3A_1024] : memref<32x64xf32, #tpu.memory_space<vmem>>[vector<16xi32>, vector<16xi32>], vector<16xf32>,
        %add3A_1026 = arith.constant 16 : i32
        %add3A_1027 = vector.broadcast %add3A_1026 : i32 to vector<16xi32>
        %add3A_1028 = arith.addi %iota3A, %add3A_1027 : vector<16xi32>
        %gather3A_1029 = tpu.vector_load_idx %arg55[%broadcast_in_dim3A, %add3A_1028] : memref<32x64xf32, #tpu.memory_space<vmem>>[vector<16xi32>, vector<16xi32>], vector<16xf32>,
        %mul3A_1030 = arith.mulf %gather3A_1021, %gather3A_262 : vector<16xf32>
        %add3A_1031 = arith.addf %mul3A_1030, %gather3A_1025 : vector<16xf32>
        %mul3A_1032 = arith.mulf %add3A_1031, %add3A_1031 : vector<16xf32>
        %mul3A_1033 = arith.constant 2.75573188E-6 : f32
        %mul3A_1034 = vector.broadcast %mul3A_1033 : f32 to vector<16xf32>
        %mul3A_1035 = arith.mulf %mul3A_1034, %mul3A_1032 : vector<16xf32>
        %add3A_1036 = arith.constant -1.98412701E-4 : f32
        %add3A_1037 = vector.broadcast %add3A_1036 : f32 to vector<16xf32>
        %add3A_1038 = arith.addf %mul3A_1035, %add3A_1037 : vector<16xf32>
        %mul3A_1039 = arith.mulf %add3A_1038, %mul3A_1032 : vector<16xf32>
        %add3A_1040 = arith.constant 0.00833333377 : f32
        %add3A_1041 = vector.broadcast %add3A_1040 : f32 to vector<16xf32>
        %add3A_1042 = arith.addf %mul3A_1039, %add3A_1041 : vector<16xf32>
        %mul3A_1043 = arith.mulf %add3A_1042, %mul3A_1032 : vector<16xf32>
        %add3A_1044 = arith.constant -0.166666672 : f32
        %add3A_1045 = vector.broadcast %add3A_1044 : f32 to vector<16xf32>
        %add3A_1046 = arith.addf %mul3A_1043, %add3A_1045 : vector<16xf32>
        %mul3A_1047 = arith.mulf %add3A_1046, %mul3A_1032 : vector<16xf32>
        %add3A_1048 = arith.constant 1.000000e+00 : f32
        %add3A_1049 = vector.broadcast %add3A_1048 : f32 to vector<16xf32>
        %add3A_1050 = arith.addf %mul3A_1047, %add3A_1049 : vector<16xf32>
        %mul3A_1051 = arith.mulf %add3A_1031, %add3A_1050 : vector<16xf32>
        %mul3A_1052 = arith.mulf %gather3A_1029, %mul3A_1051 : vector<16xf32>
        %add3A_1053 = arith.addf %add3A_1017, %mul3A_1052 : vector<16xf32>
        %add3A_1054 = arith.constant 16 : i32
        %add3A_1055 = vector.broadcast %add3A_1054 : i32 to vector<16xi32>
        %add3A_1056 = arith.addi %iota3A, %add3A_1055 : vector<16xi32>
        %gather3A_1057 = tpu.vector_load_idx %arg65[%broadcast_in_dim3A, %add3A_1056] : memref<32x64xf32, #tpu.memory_space<vmem>>[vector<16xi32>, vector<16xi32>], vector<16xf32>,
        %add3A_1058 = arith.constant 16 : i32
        %add3A_1059 = vector.broadcast %add3A_1058 : i32 to vector<16xi32>
        %add3A_1060 = arith.addi %iota3A, %add3A_1059 : vector<16xi32>
        %gather3A_1061 = tpu.vector_load_idx %arg66[%broadcast_in_dim3A, %add3A_1060] : memref<32x64xf32, #tpu.memory_space<vmem>>[vector<16xi32>, vector<16xi32>], vector<16xf32>,
        %add3A_1062 = arith.constant 16 : i32
        %add3A_1063 = vector.broadcast %add3A_1062 : i32 to vector<16xi32>
        %add3A_1064 = arith.addi %iota3A, %add3A_1063 : vector<16xi32>
        %gather3A_1065 = tpu.vector_load_idx %arg67[%broadcast_in_dim3A, %add3A_1064] : memref<32x64xf32, #tpu.memory_space<vmem>>[vector<16xi32>, vector<16xi32>], vector<16xf32>,
        %mul3A_1066 = arith.mulf %gather3A_1057, %gather3A : vector<16xf32>
        %add3A_1067 = arith.addf %mul3A_1066, %gather3A_1061 : vector<16xf32>
        %mul3A_1068 = arith.mulf %add3A_1067, %add3A_1067 : vector<16xf32>
        %mul3A_1069 = arith.constant 2.75573188E-6 : f32
        %mul3A_1070 = vector.broadcast %mul3A_1069 : f32 to vector<16xf32>
        %mul3A_1071 = arith.mulf %mul3A_1070, %mul3A_1068 : vector<16xf32>
        %add3A_1072 = arith.constant -1.98412701E-4 : f32
        %add3A_1073 = vector.broadcast %add3A_1072 : f32 to vector<16xf32>
        %add3A_1074 = arith.addf %mul3A_1071, %add3A_1073 : vector<16xf32>
        %mul3A_1075 = arith.mulf %add3A_1074, %mul3A_1068 : vector<16xf32>
        %add3A_1076 = arith.constant 0.00833333377 : f32
        %add3A_1077 = vector.broadcast %add3A_1076 : f32 to vector<16xf32>
        %add3A_1078 = arith.addf %mul3A_1075, %add3A_1077 : vector<16xf32>
        %mul3A_1079 = arith.mulf %add3A_1078, %mul3A_1068 : vector<16xf32>
        %add3A_1080 = arith.constant -0.166666672 : f32
        %add3A_1081 = vector.broadcast %add3A_1080 : f32 to vector<16xf32>
        %add3A_1082 = arith.addf %mul3A_1079, %add3A_1081 : vector<16xf32>
        %mul3A_1083 = arith.mulf %add3A_1082, %mul3A_1068 : vector<16xf32>
        %add3A_1084 = arith.constant 1.000000e+00 : f32
        %add3A_1085 = vector.broadcast %add3A_1084 : f32 to vector<16xf32>
        %add3A_1086 = arith.addf %mul3A_1083, %add3A_1085 : vector<16xf32>
        %mul3A_1087 = arith.mulf %add3A_1067, %add3A_1086 : vector<16xf32>
        %mul3A_1088 = arith.mulf %gather3A_1065, %mul3A_1087 : vector<16xf32>
        %add3A_1089 = arith.constant 16 : i32
        %add3A_1090 = vector.broadcast %add3A_1089 : i32 to vector<16xi32>
        %add3A_1091 = arith.addi %iota3A, %add3A_1090 : vector<16xi32>
        %gather3A_1092 = tpu.vector_load_idx %arg68[%broadcast_in_dim3A, %add3A_1091] : memref<32x64xf32, #tpu.memory_space<vmem>>[vector<16xi32>, vector<16xi32>], vector<16xf32>,
        %add3A_1093 = arith.constant 16 : i32
        %add3A_1094 = vector.broadcast %add3A_1093 : i32 to vector<16xi32>
        %add3A_1095 = arith.addi %iota3A, %add3A_1094 : vector<16xi32>
        %gather3A_1096 = tpu.vector_load_idx %arg69[%broadcast_in_dim3A, %add3A_1095] : memref<32x64xf32, #tpu.memory_space<vmem>>[vector<16xi32>, vector<16xi32>], vector<16xf32>,
        %add3A_1097 = arith.constant 16 : i32
        %add3A_1098 = vector.broadcast %add3A_1097 : i32 to vector<16xi32>
        %add3A_1099 = arith.addi %iota3A, %add3A_1098 : vector<16xi32>
        %gather3A_1100 = tpu.vector_load_idx %arg70[%broadcast_in_dim3A, %add3A_1099] : memref<32x64xf32, #tpu.memory_space<vmem>>[vector<16xi32>, vector<16xi32>], vector<16xf32>,
        %mul3A_1101 = arith.mulf %gather3A_1092, %gather3A_261 : vector<16xf32>
        %add3A_1102 = arith.addf %mul3A_1101, %gather3A_1096 : vector<16xf32>
        %mul3A_1103 = arith.mulf %add3A_1102, %add3A_1102 : vector<16xf32>
        %mul3A_1104 = arith.constant 2.75573188E-6 : f32
        %mul3A_1105 = vector.broadcast %mul3A_1104 : f32 to vector<16xf32>
        %mul3A_1106 = arith.mulf %mul3A_1105, %mul3A_1103 : vector<16xf32>
        %add3A_1107 = arith.constant -1.98412701E-4 : f32
        %add3A_1108 = vector.broadcast %add3A_1107 : f32 to vector<16xf32>
        %add3A_1109 = arith.addf %mul3A_1106, %add3A_1108 : vector<16xf32>
        %mul3A_1110 = arith.mulf %add3A_1109, %mul3A_1103 : vector<16xf32>
        %add3A_1111 = arith.constant 0.00833333377 : f32
        %add3A_1112 = vector.broadcast %add3A_1111 : f32 to vector<16xf32>
        %add3A_1113 = arith.addf %mul3A_1110, %add3A_1112 : vector<16xf32>
        %mul3A_1114 = arith.mulf %add3A_1113, %mul3A_1103 : vector<16xf32>
        %add3A_1115 = arith.constant -0.166666672 : f32
        %add3A_1116 = vector.broadcast %add3A_1115 : f32 to vector<16xf32>
        %add3A_1117 = arith.addf %mul3A_1114, %add3A_1116 : vector<16xf32>
        %mul3A_1118 = arith.mulf %add3A_1117, %mul3A_1103 : vector<16xf32>
        %add3A_1119 = arith.constant 1.000000e+00 : f32
        %add3A_1120 = vector.broadcast %add3A_1119 : f32 to vector<16xf32>
        %add3A_1121 = arith.addf %mul3A_1118, %add3A_1120 : vector<16xf32>
        %mul3A_1122 = arith.mulf %add3A_1102, %add3A_1121 : vector<16xf32>
        %mul3A_1123 = arith.mulf %gather3A_1100, %mul3A_1122 : vector<16xf32>
        %add3A_1124 = arith.addf %mul3A_1088, %mul3A_1123 : vector<16xf32>
        %add3A_1125 = arith.constant 16 : i32
        %add3A_1126 = vector.broadcast %add3A_1125 : i32 to vector<16xi32>
        %add3A_1127 = arith.addi %iota3A, %add3A_1126 : vector<16xi32>
        %gather3A_1128 = tpu.vector_load_idx %arg71[%broadcast_in_dim3A, %add3A_1127] : memref<32x64xf32, #tpu.memory_space<vmem>>[vector<16xi32>, vector<16xi32>], vector<16xf32>,
        %add3A_1129 = arith.constant 16 : i32
        %add3A_1130 = vector.broadcast %add3A_1129 : i32 to vector<16xi32>
        %add3A_1131 = arith.addi %iota3A, %add3A_1130 : vector<16xi32>
        %gather3A_1132 = tpu.vector_load_idx %arg72[%broadcast_in_dim3A, %add3A_1131] : memref<32x64xf32, #tpu.memory_space<vmem>>[vector<16xi32>, vector<16xi32>], vector<16xf32>,
        %add3A_1133 = arith.constant 16 : i32
        %add3A_1134 = vector.broadcast %add3A_1133 : i32 to vector<16xi32>
        %add3A_1135 = arith.addi %iota3A, %add3A_1134 : vector<16xi32>
        %gather3A_1136 = tpu.vector_load_idx %arg73[%broadcast_in_dim3A, %add3A_1135] : memref<32x64xf32, #tpu.memory_space<vmem>>[vector<16xi32>, vector<16xi32>], vector<16xf32>,
        %mul3A_1137 = arith.mulf %gather3A_1128, %gather3A_262 : vector<16xf32>
        %add3A_1138 = arith.addf %mul3A_1137, %gather3A_1132 : vector<16xf32>
        %mul3A_1139 = arith.mulf %add3A_1138, %add3A_1138 : vector<16xf32>
        %mul3A_1140 = arith.constant 2.75573188E-6 : f32
        %mul3A_1141 = vector.broadcast %mul3A_1140 : f32 to vector<16xf32>
        %mul3A_1142 = arith.mulf %mul3A_1141, %mul3A_1139 : vector<16xf32>
        %add3A_1143 = arith.constant -1.98412701E-4 : f32
        %add3A_1144 = vector.broadcast %add3A_1143 : f32 to vector<16xf32>
        %add3A_1145 = arith.addf %mul3A_1142, %add3A_1144 : vector<16xf32>
        %mul3A_1146 = arith.mulf %add3A_1145, %mul3A_1139 : vector<16xf32>
        %add3A_1147 = arith.constant 0.00833333377 : f32
        %add3A_1148 = vector.broadcast %add3A_1147 : f32 to vector<16xf32>
        %add3A_1149 = arith.addf %mul3A_1146, %add3A_1148 : vector<16xf32>
        %mul3A_1150 = arith.mulf %add3A_1149, %mul3A_1139 : vector<16xf32>
        %add3A_1151 = arith.constant -0.166666672 : f32
        %add3A_1152 = vector.broadcast %add3A_1151 : f32 to vector<16xf32>
        %add3A_1153 = arith.addf %mul3A_1150, %add3A_1152 : vector<16xf32>
        %mul3A_1154 = arith.mulf %add3A_1153, %mul3A_1139 : vector<16xf32>
        %add3A_1155 = arith.constant 1.000000e+00 : f32
        %add3A_1156 = vector.broadcast %add3A_1155 : f32 to vector<16xf32>
        %add3A_1157 = arith.addf %mul3A_1154, %add3A_1156 : vector<16xf32>
        %mul3A_1158 = arith.mulf %add3A_1138, %add3A_1157 : vector<16xf32>
        %mul3A_1159 = arith.mulf %gather3A_1136, %mul3A_1158 : vector<16xf32>
        %add3A_1160 = arith.addf %add3A_1124, %mul3A_1159 : vector<16xf32>
        %mul3A_1161 = arith.mulf %gather3A_720, %gather3A_724 : vector<16xf32>
        %mul3A_1162 = arith.mulf %mul3A_1161, %gather3A_728 : vector<16xf32>
        %mul3A_1163 = arith.constant 5.000000e-01 : f32
        %mul3A_1164 = vector.broadcast %mul3A_1163 : f32 to vector<16xf32>
        %mul3A_1165 = arith.mulf %mul3A_1164, %gather3A_732 : vector<16xf32>
        %mul3A_1166 = arith.mulf %add3A_839, %add3A_1160 : vector<16xf32>
        %mul3A_1167 = arith.mulf %add3A_946, %add3A_1053 : vector<16xf32>
        %add3A_1168 = arith.addf %mul3A_1166, %mul3A_1167 : vector<16xf32>
        %mul3A_1169 = arith.mulf %mul3A_1165, %add3A_1168 : vector<16xf32>
        %add3A_1170 = arith.addf %mul3A_1162, %mul3A_1169 : vector<16xf32>
        %add3A_1171 = arith.addf %add3A_716, %add3A_1170 : vector<16xf32>
        %add3A_1172 = arith.constant 32 : i32
        %add3A_1173 = vector.broadcast %add3A_1172 : i32 to vector<16xi32>
        %add3A_1174 = arith.addi %iota3A, %add3A_1173 : vector<16xi32>
        %gather3A_1175 = tpu.vector_load_idx %arg35[%broadcast_in_dim3A, %add3A_1174] : memref<32x64xf32, #tpu.memory_space<vmem>>[vector<16xi32>, vector<16xi32>], vector<16xf32>,
        %add3A_1176 = arith.constant 32 : i32
        %add3A_1177 = vector.broadcast %add3A_1176 : i32 to vector<16xi32>
        %add3A_1178 = arith.addi %iota3A, %add3A_1177 : vector<16xi32>
        %gather3A_1179 = tpu.vector_load_idx %arg36[%broadcast_in_dim3A, %add3A_1178] : memref<32x64xf32, #tpu.memory_space<vmem>>[vector<16xi32>, vector<16xi32>], vector<16xf32>,
        %add3A_1180 = arith.constant 32 : i32
        %add3A_1181 = vector.broadcast %add3A_1180 : i32 to vector<16xi32>
        %add3A_1182 = arith.addi %iota3A, %add3A_1181 : vector<16xi32>
        %gather3A_1183 = tpu.vector_load_idx %arg37[%broadcast_in_dim3A, %add3A_1182] : memref<32x128xf32, #tpu.memory_space<vmem>>[vector<16xi32>, vector<16xi32>], vector<16xf32>,
        %add3A_1184 = arith.constant 96 : i32
        %add3A_1185 = vector.broadcast %add3A_1184 : i32 to vector<16xi32>
        %add3A_1186 = arith.addi %iota3A, %add3A_1185 : vector<16xi32>
        %gather3A_1187 = tpu.vector_load_idx %arg37[%broadcast_in_dim3A, %add3A_1186] : memref<32x128xf32, #tpu.memory_space<vmem>>[vector<16xi32>, vector<16xi32>], vector<16xf32>,
        %add3A_1188 = arith.constant 32 : i32
        %add3A_1189 = vector.broadcast %add3A_1188 : i32 to vector<16xi32>
        %add3A_1190 = arith.addi %iota3A, %add3A_1189 : vector<16xi32>
        %gather3A_1191 = tpu.vector_load_idx %arg38[%broadcast_in_dim3A, %add3A_1190] : memref<32x64xf32, #tpu.memory_space<vmem>>[vector<16xi32>, vector<16xi32>], vector<16xf32>,
        %add3A_1192 = arith.constant 32 : i32
        %add3A_1193 = vector.broadcast %add3A_1192 : i32 to vector<16xi32>
        %add3A_1194 = arith.addi %iota3A, %add3A_1193 : vector<16xi32>
        %gather3A_1195 = tpu.vector_load_idx %arg39[%broadcast_in_dim3A, %add3A_1194] : memref<32x64xf32, #tpu.memory_space<vmem>>[vector<16xi32>, vector<16xi32>], vector<16xf32>,
        %add3A_1196 = arith.constant 32 : i32
        %add3A_1197 = vector.broadcast %add3A_1196 : i32 to vector<16xi32>
        %add3A_1198 = arith.addi %iota3A, %add3A_1197 : vector<16xi32>
        %gather3A_1199 = tpu.vector_load_idx %arg40[%broadcast_in_dim3A, %add3A_1198] : memref<32x64xf32, #tpu.memory_space<vmem>>[vector<16xi32>, vector<16xi32>], vector<16xf32>,
        %mul3A_1200 = arith.mulf %gather3A_1191, %gather3A : vector<16xf32>
        %add3A_1201 = arith.addf %mul3A_1200, %gather3A_1195 : vector<16xf32>
        %mul3A_1202 = arith.mulf %add3A_1201, %add3A_1201 : vector<16xf32>
        %mul3A_1203 = arith.constant 2.75573188E-6 : f32
        %mul3A_1204 = vector.broadcast %mul3A_1203 : f32 to vector<16xf32>
        %mul3A_1205 = arith.mulf %mul3A_1204, %mul3A_1202 : vector<16xf32>
        %add3A_1206 = arith.constant -1.98412701E-4 : f32
        %add3A_1207 = vector.broadcast %add3A_1206 : f32 to vector<16xf32>
        %add3A_1208 = arith.addf %mul3A_1205, %add3A_1207 : vector<16xf32>
        %mul3A_1209 = arith.mulf %add3A_1208, %mul3A_1202 : vector<16xf32>
        %add3A_1210 = arith.constant 0.00833333377 : f32
        %add3A_1211 = vector.broadcast %add3A_1210 : f32 to vector<16xf32>
        %add3A_1212 = arith.addf %mul3A_1209, %add3A_1211 : vector<16xf32>
        %mul3A_1213 = arith.mulf %add3A_1212, %mul3A_1202 : vector<16xf32>
        %add3A_1214 = arith.constant -0.166666672 : f32
        %add3A_1215 = vector.broadcast %add3A_1214 : f32 to vector<16xf32>
        %add3A_1216 = arith.addf %mul3A_1213, %add3A_1215 : vector<16xf32>
        %mul3A_1217 = arith.mulf %add3A_1216, %mul3A_1202 : vector<16xf32>
        %add3A_1218 = arith.constant 1.000000e+00 : f32
        %add3A_1219 = vector.broadcast %add3A_1218 : f32 to vector<16xf32>
        %add3A_1220 = arith.addf %mul3A_1217, %add3A_1219 : vector<16xf32>
        %mul3A_1221 = arith.mulf %add3A_1201, %add3A_1220 : vector<16xf32>
        %mul3A_1222 = arith.mulf %gather3A_1199, %mul3A_1221 : vector<16xf32>
        %add3A_1223 = arith.constant 32 : i32
        %add3A_1224 = vector.broadcast %add3A_1223 : i32 to vector<16xi32>
        %add3A_1225 = arith.addi %iota3A, %add3A_1224 : vector<16xi32>
        %gather3A_1226 = tpu.vector_load_idx %arg41[%broadcast_in_dim3A, %add3A_1225] : memref<32x64xf32, #tpu.memory_space<vmem>>[vector<16xi32>, vector<16xi32>], vector<16xf32>,
        %add3A_1227 = arith.constant 32 : i32
        %add3A_1228 = vector.broadcast %add3A_1227 : i32 to vector<16xi32>
        %add3A_1229 = arith.addi %iota3A, %add3A_1228 : vector<16xi32>
        %gather3A_1230 = tpu.vector_load_idx %arg42[%broadcast_in_dim3A, %add3A_1229] : memref<32x64xf32, #tpu.memory_space<vmem>>[vector<16xi32>, vector<16xi32>], vector<16xf32>,
        %add3A_1231 = arith.constant 32 : i32
        %add3A_1232 = vector.broadcast %add3A_1231 : i32 to vector<16xi32>
        %add3A_1233 = arith.addi %iota3A, %add3A_1232 : vector<16xi32>
        %gather3A_1234 = tpu.vector_load_idx %arg43[%broadcast_in_dim3A, %add3A_1233] : memref<32x64xf32, #tpu.memory_space<vmem>>[vector<16xi32>, vector<16xi32>], vector<16xf32>,
        %mul3A_1235 = arith.mulf %gather3A_1226, %gather3A_261 : vector<16xf32>
        %add3A_1236 = arith.addf %mul3A_1235, %gather3A_1230 : vector<16xf32>
        %mul3A_1237 = arith.mulf %add3A_1236, %add3A_1236 : vector<16xf32>
        %mul3A_1238 = arith.constant 2.75573188E-6 : f32
        %mul3A_1239 = vector.broadcast %mul3A_1238 : f32 to vector<16xf32>
        %mul3A_1240 = arith.mulf %mul3A_1239, %mul3A_1237 : vector<16xf32>
        %add3A_1241 = arith.constant -1.98412701E-4 : f32
        %add3A_1242 = vector.broadcast %add3A_1241 : f32 to vector<16xf32>
        %add3A_1243 = arith.addf %mul3A_1240, %add3A_1242 : vector<16xf32>
        %mul3A_1244 = arith.mulf %add3A_1243, %mul3A_1237 : vector<16xf32>
        %add3A_1245 = arith.constant 0.00833333377 : f32
        %add3A_1246 = vector.broadcast %add3A_1245 : f32 to vector<16xf32>
        %add3A_1247 = arith.addf %mul3A_1244, %add3A_1246 : vector<16xf32>
        %mul3A_1248 = arith.mulf %add3A_1247, %mul3A_1237 : vector<16xf32>
        %add3A_1249 = arith.constant -0.166666672 : f32
        %add3A_1250 = vector.broadcast %add3A_1249 : f32 to vector<16xf32>
        %add3A_1251 = arith.addf %mul3A_1248, %add3A_1250 : vector<16xf32>
        %mul3A_1252 = arith.mulf %add3A_1251, %mul3A_1237 : vector<16xf32>
        %add3A_1253 = arith.constant 1.000000e+00 : f32
        %add3A_1254 = vector.broadcast %add3A_1253 : f32 to vector<16xf32>
        %add3A_1255 = arith.addf %mul3A_1252, %add3A_1254 : vector<16xf32>
        %mul3A_1256 = arith.mulf %add3A_1236, %add3A_1255 : vector<16xf32>
        %mul3A_1257 = arith.mulf %gather3A_1234, %mul3A_1256 : vector<16xf32>
        %add3A_1258 = arith.addf %mul3A_1222, %mul3A_1257 : vector<16xf32>
        %add3A_1259 = arith.constant 32 : i32
        %add3A_1260 = vector.broadcast %add3A_1259 : i32 to vector<16xi32>
        %add3A_1261 = arith.addi %iota3A, %add3A_1260 : vector<16xi32>
        %gather3A_1262 = tpu.vector_load_idx %arg44[%broadcast_in_dim3A, %add3A_1261] : memref<32x64xf32, #tpu.memory_space<vmem>>[vector<16xi32>, vector<16xi32>], vector<16xf32>,
        %add3A_1263 = arith.constant 32 : i32
        %add3A_1264 = vector.broadcast %add3A_1263 : i32 to vector<16xi32>
        %add3A_1265 = arith.addi %iota3A, %add3A_1264 : vector<16xi32>
        %gather3A_1266 = tpu.vector_load_idx %arg45[%broadcast_in_dim3A, %add3A_1265] : memref<32x64xf32, #tpu.memory_space<vmem>>[vector<16xi32>, vector<16xi32>], vector<16xf32>,
        %add3A_1267 = arith.constant 32 : i32
        %add3A_1268 = vector.broadcast %add3A_1267 : i32 to vector<16xi32>
        %add3A_1269 = arith.addi %iota3A, %add3A_1268 : vector<16xi32>
        %gather3A_1270 = tpu.vector_load_idx %arg46[%broadcast_in_dim3A, %add3A_1269] : memref<32x64xf32, #tpu.memory_space<vmem>>[vector<16xi32>, vector<16xi32>], vector<16xf32>,
        %mul3A_1271 = arith.mulf %gather3A_1262, %gather3A_262 : vector<16xf32>
        %add3A_1272 = arith.addf %mul3A_1271, %gather3A_1266 : vector<16xf32>
        %mul3A_1273 = arith.mulf %add3A_1272, %add3A_1272 : vector<16xf32>
        %mul3A_1274 = arith.constant 2.75573188E-6 : f32
        %mul3A_1275 = vector.broadcast %mul3A_1274 : f32 to vector<16xf32>
        %mul3A_1276 = arith.mulf %mul3A_1275, %mul3A_1273 : vector<16xf32>
        %add3A_1277 = arith.constant -1.98412701E-4 : f32
        %add3A_1278 = vector.broadcast %add3A_1277 : f32 to vector<16xf32>
        %add3A_1279 = arith.addf %mul3A_1276, %add3A_1278 : vector<16xf32>
        %mul3A_1280 = arith.mulf %add3A_1279, %mul3A_1273 : vector<16xf32>
        %add3A_1281 = arith.constant 0.00833333377 : f32
        %add3A_1282 = vector.broadcast %add3A_1281 : f32 to vector<16xf32>
        %add3A_1283 = arith.addf %mul3A_1280, %add3A_1282 : vector<16xf32>
        %mul3A_1284 = arith.mulf %add3A_1283, %mul3A_1273 : vector<16xf32>
        %add3A_1285 = arith.constant -0.166666672 : f32
        %add3A_1286 = vector.broadcast %add3A_1285 : f32 to vector<16xf32>
        %add3A_1287 = arith.addf %mul3A_1284, %add3A_1286 : vector<16xf32>
        %mul3A_1288 = arith.mulf %add3A_1287, %mul3A_1273 : vector<16xf32>
        %add3A_1289 = arith.constant 1.000000e+00 : f32
        %add3A_1290 = vector.broadcast %add3A_1289 : f32 to vector<16xf32>
        %add3A_1291 = arith.addf %mul3A_1288, %add3A_1290 : vector<16xf32>
        %mul3A_1292 = arith.mulf %add3A_1272, %add3A_1291 : vector<16xf32>
        %mul3A_1293 = arith.mulf %gather3A_1270, %mul3A_1292 : vector<16xf32>
        %add3A_1294 = arith.addf %add3A_1258, %mul3A_1293 : vector<16xf32>
        %add3A_1295 = arith.constant 32 : i32
        %add3A_1296 = vector.broadcast %add3A_1295 : i32 to vector<16xi32>
        %add3A_1297 = arith.addi %iota3A, %add3A_1296 : vector<16xi32>
        %gather3A_1298 = tpu.vector_load_idx %arg56[%broadcast_in_dim3A, %add3A_1297] : memref<32x64xf32, #tpu.memory_space<vmem>>[vector<16xi32>, vector<16xi32>], vector<16xf32>,
        %add3A_1299 = arith.constant 32 : i32
        %add3A_1300 = vector.broadcast %add3A_1299 : i32 to vector<16xi32>
        %add3A_1301 = arith.addi %iota3A, %add3A_1300 : vector<16xi32>
        %gather3A_1302 = tpu.vector_load_idx %arg57[%broadcast_in_dim3A, %add3A_1301] : memref<32x64xf32, #tpu.memory_space<vmem>>[vector<16xi32>, vector<16xi32>], vector<16xf32>,
        %add3A_1303 = arith.constant 32 : i32
        %add3A_1304 = vector.broadcast %add3A_1303 : i32 to vector<16xi32>
        %add3A_1305 = arith.addi %iota3A, %add3A_1304 : vector<16xi32>
        %gather3A_1306 = tpu.vector_load_idx %arg58[%broadcast_in_dim3A, %add3A_1305] : memref<32x64xf32, #tpu.memory_space<vmem>>[vector<16xi32>, vector<16xi32>], vector<16xf32>,
        %mul3A_1307 = arith.mulf %gather3A_1298, %gather3A : vector<16xf32>
        %add3A_1308 = arith.addf %mul3A_1307, %gather3A_1302 : vector<16xf32>
        %mul3A_1309 = arith.mulf %add3A_1308, %add3A_1308 : vector<16xf32>
        %mul3A_1310 = arith.constant 2.75573188E-6 : f32
        %mul3A_1311 = vector.broadcast %mul3A_1310 : f32 to vector<16xf32>
        %mul3A_1312 = arith.mulf %mul3A_1311, %mul3A_1309 : vector<16xf32>
        %add3A_1313 = arith.constant -1.98412701E-4 : f32
        %add3A_1314 = vector.broadcast %add3A_1313 : f32 to vector<16xf32>
        %add3A_1315 = arith.addf %mul3A_1312, %add3A_1314 : vector<16xf32>
        %mul3A_1316 = arith.mulf %add3A_1315, %mul3A_1309 : vector<16xf32>
        %add3A_1317 = arith.constant 0.00833333377 : f32
        %add3A_1318 = vector.broadcast %add3A_1317 : f32 to vector<16xf32>
        %add3A_1319 = arith.addf %mul3A_1316, %add3A_1318 : vector<16xf32>
        %mul3A_1320 = arith.mulf %add3A_1319, %mul3A_1309 : vector<16xf32>
        %add3A_1321 = arith.constant -0.166666672 : f32
        %add3A_1322 = vector.broadcast %add3A_1321 : f32 to vector<16xf32>
        %add3A_1323 = arith.addf %mul3A_1320, %add3A_1322 : vector<16xf32>
        %mul3A_1324 = arith.mulf %add3A_1323, %mul3A_1309 : vector<16xf32>
        %add3A_1325 = arith.constant 1.000000e+00 : f32
        %add3A_1326 = vector.broadcast %add3A_1325 : f32 to vector<16xf32>
        %add3A_1327 = arith.addf %mul3A_1324, %add3A_1326 : vector<16xf32>
        %mul3A_1328 = arith.mulf %add3A_1308, %add3A_1327 : vector<16xf32>
        %mul3A_1329 = arith.mulf %gather3A_1306, %mul3A_1328 : vector<16xf32>
        %add3A_1330 = arith.constant 32 : i32
        %add3A_1331 = vector.broadcast %add3A_1330 : i32 to vector<16xi32>
        %add3A_1332 = arith.addi %iota3A, %add3A_1331 : vector<16xi32>
        %gather3A_1333 = tpu.vector_load_idx %arg59[%broadcast_in_dim3A, %add3A_1332] : memref<32x64xf32, #tpu.memory_space<vmem>>[vector<16xi32>, vector<16xi32>], vector<16xf32>,
        %add3A_1334 = arith.constant 32 : i32
        %add3A_1335 = vector.broadcast %add3A_1334 : i32 to vector<16xi32>
        %add3A_1336 = arith.addi %iota3A, %add3A_1335 : vector<16xi32>
        %gather3A_1337 = tpu.vector_load_idx %arg60[%broadcast_in_dim3A, %add3A_1336] : memref<32x64xf32, #tpu.memory_space<vmem>>[vector<16xi32>, vector<16xi32>], vector<16xf32>,
        %add3A_1338 = arith.constant 32 : i32
        %add3A_1339 = vector.broadcast %add3A_1338 : i32 to vector<16xi32>
        %add3A_1340 = arith.addi %iota3A, %add3A_1339 : vector<16xi32>
        %gather3A_1341 = tpu.vector_load_idx %arg61[%broadcast_in_dim3A, %add3A_1340] : memref<32x64xf32, #tpu.memory_space<vmem>>[vector<16xi32>, vector<16xi32>], vector<16xf32>,
        %mul3A_1342 = arith.mulf %gather3A_1333, %gather3A_261 : vector<16xf32>
        %add3A_1343 = arith.addf %mul3A_1342, %gather3A_1337 : vector<16xf32>
        %mul3A_1344 = arith.mulf %add3A_1343, %add3A_1343 : vector<16xf32>
        %mul3A_1345 = arith.constant 2.75573188E-6 : f32
        %mul3A_1346 = vector.broadcast %mul3A_1345 : f32 to vector<16xf32>
        %mul3A_1347 = arith.mulf %mul3A_1346, %mul3A_1344 : vector<16xf32>
        %add3A_1348 = arith.constant -1.98412701E-4 : f32
        %add3A_1349 = vector.broadcast %add3A_1348 : f32 to vector<16xf32>
        %add3A_1350 = arith.addf %mul3A_1347, %add3A_1349 : vector<16xf32>
        %mul3A_1351 = arith.mulf %add3A_1350, %mul3A_1344 : vector<16xf32>
        %add3A_1352 = arith.constant 0.00833333377 : f32
        %add3A_1353 = vector.broadcast %add3A_1352 : f32 to vector<16xf32>
        %add3A_1354 = arith.addf %mul3A_1351, %add3A_1353 : vector<16xf32>
        %mul3A_1355 = arith.mulf %add3A_1354, %mul3A_1344 : vector<16xf32>
        %add3A_1356 = arith.constant -0.166666672 : f32
        %add3A_1357 = vector.broadcast %add3A_1356 : f32 to vector<16xf32>
        %add3A_1358 = arith.addf %mul3A_1355, %add3A_1357 : vector<16xf32>
        %mul3A_1359 = arith.mulf %add3A_1358, %mul3A_1344 : vector<16xf32>
        %add3A_1360 = arith.constant 1.000000e+00 : f32
        %add3A_1361 = vector.broadcast %add3A_1360 : f32 to vector<16xf32>
        %add3A_1362 = arith.addf %mul3A_1359, %add3A_1361 : vector<16xf32>
        %mul3A_1363 = arith.mulf %add3A_1343, %add3A_1362 : vector<16xf32>
        %mul3A_1364 = arith.mulf %gather3A_1341, %mul3A_1363 : vector<16xf32>
        %add3A_1365 = arith.addf %mul3A_1329, %mul3A_1364 : vector<16xf32>
        %add3A_1366 = arith.constant 32 : i32
        %add3A_1367 = vector.broadcast %add3A_1366 : i32 to vector<16xi32>
        %add3A_1368 = arith.addi %iota3A, %add3A_1367 : vector<16xi32>
        %gather3A_1369 = tpu.vector_load_idx %arg62[%broadcast_in_dim3A, %add3A_1368] : memref<32x64xf32, #tpu.memory_space<vmem>>[vector<16xi32>, vector<16xi32>], vector<16xf32>,
        %add3A_1370 = arith.constant 32 : i32
        %add3A_1371 = vector.broadcast %add3A_1370 : i32 to vector<16xi32>
        %add3A_1372 = arith.addi %iota3A, %add3A_1371 : vector<16xi32>
        %gather3A_1373 = tpu.vector_load_idx %arg63[%broadcast_in_dim3A, %add3A_1372] : memref<32x64xf32, #tpu.memory_space<vmem>>[vector<16xi32>, vector<16xi32>], vector<16xf32>,
        %add3A_1374 = arith.constant 32 : i32
        %add3A_1375 = vector.broadcast %add3A_1374 : i32 to vector<16xi32>
        %add3A_1376 = arith.addi %iota3A, %add3A_1375 : vector<16xi32>
        %gather3A_1377 = tpu.vector_load_idx %arg64[%broadcast_in_dim3A, %add3A_1376] : memref<32x64xf32, #tpu.memory_space<vmem>>[vector<16xi32>, vector<16xi32>], vector<16xf32>,
        %mul3A_1378 = arith.mulf %gather3A_1369, %gather3A_262 : vector<16xf32>
        %add3A_1379 = arith.addf %mul3A_1378, %gather3A_1373 : vector<16xf32>
        %mul3A_1380 = arith.mulf %add3A_1379, %add3A_1379 : vector<16xf32>
        %mul3A_1381 = arith.constant 2.75573188E-6 : f32
        %mul3A_1382 = vector.broadcast %mul3A_1381 : f32 to vector<16xf32>
        %mul3A_1383 = arith.mulf %mul3A_1382, %mul3A_1380 : vector<16xf32>
        %add3A_1384 = arith.constant -1.98412701E-4 : f32
        %add3A_1385 = vector.broadcast %add3A_1384 : f32 to vector<16xf32>
        %add3A_1386 = arith.addf %mul3A_1383, %add3A_1385 : vector<16xf32>
        %mul3A_1387 = arith.mulf %add3A_1386, %mul3A_1380 : vector<16xf32>
        %add3A_1388 = arith.constant 0.00833333377 : f32
        %add3A_1389 = vector.broadcast %add3A_1388 : f32 to vector<16xf32>
        %add3A_1390 = arith.addf %mul3A_1387, %add3A_1389 : vector<16xf32>
        %mul3A_1391 = arith.mulf %add3A_1390, %mul3A_1380 : vector<16xf32>
        %add3A_1392 = arith.constant -0.166666672 : f32
        %add3A_1393 = vector.broadcast %add3A_1392 : f32 to vector<16xf32>
        %add3A_1394 = arith.addf %mul3A_1391, %add3A_1393 : vector<16xf32>
        %mul3A_1395 = arith.mulf %add3A_1394, %mul3A_1380 : vector<16xf32>
        %add3A_1396 = arith.constant 1.000000e+00 : f32
        %add3A_1397 = vector.broadcast %add3A_1396 : f32 to vector<16xf32>
        %add3A_1398 = arith.addf %mul3A_1395, %add3A_1397 : vector<16xf32>
        %mul3A_1399 = arith.mulf %add3A_1379, %add3A_1398 : vector<16xf32>
        %mul3A_1400 = arith.mulf %gather3A_1377, %mul3A_1399 : vector<16xf32>
        %add3A_1401 = arith.addf %add3A_1365, %mul3A_1400 : vector<16xf32>
        %add3A_1402 = arith.constant 32 : i32
        %add3A_1403 = vector.broadcast %add3A_1402 : i32 to vector<16xi32>
        %add3A_1404 = arith.addi %iota3A, %add3A_1403 : vector<16xi32>
        %gather3A_1405 = tpu.vector_load_idx %arg47[%broadcast_in_dim3A, %add3A_1404] : memref<32x64xf32, #tpu.memory_space<vmem>>[vector<16xi32>, vector<16xi32>], vector<16xf32>,
        %add3A_1406 = arith.constant 32 : i32
        %add3A_1407 = vector.broadcast %add3A_1406 : i32 to vector<16xi32>
        %add3A_1408 = arith.addi %iota3A, %add3A_1407 : vector<16xi32>
        %gather3A_1409 = tpu.vector_load_idx %arg48[%broadcast_in_dim3A, %add3A_1408] : memref<32x64xf32, #tpu.memory_space<vmem>>[vector<16xi32>, vector<16xi32>], vector<16xf32>,
        %add3A_1410 = arith.constant 32 : i32
        %add3A_1411 = vector.broadcast %add3A_1410 : i32 to vector<16xi32>
        %add3A_1412 = arith.addi %iota3A, %add3A_1411 : vector<16xi32>
        %gather3A_1413 = tpu.vector_load_idx %arg49[%broadcast_in_dim3A, %add3A_1412] : memref<32x64xf32, #tpu.memory_space<vmem>>[vector<16xi32>, vector<16xi32>], vector<16xf32>,
        %mul3A_1414 = arith.mulf %gather3A_1405, %gather3A : vector<16xf32>
        %add3A_1415 = arith.addf %mul3A_1414, %gather3A_1409 : vector<16xf32>
        %mul3A_1416 = arith.mulf %add3A_1415, %add3A_1415 : vector<16xf32>
        %mul3A_1417 = arith.constant 2.75573188E-6 : f32
        %mul3A_1418 = vector.broadcast %mul3A_1417 : f32 to vector<16xf32>
        %mul3A_1419 = arith.mulf %mul3A_1418, %mul3A_1416 : vector<16xf32>
        %add3A_1420 = arith.constant -1.98412701E-4 : f32
        %add3A_1421 = vector.broadcast %add3A_1420 : f32 to vector<16xf32>
        %add3A_1422 = arith.addf %mul3A_1419, %add3A_1421 : vector<16xf32>
        %mul3A_1423 = arith.mulf %add3A_1422, %mul3A_1416 : vector<16xf32>
        %add3A_1424 = arith.constant 0.00833333377 : f32
        %add3A_1425 = vector.broadcast %add3A_1424 : f32 to vector<16xf32>
        %add3A_1426 = arith.addf %mul3A_1423, %add3A_1425 : vector<16xf32>
        %mul3A_1427 = arith.mulf %add3A_1426, %mul3A_1416 : vector<16xf32>
        %add3A_1428 = arith.constant -0.166666672 : f32
        %add3A_1429 = vector.broadcast %add3A_1428 : f32 to vector<16xf32>
        %add3A_1430 = arith.addf %mul3A_1427, %add3A_1429 : vector<16xf32>
        %mul3A_1431 = arith.mulf %add3A_1430, %mul3A_1416 : vector<16xf32>
        %add3A_1432 = arith.constant 1.000000e+00 : f32
        %add3A_1433 = vector.broadcast %add3A_1432 : f32 to vector<16xf32>
        %add3A_1434 = arith.addf %mul3A_1431, %add3A_1433 : vector<16xf32>
        %mul3A_1435 = arith.mulf %add3A_1415, %add3A_1434 : vector<16xf32>
        %mul3A_1436 = arith.mulf %gather3A_1413, %mul3A_1435 : vector<16xf32>
        %add3A_1437 = arith.constant 32 : i32
        %add3A_1438 = vector.broadcast %add3A_1437 : i32 to vector<16xi32>
        %add3A_1439 = arith.addi %iota3A, %add3A_1438 : vector<16xi32>
        %gather3A_1440 = tpu.vector_load_idx %arg50[%broadcast_in_dim3A, %add3A_1439] : memref<32x64xf32, #tpu.memory_space<vmem>>[vector<16xi32>, vector<16xi32>], vector<16xf32>,
        %add3A_1441 = arith.constant 32 : i32
        %add3A_1442 = vector.broadcast %add3A_1441 : i32 to vector<16xi32>
        %add3A_1443 = arith.addi %iota3A, %add3A_1442 : vector<16xi32>
        %gather3A_1444 = tpu.vector_load_idx %arg51[%broadcast_in_dim3A, %add3A_1443] : memref<32x64xf32, #tpu.memory_space<vmem>>[vector<16xi32>, vector<16xi32>], vector<16xf32>,
        %add3A_1445 = arith.constant 32 : i32
        %add3A_1446 = vector.broadcast %add3A_1445 : i32 to vector<16xi32>
        %add3A_1447 = arith.addi %iota3A, %add3A_1446 : vector<16xi32>
        %gather3A_1448 = tpu.vector_load_idx %arg52[%broadcast_in_dim3A, %add3A_1447] : memref<32x64xf32, #tpu.memory_space<vmem>>[vector<16xi32>, vector<16xi32>], vector<16xf32>,
        %mul3A_1449 = arith.mulf %gather3A_1440, %gather3A_261 : vector<16xf32>
        %add3A_1450 = arith.addf %mul3A_1449, %gather3A_1444 : vector<16xf32>
        %mul3A_1451 = arith.mulf %add3A_1450, %add3A_1450 : vector<16xf32>
        %mul3A_1452 = arith.constant 2.75573188E-6 : f32
        %mul3A_1453 = vector.broadcast %mul3A_1452 : f32 to vector<16xf32>
        %mul3A_1454 = arith.mulf %mul3A_1453, %mul3A_1451 : vector<16xf32>
        %add3A_1455 = arith.constant -1.98412701E-4 : f32
        %add3A_1456 = vector.broadcast %add3A_1455 : f32 to vector<16xf32>
        %add3A_1457 = arith.addf %mul3A_1454, %add3A_1456 : vector<16xf32>
        %mul3A_1458 = arith.mulf %add3A_1457, %mul3A_1451 : vector<16xf32>
        %add3A_1459 = arith.constant 0.00833333377 : f32
        %add3A_1460 = vector.broadcast %add3A_1459 : f32 to vector<16xf32>
        %add3A_1461 = arith.addf %mul3A_1458, %add3A_1460 : vector<16xf32>
        %mul3A_1462 = arith.mulf %add3A_1461, %mul3A_1451 : vector<16xf32>
        %add3A_1463 = arith.constant -0.166666672 : f32
        %add3A_1464 = vector.broadcast %add3A_1463 : f32 to vector<16xf32>
        %add3A_1465 = arith.addf %mul3A_1462, %add3A_1464 : vector<16xf32>
        %mul3A_1466 = arith.mulf %add3A_1465, %mul3A_1451 : vector<16xf32>
        %add3A_1467 = arith.constant 1.000000e+00 : f32
        %add3A_1468 = vector.broadcast %add3A_1467 : f32 to vector<16xf32>
        %add3A_1469 = arith.addf %mul3A_1466, %add3A_1468 : vector<16xf32>
        %mul3A_1470 = arith.mulf %add3A_1450, %add3A_1469 : vector<16xf32>
        %mul3A_1471 = arith.mulf %gather3A_1448, %mul3A_1470 : vector<16xf32>
        %add3A_1472 = arith.addf %mul3A_1436, %mul3A_1471 : vector<16xf32>
        %add3A_1473 = arith.constant 32 : i32
        %add3A_1474 = vector.broadcast %add3A_1473 : i32 to vector<16xi32>
        %add3A_1475 = arith.addi %iota3A, %add3A_1474 : vector<16xi32>
        %gather3A_1476 = tpu.vector_load_idx %arg53[%broadcast_in_dim3A, %add3A_1475] : memref<32x64xf32, #tpu.memory_space<vmem>>[vector<16xi32>, vector<16xi32>], vector<16xf32>,
        %add3A_1477 = arith.constant 32 : i32
        %add3A_1478 = vector.broadcast %add3A_1477 : i32 to vector<16xi32>
        %add3A_1479 = arith.addi %iota3A, %add3A_1478 : vector<16xi32>
        %gather3A_1480 = tpu.vector_load_idx %arg54[%broadcast_in_dim3A, %add3A_1479] : memref<32x64xf32, #tpu.memory_space<vmem>>[vector<16xi32>, vector<16xi32>], vector<16xf32>,
        %add3A_1481 = arith.constant 32 : i32
        %add3A_1482 = vector.broadcast %add3A_1481 : i32 to vector<16xi32>
        %add3A_1483 = arith.addi %iota3A, %add3A_1482 : vector<16xi32>
        %gather3A_1484 = tpu.vector_load_idx %arg55[%broadcast_in_dim3A, %add3A_1483] : memref<32x64xf32, #tpu.memory_space<vmem>>[vector<16xi32>, vector<16xi32>], vector<16xf32>,
        %mul3A_1485 = arith.mulf %gather3A_1476, %gather3A_262 : vector<16xf32>
        %add3A_1486 = arith.addf %mul3A_1485, %gather3A_1480 : vector<16xf32>
        %mul3A_1487 = arith.mulf %add3A_1486, %add3A_1486 : vector<16xf32>
        %mul3A_1488 = arith.constant 2.75573188E-6 : f32
        %mul3A_1489 = vector.broadcast %mul3A_1488 : f32 to vector<16xf32>
        %mul3A_1490 = arith.mulf %mul3A_1489, %mul3A_1487 : vector<16xf32>
        %add3A_1491 = arith.constant -1.98412701E-4 : f32
        %add3A_1492 = vector.broadcast %add3A_1491 : f32 to vector<16xf32>
        %add3A_1493 = arith.addf %mul3A_1490, %add3A_1492 : vector<16xf32>
        %mul3A_1494 = arith.mulf %add3A_1493, %mul3A_1487 : vector<16xf32>
        %add3A_1495 = arith.constant 0.00833333377 : f32
        %add3A_1496 = vector.broadcast %add3A_1495 : f32 to vector<16xf32>
        %add3A_1497 = arith.addf %mul3A_1494, %add3A_1496 : vector<16xf32>
        %mul3A_1498 = arith.mulf %add3A_1497, %mul3A_1487 : vector<16xf32>
        %add3A_1499 = arith.constant -0.166666672 : f32
        %add3A_1500 = vector.broadcast %add3A_1499 : f32 to vector<16xf32>
        %add3A_1501 = arith.addf %mul3A_1498, %add3A_1500 : vector<16xf32>
        %mul3A_1502 = arith.mulf %add3A_1501, %mul3A_1487 : vector<16xf32>
        %add3A_1503 = arith.constant 1.000000e+00 : f32
        %add3A_1504 = vector.broadcast %add3A_1503 : f32 to vector<16xf32>
        %add3A_1505 = arith.addf %mul3A_1502, %add3A_1504 : vector<16xf32>
        %mul3A_1506 = arith.mulf %add3A_1486, %add3A_1505 : vector<16xf32>
        %mul3A_1507 = arith.mulf %gather3A_1484, %mul3A_1506 : vector<16xf32>
        %add3A_1508 = arith.addf %add3A_1472, %mul3A_1507 : vector<16xf32>
        %add3A_1509 = arith.constant 32 : i32
        %add3A_1510 = vector.broadcast %add3A_1509 : i32 to vector<16xi32>
        %add3A_1511 = arith.addi %iota3A, %add3A_1510 : vector<16xi32>
        %gather3A_1512 = tpu.vector_load_idx %arg65[%broadcast_in_dim3A, %add3A_1511] : memref<32x64xf32, #tpu.memory_space<vmem>>[vector<16xi32>, vector<16xi32>], vector<16xf32>,
        %add3A_1513 = arith.constant 32 : i32
        %add3A_1514 = vector.broadcast %add3A_1513 : i32 to vector<16xi32>
        %add3A_1515 = arith.addi %iota3A, %add3A_1514 : vector<16xi32>
        %gather3A_1516 = tpu.vector_load_idx %arg66[%broadcast_in_dim3A, %add3A_1515] : memref<32x64xf32, #tpu.memory_space<vmem>>[vector<16xi32>, vector<16xi32>], vector<16xf32>,
        %add3A_1517 = arith.constant 32 : i32
        %add3A_1518 = vector.broadcast %add3A_1517 : i32 to vector<16xi32>
        %add3A_1519 = arith.addi %iota3A, %add3A_1518 : vector<16xi32>
        %gather3A_1520 = tpu.vector_load_idx %arg67[%broadcast_in_dim3A, %add3A_1519] : memref<32x64xf32, #tpu.memory_space<vmem>>[vector<16xi32>, vector<16xi32>], vector<16xf32>,
        %mul3A_1521 = arith.mulf %gather3A_1512, %gather3A : vector<16xf32>
        %add3A_1522 = arith.addf %mul3A_1521, %gather3A_1516 : vector<16xf32>
        %mul3A_1523 = arith.mulf %add3A_1522, %add3A_1522 : vector<16xf32>
        %mul3A_1524 = arith.constant 2.75573188E-6 : f32
        %mul3A_1525 = vector.broadcast %mul3A_1524 : f32 to vector<16xf32>
        %mul3A_1526 = arith.mulf %mul3A_1525, %mul3A_1523 : vector<16xf32>
        %add3A_1527 = arith.constant -1.98412701E-4 : f32
        %add3A_1528 = vector.broadcast %add3A_1527 : f32 to vector<16xf32>
        %add3A_1529 = arith.addf %mul3A_1526, %add3A_1528 : vector<16xf32>
        %mul3A_1530 = arith.mulf %add3A_1529, %mul3A_1523 : vector<16xf32>
        %add3A_1531 = arith.constant 0.00833333377 : f32
        %add3A_1532 = vector.broadcast %add3A_1531 : f32 to vector<16xf32>
        %add3A_1533 = arith.addf %mul3A_1530, %add3A_1532 : vector<16xf32>
        %mul3A_1534 = arith.mulf %add3A_1533, %mul3A_1523 : vector<16xf32>
        %add3A_1535 = arith.constant -0.166666672 : f32
        %add3A_1536 = vector.broadcast %add3A_1535 : f32 to vector<16xf32>
        %add3A_1537 = arith.addf %mul3A_1534, %add3A_1536 : vector<16xf32>
        %mul3A_1538 = arith.mulf %add3A_1537, %mul3A_1523 : vector<16xf32>
        %add3A_1539 = arith.constant 1.000000e+00 : f32
        %add3A_1540 = vector.broadcast %add3A_1539 : f32 to vector<16xf32>
        %add3A_1541 = arith.addf %mul3A_1538, %add3A_1540 : vector<16xf32>
        %mul3A_1542 = arith.mulf %add3A_1522, %add3A_1541 : vector<16xf32>
        %mul3A_1543 = arith.mulf %gather3A_1520, %mul3A_1542 : vector<16xf32>
        %add3A_1544 = arith.constant 32 : i32
        %add3A_1545 = vector.broadcast %add3A_1544 : i32 to vector<16xi32>
        %add3A_1546 = arith.addi %iota3A, %add3A_1545 : vector<16xi32>
        %gather3A_1547 = tpu.vector_load_idx %arg68[%broadcast_in_dim3A, %add3A_1546] : memref<32x64xf32, #tpu.memory_space<vmem>>[vector<16xi32>, vector<16xi32>], vector<16xf32>,
        %add3A_1548 = arith.constant 32 : i32
        %add3A_1549 = vector.broadcast %add3A_1548 : i32 to vector<16xi32>
        %add3A_1550 = arith.addi %iota3A, %add3A_1549 : vector<16xi32>
        %gather3A_1551 = tpu.vector_load_idx %arg69[%broadcast_in_dim3A, %add3A_1550] : memref<32x64xf32, #tpu.memory_space<vmem>>[vector<16xi32>, vector<16xi32>], vector<16xf32>,
        %add3A_1552 = arith.constant 32 : i32
        %add3A_1553 = vector.broadcast %add3A_1552 : i32 to vector<16xi32>
        %add3A_1554 = arith.addi %iota3A, %add3A_1553 : vector<16xi32>
        %gather3A_1555 = tpu.vector_load_idx %arg70[%broadcast_in_dim3A, %add3A_1554] : memref<32x64xf32, #tpu.memory_space<vmem>>[vector<16xi32>, vector<16xi32>], vector<16xf32>,
        %mul3A_1556 = arith.mulf %gather3A_1547, %gather3A_261 : vector<16xf32>
        %add3A_1557 = arith.addf %mul3A_1556, %gather3A_1551 : vector<16xf32>
        %mul3A_1558 = arith.mulf %add3A_1557, %add3A_1557 : vector<16xf32>
        %mul3A_1559 = arith.constant 2.75573188E-6 : f32
        %mul3A_1560 = vector.broadcast %mul3A_1559 : f32 to vector<16xf32>
        %mul3A_1561 = arith.mulf %mul3A_1560, %mul3A_1558 : vector<16xf32>
        %add3A_1562 = arith.constant -1.98412701E-4 : f32
        %add3A_1563 = vector.broadcast %add3A_1562 : f32 to vector<16xf32>
        %add3A_1564 = arith.addf %mul3A_1561, %add3A_1563 : vector<16xf32>
        %mul3A_1565 = arith.mulf %add3A_1564, %mul3A_1558 : vector<16xf32>
        %add3A_1566 = arith.constant 0.00833333377 : f32
        %add3A_1567 = vector.broadcast %add3A_1566 : f32 to vector<16xf32>
        %add3A_1568 = arith.addf %mul3A_1565, %add3A_1567 : vector<16xf32>
        %mul3A_1569 = arith.mulf %add3A_1568, %mul3A_1558 : vector<16xf32>
        %add3A_1570 = arith.constant -0.166666672 : f32
        %add3A_1571 = vector.broadcast %add3A_1570 : f32 to vector<16xf32>
        %add3A_1572 = arith.addf %mul3A_1569, %add3A_1571 : vector<16xf32>
        %mul3A_1573 = arith.mulf %add3A_1572, %mul3A_1558 : vector<16xf32>
        %add3A_1574 = arith.constant 1.000000e+00 : f32
        %add3A_1575 = vector.broadcast %add3A_1574 : f32 to vector<16xf32>
        %add3A_1576 = arith.addf %mul3A_1573, %add3A_1575 : vector<16xf32>
        %mul3A_1577 = arith.mulf %add3A_1557, %add3A_1576 : vector<16xf32>
        %mul3A_1578 = arith.mulf %gather3A_1555, %mul3A_1577 : vector<16xf32>
        %add3A_1579 = arith.addf %mul3A_1543, %mul3A_1578 : vector<16xf32>
        %add3A_1580 = arith.constant 32 : i32
        %add3A_1581 = vector.broadcast %add3A_1580 : i32 to vector<16xi32>
        %add3A_1582 = arith.addi %iota3A, %add3A_1581 : vector<16xi32>
        %gather3A_1583 = tpu.vector_load_idx %arg71[%broadcast_in_dim3A, %add3A_1582] : memref<32x64xf32, #tpu.memory_space<vmem>>[vector<16xi32>, vector<16xi32>], vector<16xf32>,
        %add3A_1584 = arith.constant 32 : i32
        %add3A_1585 = vector.broadcast %add3A_1584 : i32 to vector<16xi32>
        %add3A_1586 = arith.addi %iota3A, %add3A_1585 : vector<16xi32>
        %gather3A_1587 = tpu.vector_load_idx %arg72[%broadcast_in_dim3A, %add3A_1586] : memref<32x64xf32, #tpu.memory_space<vmem>>[vector<16xi32>, vector<16xi32>], vector<16xf32>,
        %add3A_1588 = arith.constant 32 : i32
        %add3A_1589 = vector.broadcast %add3A_1588 : i32 to vector<16xi32>
        %add3A_1590 = arith.addi %iota3A, %add3A_1589 : vector<16xi32>
        %gather3A_1591 = tpu.vector_load_idx %arg73[%broadcast_in_dim3A, %add3A_1590] : memref<32x64xf32, #tpu.memory_space<vmem>>[vector<16xi32>, vector<16xi32>], vector<16xf32>,
        %mul3A_1592 = arith.mulf %gather3A_1583, %gather3A_262 : vector<16xf32>
        %add3A_1593 = arith.addf %mul3A_1592, %gather3A_1587 : vector<16xf32>
        %mul3A_1594 = arith.mulf %add3A_1593, %add3A_1593 : vector<16xf32>
        %mul3A_1595 = arith.constant 2.75573188E-6 : f32
        %mul3A_1596 = vector.broadcast %mul3A_1595 : f32 to vector<16xf32>
        %mul3A_1597 = arith.mulf %mul3A_1596, %mul3A_1594 : vector<16xf32>
        %add3A_1598 = arith.constant -1.98412701E-4 : f32
        %add3A_1599 = vector.broadcast %add3A_1598 : f32 to vector<16xf32>
        %add3A_1600 = arith.addf %mul3A_1597, %add3A_1599 : vector<16xf32>
        %mul3A_1601 = arith.mulf %add3A_1600, %mul3A_1594 : vector<16xf32>
        %add3A_1602 = arith.constant 0.00833333377 : f32
        %add3A_1603 = vector.broadcast %add3A_1602 : f32 to vector<16xf32>
        %add3A_1604 = arith.addf %mul3A_1601, %add3A_1603 : vector<16xf32>
        %mul3A_1605 = arith.mulf %add3A_1604, %mul3A_1594 : vector<16xf32>
        %add3A_1606 = arith.constant -0.166666672 : f32
        %add3A_1607 = vector.broadcast %add3A_1606 : f32 to vector<16xf32>
        %add3A_1608 = arith.addf %mul3A_1605, %add3A_1607 : vector<16xf32>
        %mul3A_1609 = arith.mulf %add3A_1608, %mul3A_1594 : vector<16xf32>
        %add3A_1610 = arith.constant 1.000000e+00 : f32
        %add3A_1611 = vector.broadcast %add3A_1610 : f32 to vector<16xf32>
        %add3A_1612 = arith.addf %mul3A_1609, %add3A_1611 : vector<16xf32>
        %mul3A_1613 = arith.mulf %add3A_1593, %add3A_1612 : vector<16xf32>
        %mul3A_1614 = arith.mulf %gather3A_1591, %mul3A_1613 : vector<16xf32>
        %add3A_1615 = arith.addf %add3A_1579, %mul3A_1614 : vector<16xf32>
        %mul3A_1616 = arith.mulf %gather3A_1175, %gather3A_1179 : vector<16xf32>
        %mul3A_1617 = arith.mulf %mul3A_1616, %gather3A_1183 : vector<16xf32>
        %mul3A_1618 = arith.constant 5.000000e-01 : f32
        %mul3A_1619 = vector.broadcast %mul3A_1618 : f32 to vector<16xf32>
        %mul3A_1620 = arith.mulf %mul3A_1619, %gather3A_1187 : vector<16xf32>
        %mul3A_1621 = arith.mulf %add3A_1294, %add3A_1615 : vector<16xf32>
        %mul3A_1622 = arith.mulf %add3A_1401, %add3A_1508 : vector<16xf32>
        %add3A_1623 = arith.addf %mul3A_1621, %mul3A_1622 : vector<16xf32>
        %mul3A_1624 = arith.mulf %mul3A_1620, %add3A_1623 : vector<16xf32>
        %add3A_1625 = arith.addf %mul3A_1617, %mul3A_1624 : vector<16xf32>
        %add3A_1626 = arith.addf %add3A_1171, %add3A_1625 : vector<16xf32>
        %add3A_1627 = arith.constant 48 : i32
        %add3A_1628 = vector.broadcast %add3A_1627 : i32 to vector<16xi32>
        %add3A_1629 = arith.addi %iota3A, %add3A_1628 : vector<16xi32>
        %gather3A_1630 = tpu.vector_load_idx %arg35[%broadcast_in_dim3A, %add3A_1629] : memref<32x64xf32, #tpu.memory_space<vmem>>[vector<16xi32>, vector<16xi32>], vector<16xf32>,
        %add3A_1631 = arith.constant 48 : i32
        %add3A_1632 = vector.broadcast %add3A_1631 : i32 to vector<16xi32>
        %add3A_1633 = arith.addi %iota3A, %add3A_1632 : vector<16xi32>
        %gather3A_1634 = tpu.vector_load_idx %arg36[%broadcast_in_dim3A, %add3A_1633] : memref<32x64xf32, #tpu.memory_space<vmem>>[vector<16xi32>, vector<16xi32>], vector<16xf32>,
        %add3A_1635 = arith.constant 48 : i32
        %add3A_1636 = vector.broadcast %add3A_1635 : i32 to vector<16xi32>
        %add3A_1637 = arith.addi %iota3A, %add3A_1636 : vector<16xi32>
        %gather3A_1638 = tpu.vector_load_idx %arg37[%broadcast_in_dim3A, %add3A_1637] : memref<32x128xf32, #tpu.memory_space<vmem>>[vector<16xi32>, vector<16xi32>], vector<16xf32>,
        %add3A_1639 = arith.constant 112 : i32
        %add3A_1640 = vector.broadcast %add3A_1639 : i32 to vector<16xi32>
        %add3A_1641 = arith.addi %iota3A, %add3A_1640 : vector<16xi32>
        %gather3A_1642 = tpu.vector_load_idx %arg37[%broadcast_in_dim3A, %add3A_1641] : memref<32x128xf32, #tpu.memory_space<vmem>>[vector<16xi32>, vector<16xi32>], vector<16xf32>,
        %add3A_1643 = arith.constant 48 : i32
        %add3A_1644 = vector.broadcast %add3A_1643 : i32 to vector<16xi32>
        %add3A_1645 = arith.addi %iota3A, %add3A_1644 : vector<16xi32>
        %gather3A_1646 = tpu.vector_load_idx %arg38[%broadcast_in_dim3A, %add3A_1645] : memref<32x64xf32, #tpu.memory_space<vmem>>[vector<16xi32>, vector<16xi32>], vector<16xf32>,
        %add3A_1647 = arith.constant 48 : i32
        %add3A_1648 = vector.broadcast %add3A_1647 : i32 to vector<16xi32>
        %add3A_1649 = arith.addi %iota3A, %add3A_1648 : vector<16xi32>
        %gather3A_1650 = tpu.vector_load_idx %arg39[%broadcast_in_dim3A, %add3A_1649] : memref<32x64xf32, #tpu.memory_space<vmem>>[vector<16xi32>, vector<16xi32>], vector<16xf32>,
        %add3A_1651 = arith.constant 48 : i32
        %add3A_1652 = vector.broadcast %add3A_1651 : i32 to vector<16xi32>
        %add3A_1653 = arith.addi %iota3A, %add3A_1652 : vector<16xi32>
        %gather3A_1654 = tpu.vector_load_idx %arg40[%broadcast_in_dim3A, %add3A_1653] : memref<32x64xf32, #tpu.memory_space<vmem>>[vector<16xi32>, vector<16xi32>], vector<16xf32>,
        %mul3A_1655 = arith.mulf %gather3A_1646, %gather3A : vector<16xf32>
        %add3A_1656 = arith.addf %mul3A_1655, %gather3A_1650 : vector<16xf32>
        %mul3A_1657 = arith.mulf %add3A_1656, %add3A_1656 : vector<16xf32>
        %mul3A_1658 = arith.constant 2.75573188E-6 : f32
        %mul3A_1659 = vector.broadcast %mul3A_1658 : f32 to vector<16xf32>
        %mul3A_1660 = arith.mulf %mul3A_1659, %mul3A_1657 : vector<16xf32>
        %add3A_1661 = arith.constant -1.98412701E-4 : f32
        %add3A_1662 = vector.broadcast %add3A_1661 : f32 to vector<16xf32>
        %add3A_1663 = arith.addf %mul3A_1660, %add3A_1662 : vector<16xf32>
        %mul3A_1664 = arith.mulf %add3A_1663, %mul3A_1657 : vector<16xf32>
        %add3A_1665 = arith.constant 0.00833333377 : f32
        %add3A_1666 = vector.broadcast %add3A_1665 : f32 to vector<16xf32>
        %add3A_1667 = arith.addf %mul3A_1664, %add3A_1666 : vector<16xf32>
        %mul3A_1668 = arith.mulf %add3A_1667, %mul3A_1657 : vector<16xf32>
        %add3A_1669 = arith.constant -0.166666672 : f32
        %add3A_1670 = vector.broadcast %add3A_1669 : f32 to vector<16xf32>
        %add3A_1671 = arith.addf %mul3A_1668, %add3A_1670 : vector<16xf32>
        %mul3A_1672 = arith.mulf %add3A_1671, %mul3A_1657 : vector<16xf32>
        %add3A_1673 = arith.constant 1.000000e+00 : f32
        %add3A_1674 = vector.broadcast %add3A_1673 : f32 to vector<16xf32>
        %add3A_1675 = arith.addf %mul3A_1672, %add3A_1674 : vector<16xf32>
        %mul3A_1676 = arith.mulf %add3A_1656, %add3A_1675 : vector<16xf32>
        %mul3A_1677 = arith.mulf %gather3A_1654, %mul3A_1676 : vector<16xf32>
        %add3A_1678 = arith.constant 48 : i32
        %add3A_1679 = vector.broadcast %add3A_1678 : i32 to vector<16xi32>
        %add3A_1680 = arith.addi %iota3A, %add3A_1679 : vector<16xi32>
        %gather3A_1681 = tpu.vector_load_idx %arg41[%broadcast_in_dim3A, %add3A_1680] : memref<32x64xf32, #tpu.memory_space<vmem>>[vector<16xi32>, vector<16xi32>], vector<16xf32>,
        %add3A_1682 = arith.constant 48 : i32
        %add3A_1683 = vector.broadcast %add3A_1682 : i32 to vector<16xi32>
        %add3A_1684 = arith.addi %iota3A, %add3A_1683 : vector<16xi32>
        %gather3A_1685 = tpu.vector_load_idx %arg42[%broadcast_in_dim3A, %add3A_1684] : memref<32x64xf32, #tpu.memory_space<vmem>>[vector<16xi32>, vector<16xi32>], vector<16xf32>,
        %add3A_1686 = arith.constant 48 : i32
        %add3A_1687 = vector.broadcast %add3A_1686 : i32 to vector<16xi32>
        %add3A_1688 = arith.addi %iota3A, %add3A_1687 : vector<16xi32>
        %gather3A_1689 = tpu.vector_load_idx %arg43[%broadcast_in_dim3A, %add3A_1688] : memref<32x64xf32, #tpu.memory_space<vmem>>[vector<16xi32>, vector<16xi32>], vector<16xf32>,
        %mul3A_1690 = arith.mulf %gather3A_1681, %gather3A_261 : vector<16xf32>
        %add3A_1691 = arith.addf %mul3A_1690, %gather3A_1685 : vector<16xf32>
        %mul3A_1692 = arith.mulf %add3A_1691, %add3A_1691 : vector<16xf32>
        %mul3A_1693 = arith.constant 2.75573188E-6 : f32
        %mul3A_1694 = vector.broadcast %mul3A_1693 : f32 to vector<16xf32>
        %mul3A_1695 = arith.mulf %mul3A_1694, %mul3A_1692 : vector<16xf32>
        %add3A_1696 = arith.constant -1.98412701E-4 : f32
        %add3A_1697 = vector.broadcast %add3A_1696 : f32 to vector<16xf32>
        %add3A_1698 = arith.addf %mul3A_1695, %add3A_1697 : vector<16xf32>
        %mul3A_1699 = arith.mulf %add3A_1698, %mul3A_1692 : vector<16xf32>
        %add3A_1700 = arith.constant 0.00833333377 : f32
        %add3A_1701 = vector.broadcast %add3A_1700 : f32 to vector<16xf32>
        %add3A_1702 = arith.addf %mul3A_1699, %add3A_1701 : vector<16xf32>
        %mul3A_1703 = arith.mulf %add3A_1702, %mul3A_1692 : vector<16xf32>
        %add3A_1704 = arith.constant -0.166666672 : f32
        %add3A_1705 = vector.broadcast %add3A_1704 : f32 to vector<16xf32>
        %add3A_1706 = arith.addf %mul3A_1703, %add3A_1705 : vector<16xf32>
        %mul3A_1707 = arith.mulf %add3A_1706, %mul3A_1692 : vector<16xf32>
        %add3A_1708 = arith.constant 1.000000e+00 : f32
        %add3A_1709 = vector.broadcast %add3A_1708 : f32 to vector<16xf32>
        %add3A_1710 = arith.addf %mul3A_1707, %add3A_1709 : vector<16xf32>
        %mul3A_1711 = arith.mulf %add3A_1691, %add3A_1710 : vector<16xf32>
        %mul3A_1712 = arith.mulf %gather3A_1689, %mul3A_1711 : vector<16xf32>
        %add3A_1713 = arith.addf %mul3A_1677, %mul3A_1712 : vector<16xf32>
        %add3A_1714 = arith.constant 48 : i32
        %add3A_1715 = vector.broadcast %add3A_1714 : i32 to vector<16xi32>
        %add3A_1716 = arith.addi %iota3A, %add3A_1715 : vector<16xi32>
        %gather3A_1717 = tpu.vector_load_idx %arg44[%broadcast_in_dim3A, %add3A_1716] : memref<32x64xf32, #tpu.memory_space<vmem>>[vector<16xi32>, vector<16xi32>], vector<16xf32>,
        %add3A_1718 = arith.constant 48 : i32
        %add3A_1719 = vector.broadcast %add3A_1718 : i32 to vector<16xi32>
        %add3A_1720 = arith.addi %iota3A, %add3A_1719 : vector<16xi32>
        %gather3A_1721 = tpu.vector_load_idx %arg45[%broadcast_in_dim3A, %add3A_1720] : memref<32x64xf32, #tpu.memory_space<vmem>>[vector<16xi32>, vector<16xi32>], vector<16xf32>,
        %add3A_1722 = arith.constant 48 : i32
        %add3A_1723 = vector.broadcast %add3A_1722 : i32 to vector<16xi32>
        %add3A_1724 = arith.addi %iota3A, %add3A_1723 : vector<16xi32>
        %gather3A_1725 = tpu.vector_load_idx %arg46[%broadcast_in_dim3A, %add3A_1724] : memref<32x64xf32, #tpu.memory_space<vmem>>[vector<16xi32>, vector<16xi32>], vector<16xf32>,
        %mul3A_1726 = arith.mulf %gather3A_1717, %gather3A_262 : vector<16xf32>
        %add3A_1727 = arith.addf %mul3A_1726, %gather3A_1721 : vector<16xf32>
        %mul3A_1728 = arith.mulf %add3A_1727, %add3A_1727 : vector<16xf32>
        %mul3A_1729 = arith.constant 2.75573188E-6 : f32
        %mul3A_1730 = vector.broadcast %mul3A_1729 : f32 to vector<16xf32>
        %mul3A_1731 = arith.mulf %mul3A_1730, %mul3A_1728 : vector<16xf32>
        %add3A_1732 = arith.constant -1.98412701E-4 : f32
        %add3A_1733 = vector.broadcast %add3A_1732 : f32 to vector<16xf32>
        %add3A_1734 = arith.addf %mul3A_1731, %add3A_1733 : vector<16xf32>
        %mul3A_1735 = arith.mulf %add3A_1734, %mul3A_1728 : vector<16xf32>
        %add3A_1736 = arith.constant 0.00833333377 : f32
        %add3A_1737 = vector.broadcast %add3A_1736 : f32 to vector<16xf32>
        %add3A_1738 = arith.addf %mul3A_1735, %add3A_1737 : vector<16xf32>
        %mul3A_1739 = arith.mulf %add3A_1738, %mul3A_1728 : vector<16xf32>
        %add3A_1740 = arith.constant -0.166666672 : f32
        %add3A_1741 = vector.broadcast %add3A_1740 : f32 to vector<16xf32>
        %add3A_1742 = arith.addf %mul3A_1739, %add3A_1741 : vector<16xf32>
        %mul3A_1743 = arith.mulf %add3A_1742, %mul3A_1728 : vector<16xf32>
        %add3A_1744 = arith.constant 1.000000e+00 : f32
        %add3A_1745 = vector.broadcast %add3A_1744 : f32 to vector<16xf32>
        %add3A_1746 = arith.addf %mul3A_1743, %add3A_1745 : vector<16xf32>
        %mul3A_1747 = arith.mulf %add3A_1727, %add3A_1746 : vector<16xf32>
        %mul3A_1748 = arith.mulf %gather3A_1725, %mul3A_1747 : vector<16xf32>
        %add3A_1749 = arith.addf %add3A_1713, %mul3A_1748 : vector<16xf32>
        %add3A_1750 = arith.constant 48 : i32
        %add3A_1751 = vector.broadcast %add3A_1750 : i32 to vector<16xi32>
        %add3A_1752 = arith.addi %iota3A, %add3A_1751 : vector<16xi32>
        %gather3A_1753 = tpu.vector_load_idx %arg56[%broadcast_in_dim3A, %add3A_1752] : memref<32x64xf32, #tpu.memory_space<vmem>>[vector<16xi32>, vector<16xi32>], vector<16xf32>,
        %add3A_1754 = arith.constant 48 : i32
        %add3A_1755 = vector.broadcast %add3A_1754 : i32 to vector<16xi32>
        %add3A_1756 = arith.addi %iota3A, %add3A_1755 : vector<16xi32>
        %gather3A_1757 = tpu.vector_load_idx %arg57[%broadcast_in_dim3A, %add3A_1756] : memref<32x64xf32, #tpu.memory_space<vmem>>[vector<16xi32>, vector<16xi32>], vector<16xf32>,
        %add3A_1758 = arith.constant 48 : i32
        %add3A_1759 = vector.broadcast %add3A_1758 : i32 to vector<16xi32>
        %add3A_1760 = arith.addi %iota3A, %add3A_1759 : vector<16xi32>
        %gather3A_1761 = tpu.vector_load_idx %arg58[%broadcast_in_dim3A, %add3A_1760] : memref<32x64xf32, #tpu.memory_space<vmem>>[vector<16xi32>, vector<16xi32>], vector<16xf32>,
        %mul3A_1762 = arith.mulf %gather3A_1753, %gather3A : vector<16xf32>
        %add3A_1763 = arith.addf %mul3A_1762, %gather3A_1757 : vector<16xf32>
        %mul3A_1764 = arith.mulf %add3A_1763, %add3A_1763 : vector<16xf32>
        %mul3A_1765 = arith.constant 2.75573188E-6 : f32
        %mul3A_1766 = vector.broadcast %mul3A_1765 : f32 to vector<16xf32>
        %mul3A_1767 = arith.mulf %mul3A_1766, %mul3A_1764 : vector<16xf32>
        %add3A_1768 = arith.constant -1.98412701E-4 : f32
        %add3A_1769 = vector.broadcast %add3A_1768 : f32 to vector<16xf32>
        %add3A_1770 = arith.addf %mul3A_1767, %add3A_1769 : vector<16xf32>
        %mul3A_1771 = arith.mulf %add3A_1770, %mul3A_1764 : vector<16xf32>
        %add3A_1772 = arith.constant 0.00833333377 : f32
        %add3A_1773 = vector.broadcast %add3A_1772 : f32 to vector<16xf32>
        %add3A_1774 = arith.addf %mul3A_1771, %add3A_1773 : vector<16xf32>
        %mul3A_1775 = arith.mulf %add3A_1774, %mul3A_1764 : vector<16xf32>
        %add3A_1776 = arith.constant -0.166666672 : f32
        %add3A_1777 = vector.broadcast %add3A_1776 : f32 to vector<16xf32>
        %add3A_1778 = arith.addf %mul3A_1775, %add3A_1777 : vector<16xf32>
        %mul3A_1779 = arith.mulf %add3A_1778, %mul3A_1764 : vector<16xf32>
        %add3A_1780 = arith.constant 1.000000e+00 : f32
        %add3A_1781 = vector.broadcast %add3A_1780 : f32 to vector<16xf32>
        %add3A_1782 = arith.addf %mul3A_1779, %add3A_1781 : vector<16xf32>
        %mul3A_1783 = arith.mulf %add3A_1763, %add3A_1782 : vector<16xf32>
        %mul3A_1784 = arith.mulf %gather3A_1761, %mul3A_1783 : vector<16xf32>
        %add3A_1785 = arith.constant 48 : i32
        %add3A_1786 = vector.broadcast %add3A_1785 : i32 to vector<16xi32>
        %add3A_1787 = arith.addi %iota3A, %add3A_1786 : vector<16xi32>
        %gather3A_1788 = tpu.vector_load_idx %arg59[%broadcast_in_dim3A, %add3A_1787] : memref<32x64xf32, #tpu.memory_space<vmem>>[vector<16xi32>, vector<16xi32>], vector<16xf32>,
        %add3A_1789 = arith.constant 48 : i32
        %add3A_1790 = vector.broadcast %add3A_1789 : i32 to vector<16xi32>
        %add3A_1791 = arith.addi %iota3A, %add3A_1790 : vector<16xi32>
        %gather3A_1792 = tpu.vector_load_idx %arg60[%broadcast_in_dim3A, %add3A_1791] : memref<32x64xf32, #tpu.memory_space<vmem>>[vector<16xi32>, vector<16xi32>], vector<16xf32>,
        %add3A_1793 = arith.constant 48 : i32
        %add3A_1794 = vector.broadcast %add3A_1793 : i32 to vector<16xi32>
        %add3A_1795 = arith.addi %iota3A, %add3A_1794 : vector<16xi32>
        %gather3A_1796 = tpu.vector_load_idx %arg61[%broadcast_in_dim3A, %add3A_1795] : memref<32x64xf32, #tpu.memory_space<vmem>>[vector<16xi32>, vector<16xi32>], vector<16xf32>,
        %mul3A_1797 = arith.mulf %gather3A_1788, %gather3A_261 : vector<16xf32>
        %add3A_1798 = arith.addf %mul3A_1797, %gather3A_1792 : vector<16xf32>
        %mul3A_1799 = arith.mulf %add3A_1798, %add3A_1798 : vector<16xf32>
        %mul3A_1800 = arith.constant 2.75573188E-6 : f32
        %mul3A_1801 = vector.broadcast %mul3A_1800 : f32 to vector<16xf32>
        %mul3A_1802 = arith.mulf %mul3A_1801, %mul3A_1799 : vector<16xf32>
        %add3A_1803 = arith.constant -1.98412701E-4 : f32
        %add3A_1804 = vector.broadcast %add3A_1803 : f32 to vector<16xf32>
        %add3A_1805 = arith.addf %mul3A_1802, %add3A_1804 : vector<16xf32>
        %mul3A_1806 = arith.mulf %add3A_1805, %mul3A_1799 : vector<16xf32>
        %add3A_1807 = arith.constant 0.00833333377 : f32
        %add3A_1808 = vector.broadcast %add3A_1807 : f32 to vector<16xf32>
        %add3A_1809 = arith.addf %mul3A_1806, %add3A_1808 : vector<16xf32>
        %mul3A_1810 = arith.mulf %add3A_1809, %mul3A_1799 : vector<16xf32>
        %add3A_1811 = arith.constant -0.166666672 : f32
        %add3A_1812 = vector.broadcast %add3A_1811 : f32 to vector<16xf32>
        %add3A_1813 = arith.addf %mul3A_1810, %add3A_1812 : vector<16xf32>
        %mul3A_1814 = arith.mulf %add3A_1813, %mul3A_1799 : vector<16xf32>
        %add3A_1815 = arith.constant 1.000000e+00 : f32
        %add3A_1816 = vector.broadcast %add3A_1815 : f32 to vector<16xf32>
        %add3A_1817 = arith.addf %mul3A_1814, %add3A_1816 : vector<16xf32>
        %mul3A_1818 = arith.mulf %add3A_1798, %add3A_1817 : vector<16xf32>
        %mul3A_1819 = arith.mulf %gather3A_1796, %mul3A_1818 : vector<16xf32>
        %add3A_1820 = arith.addf %mul3A_1784, %mul3A_1819 : vector<16xf32>
        %add3A_1821 = arith.constant 48 : i32
        %add3A_1822 = vector.broadcast %add3A_1821 : i32 to vector<16xi32>
        %add3A_1823 = arith.addi %iota3A, %add3A_1822 : vector<16xi32>
        %gather3A_1824 = tpu.vector_load_idx %arg62[%broadcast_in_dim3A, %add3A_1823] : memref<32x64xf32, #tpu.memory_space<vmem>>[vector<16xi32>, vector<16xi32>], vector<16xf32>,
        %add3A_1825 = arith.constant 48 : i32
        %add3A_1826 = vector.broadcast %add3A_1825 : i32 to vector<16xi32>
        %add3A_1827 = arith.addi %iota3A, %add3A_1826 : vector<16xi32>
        %gather3A_1828 = tpu.vector_load_idx %arg63[%broadcast_in_dim3A, %add3A_1827] : memref<32x64xf32, #tpu.memory_space<vmem>>[vector<16xi32>, vector<16xi32>], vector<16xf32>,
        %add3A_1829 = arith.constant 48 : i32
        %add3A_1830 = vector.broadcast %add3A_1829 : i32 to vector<16xi32>
        %add3A_1831 = arith.addi %iota3A, %add3A_1830 : vector<16xi32>
        %gather3A_1832 = tpu.vector_load_idx %arg64[%broadcast_in_dim3A, %add3A_1831] : memref<32x64xf32, #tpu.memory_space<vmem>>[vector<16xi32>, vector<16xi32>], vector<16xf32>,
        %mul3A_1833 = arith.mulf %gather3A_1824, %gather3A_262 : vector<16xf32>
        %add3A_1834 = arith.addf %mul3A_1833, %gather3A_1828 : vector<16xf32>
        %mul3A_1835 = arith.mulf %add3A_1834, %add3A_1834 : vector<16xf32>
        %mul3A_1836 = arith.constant 2.75573188E-6 : f32
        %mul3A_1837 = vector.broadcast %mul3A_1836 : f32 to vector<16xf32>
        %mul3A_1838 = arith.mulf %mul3A_1837, %mul3A_1835 : vector<16xf32>
        %add3A_1839 = arith.constant -1.98412701E-4 : f32
        %add3A_1840 = vector.broadcast %add3A_1839 : f32 to vector<16xf32>
        %add3A_1841 = arith.addf %mul3A_1838, %add3A_1840 : vector<16xf32>
        %mul3A_1842 = arith.mulf %add3A_1841, %mul3A_1835 : vector<16xf32>
        %add3A_1843 = arith.constant 0.00833333377 : f32
        %add3A_1844 = vector.broadcast %add3A_1843 : f32 to vector<16xf32>
        %add3A_1845 = arith.addf %mul3A_1842, %add3A_1844 : vector<16xf32>
        %mul3A_1846 = arith.mulf %add3A_1845, %mul3A_1835 : vector<16xf32>
        %add3A_1847 = arith.constant -0.166666672 : f32
        %add3A_1848 = vector.broadcast %add3A_1847 : f32 to vector<16xf32>
        %add3A_1849 = arith.addf %mul3A_1846, %add3A_1848 : vector<16xf32>
        %mul3A_1850 = arith.mulf %add3A_1849, %mul3A_1835 : vector<16xf32>
        %add3A_1851 = arith.constant 1.000000e+00 : f32
        %add3A_1852 = vector.broadcast %add3A_1851 : f32 to vector<16xf32>
        %add3A_1853 = arith.addf %mul3A_1850, %add3A_1852 : vector<16xf32>
        %mul3A_1854 = arith.mulf %add3A_1834, %add3A_1853 : vector<16xf32>
        %mul3A_1855 = arith.mulf %gather3A_1832, %mul3A_1854 : vector<16xf32>
        %add3A_1856 = arith.addf %add3A_1820, %mul3A_1855 : vector<16xf32>
        %add3A_1857 = arith.constant 48 : i32
        %add3A_1858 = vector.broadcast %add3A_1857 : i32 to vector<16xi32>
        %add3A_1859 = arith.addi %iota3A, %add3A_1858 : vector<16xi32>
        %gather3A_1860 = tpu.vector_load_idx %arg47[%broadcast_in_dim3A, %add3A_1859] : memref<32x64xf32, #tpu.memory_space<vmem>>[vector<16xi32>, vector<16xi32>], vector<16xf32>,
        %add3A_1861 = arith.constant 48 : i32
        %add3A_1862 = vector.broadcast %add3A_1861 : i32 to vector<16xi32>
        %add3A_1863 = arith.addi %iota3A, %add3A_1862 : vector<16xi32>
        %gather3A_1864 = tpu.vector_load_idx %arg48[%broadcast_in_dim3A, %add3A_1863] : memref<32x64xf32, #tpu.memory_space<vmem>>[vector<16xi32>, vector<16xi32>], vector<16xf32>,
        %add3A_1865 = arith.constant 48 : i32
        %add3A_1866 = vector.broadcast %add3A_1865 : i32 to vector<16xi32>
        %add3A_1867 = arith.addi %iota3A, %add3A_1866 : vector<16xi32>
        %gather3A_1868 = tpu.vector_load_idx %arg49[%broadcast_in_dim3A, %add3A_1867] : memref<32x64xf32, #tpu.memory_space<vmem>>[vector<16xi32>, vector<16xi32>], vector<16xf32>,
        %mul3A_1869 = arith.mulf %gather3A_1860, %gather3A : vector<16xf32>
        %add3A_1870 = arith.addf %mul3A_1869, %gather3A_1864 : vector<16xf32>
        %mul3A_1871 = arith.mulf %add3A_1870, %add3A_1870 : vector<16xf32>
        %mul3A_1872 = arith.constant 2.75573188E-6 : f32
        %mul3A_1873 = vector.broadcast %mul3A_1872 : f32 to vector<16xf32>
        %mul3A_1874 = arith.mulf %mul3A_1873, %mul3A_1871 : vector<16xf32>
        %add3A_1875 = arith.constant -1.98412701E-4 : f32
        %add3A_1876 = vector.broadcast %add3A_1875 : f32 to vector<16xf32>
        %add3A_1877 = arith.addf %mul3A_1874, %add3A_1876 : vector<16xf32>
        %mul3A_1878 = arith.mulf %add3A_1877, %mul3A_1871 : vector<16xf32>
        %add3A_1879 = arith.constant 0.00833333377 : f32
        %add3A_1880 = vector.broadcast %add3A_1879 : f32 to vector<16xf32>
        %add3A_1881 = arith.addf %mul3A_1878, %add3A_1880 : vector<16xf32>
        %mul3A_1882 = arith.mulf %add3A_1881, %mul3A_1871 : vector<16xf32>
        %add3A_1883 = arith.constant -0.166666672 : f32
        %add3A_1884 = vector.broadcast %add3A_1883 : f32 to vector<16xf32>
        %add3A_1885 = arith.addf %mul3A_1882, %add3A_1884 : vector<16xf32>
        %mul3A_1886 = arith.mulf %add3A_1885, %mul3A_1871 : vector<16xf32>
        %add3A_1887 = arith.constant 1.000000e+00 : f32
        %add3A_1888 = vector.broadcast %add3A_1887 : f32 to vector<16xf32>
        %add3A_1889 = arith.addf %mul3A_1886, %add3A_1888 : vector<16xf32>
        %mul3A_1890 = arith.mulf %add3A_1870, %add3A_1889 : vector<16xf32>
        %mul3A_1891 = arith.mulf %gather3A_1868, %mul3A_1890 : vector<16xf32>
        %add3A_1892 = arith.constant 48 : i32
        %add3A_1893 = vector.broadcast %add3A_1892 : i32 to vector<16xi32>
        %add3A_1894 = arith.addi %iota3A, %add3A_1893 : vector<16xi32>
        %gather3A_1895 = tpu.vector_load_idx %arg50[%broadcast_in_dim3A, %add3A_1894] : memref<32x64xf32, #tpu.memory_space<vmem>>[vector<16xi32>, vector<16xi32>], vector<16xf32>,
        %add3A_1896 = arith.constant 48 : i32
        %add3A_1897 = vector.broadcast %add3A_1896 : i32 to vector<16xi32>
        %add3A_1898 = arith.addi %iota3A, %add3A_1897 : vector<16xi32>
        %gather3A_1899 = tpu.vector_load_idx %arg51[%broadcast_in_dim3A, %add3A_1898] : memref<32x64xf32, #tpu.memory_space<vmem>>[vector<16xi32>, vector<16xi32>], vector<16xf32>,
        %add3A_1900 = arith.constant 48 : i32
        %add3A_1901 = vector.broadcast %add3A_1900 : i32 to vector<16xi32>
        %add3A_1902 = arith.addi %iota3A, %add3A_1901 : vector<16xi32>
        %gather3A_1903 = tpu.vector_load_idx %arg52[%broadcast_in_dim3A, %add3A_1902] : memref<32x64xf32, #tpu.memory_space<vmem>>[vector<16xi32>, vector<16xi32>], vector<16xf32>,
        %mul3A_1904 = arith.mulf %gather3A_1895, %gather3A_261 : vector<16xf32>
        %add3A_1905 = arith.addf %mul3A_1904, %gather3A_1899 : vector<16xf32>
        %mul3A_1906 = arith.mulf %add3A_1905, %add3A_1905 : vector<16xf32>
        %mul3A_1907 = arith.constant 2.75573188E-6 : f32
        %mul3A_1908 = vector.broadcast %mul3A_1907 : f32 to vector<16xf32>
        %mul3A_1909 = arith.mulf %mul3A_1908, %mul3A_1906 : vector<16xf32>
        %add3A_1910 = arith.constant -1.98412701E-4 : f32
        %add3A_1911 = vector.broadcast %add3A_1910 : f32 to vector<16xf32>
        %add3A_1912 = arith.addf %mul3A_1909, %add3A_1911 : vector<16xf32>
        %mul3A_1913 = arith.mulf %add3A_1912, %mul3A_1906 : vector<16xf32>
        %add3A_1914 = arith.constant 0.00833333377 : f32
        %add3A_1915 = vector.broadcast %add3A_1914 : f32 to vector<16xf32>
        %add3A_1916 = arith.addf %mul3A_1913, %add3A_1915 : vector<16xf32>
        %mul3A_1917 = arith.mulf %add3A_1916, %mul3A_1906 : vector<16xf32>
        %add3A_1918 = arith.constant -0.166666672 : f32
        %add3A_1919 = vector.broadcast %add3A_1918 : f32 to vector<16xf32>
        %add3A_1920 = arith.addf %mul3A_1917, %add3A_1919 : vector<16xf32>
        %mul3A_1921 = arith.mulf %add3A_1920, %mul3A_1906 : vector<16xf32>
        %add3A_1922 = arith.constant 1.000000e+00 : f32
        %add3A_1923 = vector.broadcast %add3A_1922 : f32 to vector<16xf32>
        %add3A_1924 = arith.addf %mul3A_1921, %add3A_1923 : vector<16xf32>
        %mul3A_1925 = arith.mulf %add3A_1905, %add3A_1924 : vector<16xf32>
        %mul3A_1926 = arith.mulf %gather3A_1903, %mul3A_1925 : vector<16xf32>
        %add3A_1927 = arith.addf %mul3A_1891, %mul3A_1926 : vector<16xf32>
        %add3A_1928 = arith.constant 48 : i32
        %add3A_1929 = vector.broadcast %add3A_1928 : i32 to vector<16xi32>
        %add3A_1930 = arith.addi %iota3A, %add3A_1929 : vector<16xi32>
        %gather3A_1931 = tpu.vector_load_idx %arg53[%broadcast_in_dim3A, %add3A_1930] : memref<32x64xf32, #tpu.memory_space<vmem>>[vector<16xi32>, vector<16xi32>], vector<16xf32>,
        %add3A_1932 = arith.constant 48 : i32
        %add3A_1933 = vector.broadcast %add3A_1932 : i32 to vector<16xi32>
        %add3A_1934 = arith.addi %iota3A, %add3A_1933 : vector<16xi32>
        %gather3A_1935 = tpu.vector_load_idx %arg54[%broadcast_in_dim3A, %add3A_1934] : memref<32x64xf32, #tpu.memory_space<vmem>>[vector<16xi32>, vector<16xi32>], vector<16xf32>,
        %add3A_1936 = arith.constant 48 : i32
        %add3A_1937 = vector.broadcast %add3A_1936 : i32 to vector<16xi32>
        %add3A_1938 = arith.addi %iota3A, %add3A_1937 : vector<16xi32>
        %gather3A_1939 = tpu.vector_load_idx %arg55[%broadcast_in_dim3A, %add3A_1938] : memref<32x64xf32, #tpu.memory_space<vmem>>[vector<16xi32>, vector<16xi32>], vector<16xf32>,
        %mul3A_1940 = arith.mulf %gather3A_1931, %gather3A_262 : vector<16xf32>
        %add3A_1941 = arith.addf %mul3A_1940, %gather3A_1935 : vector<16xf32>
        %mul3A_1942 = arith.mulf %add3A_1941, %add3A_1941 : vector<16xf32>
        %mul3A_1943 = arith.constant 2.75573188E-6 : f32
        %mul3A_1944 = vector.broadcast %mul3A_1943 : f32 to vector<16xf32>
        %mul3A_1945 = arith.mulf %mul3A_1944, %mul3A_1942 : vector<16xf32>
        %add3A_1946 = arith.constant -1.98412701E-4 : f32
        %add3A_1947 = vector.broadcast %add3A_1946 : f32 to vector<16xf32>
        %add3A_1948 = arith.addf %mul3A_1945, %add3A_1947 : vector<16xf32>
        %mul3A_1949 = arith.mulf %add3A_1948, %mul3A_1942 : vector<16xf32>
        %add3A_1950 = arith.constant 0.00833333377 : f32
        %add3A_1951 = vector.broadcast %add3A_1950 : f32 to vector<16xf32>
        %add3A_1952 = arith.addf %mul3A_1949, %add3A_1951 : vector<16xf32>
        %mul3A_1953 = arith.mulf %add3A_1952, %mul3A_1942 : vector<16xf32>
        %add3A_1954 = arith.constant -0.166666672 : f32
        %add3A_1955 = vector.broadcast %add3A_1954 : f32 to vector<16xf32>
        %add3A_1956 = arith.addf %mul3A_1953, %add3A_1955 : vector<16xf32>
        %mul3A_1957 = arith.mulf %add3A_1956, %mul3A_1942 : vector<16xf32>
        %add3A_1958 = arith.constant 1.000000e+00 : f32
        %add3A_1959 = vector.broadcast %add3A_1958 : f32 to vector<16xf32>
        %add3A_1960 = arith.addf %mul3A_1957, %add3A_1959 : vector<16xf32>
        %mul3A_1961 = arith.mulf %add3A_1941, %add3A_1960 : vector<16xf32>
        %mul3A_1962 = arith.mulf %gather3A_1939, %mul3A_1961 : vector<16xf32>
        %add3A_1963 = arith.addf %add3A_1927, %mul3A_1962 : vector<16xf32>
        %add3A_1964 = arith.constant 48 : i32
        %add3A_1965 = vector.broadcast %add3A_1964 : i32 to vector<16xi32>
        %add3A_1966 = arith.addi %iota3A, %add3A_1965 : vector<16xi32>
        %gather3A_1967 = tpu.vector_load_idx %arg65[%broadcast_in_dim3A, %add3A_1966] : memref<32x64xf32, #tpu.memory_space<vmem>>[vector<16xi32>, vector<16xi32>], vector<16xf32>,
        %add3A_1968 = arith.constant 48 : i32
        %add3A_1969 = vector.broadcast %add3A_1968 : i32 to vector<16xi32>
        %add3A_1970 = arith.addi %iota3A, %add3A_1969 : vector<16xi32>
        %gather3A_1971 = tpu.vector_load_idx %arg66[%broadcast_in_dim3A, %add3A_1970] : memref<32x64xf32, #tpu.memory_space<vmem>>[vector<16xi32>, vector<16xi32>], vector<16xf32>,
        %add3A_1972 = arith.constant 48 : i32
        %add3A_1973 = vector.broadcast %add3A_1972 : i32 to vector<16xi32>
        %add3A_1974 = arith.addi %iota3A, %add3A_1973 : vector<16xi32>
        %gather3A_1975 = tpu.vector_load_idx %arg67[%broadcast_in_dim3A, %add3A_1974] : memref<32x64xf32, #tpu.memory_space<vmem>>[vector<16xi32>, vector<16xi32>], vector<16xf32>,
        %mul3A_1976 = arith.mulf %gather3A_1967, %gather3A : vector<16xf32>
        %add3A_1977 = arith.addf %mul3A_1976, %gather3A_1971 : vector<16xf32>
        %mul3A_1978 = arith.mulf %add3A_1977, %add3A_1977 : vector<16xf32>
        %mul3A_1979 = arith.constant 2.75573188E-6 : f32
        %mul3A_1980 = vector.broadcast %mul3A_1979 : f32 to vector<16xf32>
        %mul3A_1981 = arith.mulf %mul3A_1980, %mul3A_1978 : vector<16xf32>
        %add3A_1982 = arith.constant -1.98412701E-4 : f32
        %add3A_1983 = vector.broadcast %add3A_1982 : f32 to vector<16xf32>
        %add3A_1984 = arith.addf %mul3A_1981, %add3A_1983 : vector<16xf32>
        %mul3A_1985 = arith.mulf %add3A_1984, %mul3A_1978 : vector<16xf32>
        %add3A_1986 = arith.constant 0.00833333377 : f32
        %add3A_1987 = vector.broadcast %add3A_1986 : f32 to vector<16xf32>
        %add3A_1988 = arith.addf %mul3A_1985, %add3A_1987 : vector<16xf32>
        %mul3A_1989 = arith.mulf %add3A_1988, %mul3A_1978 : vector<16xf32>
        %add3A_1990 = arith.constant -0.166666672 : f32
        %add3A_1991 = vector.broadcast %add3A_1990 : f32 to vector<16xf32>
        %add3A_1992 = arith.addf %mul3A_1989, %add3A_1991 : vector<16xf32>
        %mul3A_1993 = arith.mulf %add3A_1992, %mul3A_1978 : vector<16xf32>
        %add3A_1994 = arith.constant 1.000000e+00 : f32
        %add3A_1995 = vector.broadcast %add3A_1994 : f32 to vector<16xf32>
        %add3A_1996 = arith.addf %mul3A_1993, %add3A_1995 : vector<16xf32>
        %mul3A_1997 = arith.mulf %add3A_1977, %add3A_1996 : vector<16xf32>
        %mul3A_1998 = arith.mulf %gather3A_1975, %mul3A_1997 : vector<16xf32>
        %add3A_1999 = arith.constant 48 : i32
        %add3A_2000 = vector.broadcast %add3A_1999 : i32 to vector<16xi32>
        %add3A_2001 = arith.addi %iota3A, %add3A_2000 : vector<16xi32>
        %gather3A_2002 = tpu.vector_load_idx %arg68[%broadcast_in_dim3A, %add3A_2001] : memref<32x64xf32, #tpu.memory_space<vmem>>[vector<16xi32>, vector<16xi32>], vector<16xf32>,
        %add3A_2003 = arith.constant 48 : i32
        %add3A_2004 = vector.broadcast %add3A_2003 : i32 to vector<16xi32>
        %add3A_2005 = arith.addi %iota3A, %add3A_2004 : vector<16xi32>
        %gather3A_2006 = tpu.vector_load_idx %arg69[%broadcast_in_dim3A, %add3A_2005] : memref<32x64xf32, #tpu.memory_space<vmem>>[vector<16xi32>, vector<16xi32>], vector<16xf32>,
        %add3A_2007 = arith.constant 48 : i32
        %add3A_2008 = vector.broadcast %add3A_2007 : i32 to vector<16xi32>
        %add3A_2009 = arith.addi %iota3A, %add3A_2008 : vector<16xi32>
        %gather3A_2010 = tpu.vector_load_idx %arg70[%broadcast_in_dim3A, %add3A_2009] : memref<32x64xf32, #tpu.memory_space<vmem>>[vector<16xi32>, vector<16xi32>], vector<16xf32>,
        %mul3A_2011 = arith.mulf %gather3A_2002, %gather3A_261 : vector<16xf32>
        %add3A_2012 = arith.addf %mul3A_2011, %gather3A_2006 : vector<16xf32>
        %mul3A_2013 = arith.mulf %add3A_2012, %add3A_2012 : vector<16xf32>
        %mul3A_2014 = arith.constant 2.75573188E-6 : f32
        %mul3A_2015 = vector.broadcast %mul3A_2014 : f32 to vector<16xf32>
        %mul3A_2016 = arith.mulf %mul3A_2015, %mul3A_2013 : vector<16xf32>
        %add3A_2017 = arith.constant -1.98412701E-4 : f32
        %add3A_2018 = vector.broadcast %add3A_2017 : f32 to vector<16xf32>
        %add3A_2019 = arith.addf %mul3A_2016, %add3A_2018 : vector<16xf32>
        %mul3A_2020 = arith.mulf %add3A_2019, %mul3A_2013 : vector<16xf32>
        %add3A_2021 = arith.constant 0.00833333377 : f32
        %add3A_2022 = vector.broadcast %add3A_2021 : f32 to vector<16xf32>
        %add3A_2023 = arith.addf %mul3A_2020, %add3A_2022 : vector<16xf32>
        %mul3A_2024 = arith.mulf %add3A_2023, %mul3A_2013 : vector<16xf32>
        %add3A_2025 = arith.constant -0.166666672 : f32
        %add3A_2026 = vector.broadcast %add3A_2025 : f32 to vector<16xf32>
        %add3A_2027 = arith.addf %mul3A_2024, %add3A_2026 : vector<16xf32>
        %mul3A_2028 = arith.mulf %add3A_2027, %mul3A_2013 : vector<16xf32>
        %add3A_2029 = arith.constant 1.000000e+00 : f32
        %add3A_2030 = vector.broadcast %add3A_2029 : f32 to vector<16xf32>
        %add3A_2031 = arith.addf %mul3A_2028, %add3A_2030 : vector<16xf32>
        %mul3A_2032 = arith.mulf %add3A_2012, %add3A_2031 : vector<16xf32>
        %mul3A_2033 = arith.mulf %gather3A_2010, %mul3A_2032 : vector<16xf32>
        %add3A_2034 = arith.addf %mul3A_1998, %mul3A_2033 : vector<16xf32>
        %add3A_2035 = arith.constant 48 : i32
        %add3A_2036 = vector.broadcast %add3A_2035 : i32 to vector<16xi32>
        %add3A_2037 = arith.addi %iota3A, %add3A_2036 : vector<16xi32>
        %gather3A_2038 = tpu.vector_load_idx %arg71[%broadcast_in_dim3A, %add3A_2037] : memref<32x64xf32, #tpu.memory_space<vmem>>[vector<16xi32>, vector<16xi32>], vector<16xf32>,
        %add3A_2039 = arith.constant 48 : i32
        %add3A_2040 = vector.broadcast %add3A_2039 : i32 to vector<16xi32>
        %add3A_2041 = arith.addi %iota3A, %add3A_2040 : vector<16xi32>
        %gather3A_2042 = tpu.vector_load_idx %arg72[%broadcast_in_dim3A, %add3A_2041] : memref<32x64xf32, #tpu.memory_space<vmem>>[vector<16xi32>, vector<16xi32>], vector<16xf32>,
        %add3A_2043 = arith.constant 48 : i32
        %add3A_2044 = vector.broadcast %add3A_2043 : i32 to vector<16xi32>
        %add3A_2045 = arith.addi %iota3A, %add3A_2044 : vector<16xi32>
        %gather3A_2046 = tpu.vector_load_idx %arg73[%broadcast_in_dim3A, %add3A_2045] : memref<32x64xf32, #tpu.memory_space<vmem>>[vector<16xi32>, vector<16xi32>], vector<16xf32>,
        %mul3A_2047 = arith.mulf %gather3A_2038, %gather3A_262 : vector<16xf32>
        %add3A_2048 = arith.addf %mul3A_2047, %gather3A_2042 : vector<16xf32>
        %mul3A_2049 = arith.mulf %add3A_2048, %add3A_2048 : vector<16xf32>
        %mul3A_2050 = arith.constant 2.75573188E-6 : f32
        %mul3A_2051 = vector.broadcast %mul3A_2050 : f32 to vector<16xf32>
        %mul3A_2052 = arith.mulf %mul3A_2051, %mul3A_2049 : vector<16xf32>
        %add3A_2053 = arith.constant -1.98412701E-4 : f32
        %add3A_2054 = vector.broadcast %add3A_2053 : f32 to vector<16xf32>
        %add3A_2055 = arith.addf %mul3A_2052, %add3A_2054 : vector<16xf32>
        %mul3A_2056 = arith.mulf %add3A_2055, %mul3A_2049 : vector<16xf32>
        %add3A_2057 = arith.constant 0.00833333377 : f32
        %add3A_2058 = vector.broadcast %add3A_2057 : f32 to vector<16xf32>
        %add3A_2059 = arith.addf %mul3A_2056, %add3A_2058 : vector<16xf32>
        %mul3A_2060 = arith.mulf %add3A_2059, %mul3A_2049 : vector<16xf32>
        %add3A_2061 = arith.constant -0.166666672 : f32
        %add3A_2062 = vector.broadcast %add3A_2061 : f32 to vector<16xf32>
        %add3A_2063 = arith.addf %mul3A_2060, %add3A_2062 : vector<16xf32>
        %mul3A_2064 = arith.mulf %add3A_2063, %mul3A_2049 : vector<16xf32>
        %add3A_2065 = arith.constant 1.000000e+00 : f32
        %add3A_2066 = vector.broadcast %add3A_2065 : f32 to vector<16xf32>
        %add3A_2067 = arith.addf %mul3A_2064, %add3A_2066 : vector<16xf32>
        %mul3A_2068 = arith.mulf %add3A_2048, %add3A_2067 : vector<16xf32>
        %mul3A_2069 = arith.mulf %gather3A_2046, %mul3A_2068 : vector<16xf32>
        %add3A_2070 = arith.addf %add3A_2034, %mul3A_2069 : vector<16xf32>
        %mul3A_2071 = arith.mulf %gather3A_1630, %gather3A_1634 : vector<16xf32>
        %mul3A_2072 = arith.mulf %mul3A_2071, %gather3A_1638 : vector<16xf32>
        %mul3A_2073 = arith.constant 5.000000e-01 : f32
        %mul3A_2074 = vector.broadcast %mul3A_2073 : f32 to vector<16xf32>
        %mul3A_2075 = arith.mulf %mul3A_2074, %gather3A_1642 : vector<16xf32>
        %mul3A_2076 = arith.mulf %add3A_1749, %add3A_2070 : vector<16xf32>
        %mul3A_2077 = arith.mulf %add3A_1856, %add3A_1963 : vector<16xf32>
        %add3A_2078 = arith.addf %mul3A_2076, %mul3A_2077 : vector<16xf32>
        %mul3A_2079 = arith.mulf %mul3A_2075, %add3A_2078 : vector<16xf32>
        %add3A_2080 = arith.addf %mul3A_2072, %mul3A_2079 : vector<16xf32>
        %add3A_2081 = arith.addf %add3A_1626, %add3A_2080 : vector<16xf32>
        tpu.vector_store_idx %arg74[%broadcast_in_dim3A, %iota3A], %add3A_2081 : memref<32x128xf32, #tpu.memory_space<vmem>>[vector<16xi32>, vector<16xi32>], vector<16xf32>,
      }
      %scan3A_251 = arith.constant 32 : i32
      %scan3A_252 = arith.constant 0 : i32
      %scan3A_253 = arith.constant 0 : i32
      %scan3A_254 = arith.constant 2 : i32
      %scan3A_255 = arith.addi %scan3A_253, %scan3A_254 : i32
      %scan3A_256 = arith.constant 1 : i32
      scf.for %scan3A_258 = %scan3A_253 to %scan3A_255 step %scan3A_256  : i32 {
        %mul3A_259 = arith.constant 16 : i32
        %mul3A_260 = arith.muli %scan3A_258, %mul3A_259 : i32
        %add3A_261 = vector.broadcast %mul3A_260 : i32 to vector<16xi32>
        %add3A_262 = arith.addi %iota3A, %add3A_261 : vector<16xi32>
        %broadcast_in_dim3A = arith.constant 0.000000e+00 : f32
        %broadcast_in_dim3A_263 = vector.broadcast %broadcast_in_dim3A : f32 to vector<16xf32>
        %broadcast_in_dim3A_264 = arith.constant 0 : i32
        %broadcast_in_dim3A_265 = vector.broadcast %broadcast_in_dim3A_264 : i32 to vector<16xi32>
        %gather3A = tpu.vector_load_idx %arg74[%add3A_262, %broadcast_in_dim3A_265] : memref<32x128xf32, #tpu.memory_space<vmem>>[vector<16xi32>, vector<16xi32>], vector<16xf32>,
        %add3A_266 = arith.addf %broadcast_in_dim3A_263, %gather3A : vector<16xf32>
        %broadcast_in_dim3A_267 = arith.constant 1 : i32
        %broadcast_in_dim3A_268 = vector.broadcast %broadcast_in_dim3A_267 : i32 to vector<16xi32>
        %gather3A_269 = tpu.vector_load_idx %arg74[%add3A_262, %broadcast_in_dim3A_268] : memref<32x128xf32, #tpu.memory_space<vmem>>[vector<16xi32>, vector<16xi32>], vector<16xf32>,
        %add3A_270 = arith.addf %add3A_266, %gather3A_269 : vector<16xf32>
        %broadcast_in_dim3A_271 = arith.constant 2 : i32
        %broadcast_in_dim3A_272 = vector.broadcast %broadcast_in_dim3A_271 : i32 to vector<16xi32>
        %gather3A_273 = tpu.vector_load_idx %arg74[%add3A_262, %broadcast_in_dim3A_272] : memref<32x128xf32, #tpu.memory_space<vmem>>[vector<16xi32>, vector<16xi32>], vector<16xf32>,
        %add3A_274 = arith.addf %add3A_270, %gather3A_273 : vector<16xf32>
        %broadcast_in_dim3A_275 = arith.constant 3 : i32
        %broadcast_in_dim3A_276 = vector.broadcast %broadcast_in_dim3A_275 : i32 to vector<16xi32>
        %gather3A_277 = tpu.vector_load_idx %arg74[%add3A_262, %broadcast_in_dim3A_276] : memref<32x128xf32, #tpu.memory_space<vmem>>[vector<16xi32>, vector<16xi32>], vector<16xf32>,
        %add3A_278 = arith.addf %add3A_274, %gather3A_277 : vector<16xf32>
        %broadcast_in_dim3A_279 = arith.constant 4 : i32
        %broadcast_in_dim3A_280 = vector.broadcast %broadcast_in_dim3A_279 : i32 to vector<16xi32>
        %gather3A_281 = tpu.vector_load_idx %arg74[%add3A_262, %broadcast_in_dim3A_280] : memref<32x128xf32, #tpu.memory_space<vmem>>[vector<16xi32>, vector<16xi32>], vector<16xf32>,
        %add3A_282 = arith.addf %add3A_278, %gather3A_281 : vector<16xf32>
        %broadcast_in_dim3A_283 = arith.constant 5 : i32
        %broadcast_in_dim3A_284 = vector.broadcast %broadcast_in_dim3A_283 : i32 to vector<16xi32>
        %gather3A_285 = tpu.vector_load_idx %arg74[%add3A_262, %broadcast_in_dim3A_284] : memref<32x128xf32, #tpu.memory_space<vmem>>[vector<16xi32>, vector<16xi32>], vector<16xf32>,
        %add3A_286 = arith.addf %add3A_282, %gather3A_285 : vector<16xf32>
        %broadcast_in_dim3A_287 = arith.constant 6 : i32
        %broadcast_in_dim3A_288 = vector.broadcast %broadcast_in_dim3A_287 : i32 to vector<16xi32>
        %gather3A_289 = tpu.vector_load_idx %arg74[%add3A_262, %broadcast_in_dim3A_288] : memref<32x128xf32, #tpu.memory_space<vmem>>[vector<16xi32>, vector<16xi32>], vector<16xf32>,
        %add3A_290 = arith.addf %add3A_286, %gather3A_289 : vector<16xf32>
        %broadcast_in_dim3A_291 = arith.constant 7 : i32
        %broadcast_in_dim3A_292 = vector.broadcast %broadcast_in_dim3A_291 : i32 to vector<16xi32>
        %gather3A_293 = tpu.vector_load_idx %arg74[%add3A_262, %broadcast_in_dim3A_292] : memref<32x128xf32, #tpu.memory_space<vmem>>[vector<16xi32>, vector<16xi32>], vector<16xf32>,
        %add3A_294 = arith.addf %add3A_290, %gather3A_293 : vector<16xf32>
        %broadcast_in_dim3A_295 = arith.constant 8 : i32
        %broadcast_in_dim3A_296 = vector.broadcast %broadcast_in_dim3A_295 : i32 to vector<16xi32>
        %gather3A_297 = tpu.vector_load_idx %arg74[%add3A_262, %broadcast_in_dim3A_296] : memref<32x128xf32, #tpu.memory_space<vmem>>[vector<16xi32>, vector<16xi32>], vector<16xf32>,
        %add3A_298 = arith.addf %add3A_294, %gather3A_297 : vector<16xf32>
        %broadcast_in_dim3A_299 = arith.constant 9 : i32
        %broadcast_in_dim3A_300 = vector.broadcast %broadcast_in_dim3A_299 : i32 to vector<16xi32>
        %gather3A_301 = tpu.vector_load_idx %arg74[%add3A_262, %broadcast_in_dim3A_300] : memref<32x128xf32, #tpu.memory_space<vmem>>[vector<16xi32>, vector<16xi32>], vector<16xf32>,
        %add3A_302 = arith.addf %add3A_298, %gather3A_301 : vector<16xf32>
        %broadcast_in_dim3A_303 = arith.constant 10 : i32
        %broadcast_in_dim3A_304 = vector.broadcast %broadcast_in_dim3A_303 : i32 to vector<16xi32>
        %gather3A_305 = tpu.vector_load_idx %arg74[%add3A_262, %broadcast_in_dim3A_304] : memref<32x128xf32, #tpu.memory_space<vmem>>[vector<16xi32>, vector<16xi32>], vector<16xf32>,
        %add3A_306 = arith.addf %add3A_302, %gather3A_305 : vector<16xf32>
        %broadcast_in_dim3A_307 = arith.constant 11 : i32
        %broadcast_in_dim3A_308 = vector.broadcast %broadcast_in_dim3A_307 : i32 to vector<16xi32>
        %gather3A_309 = tpu.vector_load_idx %arg74[%add3A_262, %broadcast_in_dim3A_308] : memref<32x128xf32, #tpu.memory_space<vmem>>[vector<16xi32>, vector<16xi32>], vector<16xf32>,
        %add3A_310 = arith.addf %add3A_306, %gather3A_309 : vector<16xf32>
        %broadcast_in_dim3A_311 = arith.constant 12 : i32
        %broadcast_in_dim3A_312 = vector.broadcast %broadcast_in_dim3A_311 : i32 to vector<16xi32>
        %gather3A_313 = tpu.vector_load_idx %arg74[%add3A_262, %broadcast_in_dim3A_312] : memref<32x128xf32, #tpu.memory_space<vmem>>[vector<16xi32>, vector<16xi32>], vector<16xf32>,
        %add3A_314 = arith.addf %add3A_310, %gather3A_313 : vector<16xf32>
        %broadcast_in_dim3A_315 = arith.constant 13 : i32
        %broadcast_in_dim3A_316 = vector.broadcast %broadcast_in_dim3A_315 : i32 to vector<16xi32>
        %gather3A_317 = tpu.vector_load_idx %arg74[%add3A_262, %broadcast_in_dim3A_316] : memref<32x128xf32, #tpu.memory_space<vmem>>[vector<16xi32>, vector<16xi32>], vector<16xf32>,
        %add3A_318 = arith.addf %add3A_314, %gather3A_317 : vector<16xf32>
        %broadcast_in_dim3A_319 = arith.constant 14 : i32
        %broadcast_in_dim3A_320 = vector.broadcast %broadcast_in_dim3A_319 : i32 to vector<16xi32>
        %gather3A_321 = tpu.vector_load_idx %arg74[%add3A_262, %broadcast_in_dim3A_320] : memref<32x128xf32, #tpu.memory_space<vmem>>[vector<16xi32>, vector<16xi32>], vector<16xf32>,
        %add3A_322 = arith.addf %add3A_318, %gather3A_321 : vector<16xf32>
        %broadcast_in_dim3A_323 = arith.constant 15 : i32
        %broadcast_in_dim3A_324 = vector.broadcast %broadcast_in_dim3A_323 : i32 to vector<16xi32>
        %gather3A_325 = tpu.vector_load_idx %arg74[%add3A_262, %broadcast_in_dim3A_324] : memref<32x128xf32, #tpu.memory_space<vmem>>[vector<16xi32>, vector<16xi32>], vector<16xf32>,
        %add3A_326 = arith.addf %add3A_322, %gather3A_325 : vector<16xf32>
        %mul3A_327 = arith.constant 16 : i32
        %mul3A_328 = arith.muli %scan3A_258, %mul3A_327 : i32
        %swap3A = arith.index_cast %mul3A_328 : i32 to index
        %swap3A_329 = tpu.vector_load %arg75[%swap3A] {strides = array<i32>} : memref<32xf32, #tpu.memory_space<vmem>>, vector<16xf32>,
        tpu.vector_store %arg75[%swap3A], %add3A_326 {strides = array<i32>} : memref<32xf32, #tpu.memory_space<vmem>>, vector<16xf32>,
      }
      %scan3A_257 = arith.constant 2 : i32
      "tpu.region"() ({
        %run_scoped3A_258 = tpu.sem_alloc : memref<!tpu.dma_semaphore, #tpu.memory_space<semaphore_mem>>
        %dma_start3A_259 = tpu.memref_slice %arg28[%add3A_11] : memref<16384xf32, #tpu.memory_space<hbm>> -> memref<32xf32, #tpu.memory_space<hbm>>
        %dma_start3A_260 = tpu.memref_slice %arg28[%add3A_11] : memref<16384xf32, #tpu.memory_space<hbm>> -> memref<32xf32, #tpu.memory_space<hbm>>
        tpu.enqueue_dma source(%arg75 : memref<32xf32, #tpu.memory_space<vmem>>) target(%dma_start3A_260 : memref<32xf32, #tpu.memory_space<hbm>>) target_semaphore(%run_scoped3A_258 : memref<!tpu.dma_semaphore, #tpu.memory_space<semaphore_mem>>)
        %dma_wait3A_261 = tpu.memref_slice %arg28[%add3A_11] : memref<16384xf32, #tpu.memory_space<hbm>> -> memref<32xf32, #tpu.memory_space<hbm>>
        %dma_wait3A_262 = tpu.memref_slice %arg28[%add3A_11] : memref<16384xf32, #tpu.memory_space<hbm>> -> memref<32xf32, #tpu.memory_space<hbm>>
        tpu.wait_dma2 semaphore(%run_scoped3A_258 : memref<!tpu.dma_semaphore, #tpu.memory_space<semaphore_mem>>) src(%arg75 : memref<32xf32, #tpu.memory_space<vmem>>) dst(%dma_wait3A_262 : memref<32xf32, #tpu.memory_space<hbm>>)
        tpu.yield
      }) : () -> ()
    }
    %scan3A_7 = arith.constant 16 : i32
    return
  }
}

</mosaic_0001>

<sc_bundles>
// kernel: _run.3.cloned.1.call-start
scs
__scs_entry_jumppad:
0x0: {  	(pc) =	sbr.rel $0x88, $3  }
0x1: {  	(tag) =	ssettag $0x0;
	lr =	simm.s32 $0x1  }
0x2: {  	[smem:$0x3F87] =	sst lr;
	_ =	strace $0xD0000000  }
0x3: {  	_ = 	snop  }
0x4: {  	_ = 	snop  }
0x5: {  	_ = 	snop  }
0x6: {  	_ = 	snop  }
0x7: {  	_ = 	snop  }
__scs_overlays_trampoline_lowered:
0x8: {  	[smem:$0x3F96] =	sst s0  }
0x9: {  	[smem:$0x3F97] =	sst s1  }
0xa: {  	[smem:$0x3F98] =	sst s2  }
0xb: {  	[smem:$0x3F99] =	sst s3  }
0xc: {  	[smem:$0x3F9A] =	sst s4  }
0xd: {  	[smem:$0x3F9B] =	sst s5  }
0xe: {  	[smem:$0x3F9C] =	sst s6  }
0xf: {  	[smem:$0x3F9D] =	sst s7  }
0x10: {  	[smem:$0x3F9E] =	sst s8  }
0x11: {  	[smem:$0x3F9F] =	sst s9;
	s0 =	simm.s32 @!p0 $0x0  }
0x12: {  	s1 =	sld [smem:$0x3F85];
	s0 =	simm.s32 @p0 $0x1  }
0x13: {  	[smem:$0x3FA0] =	sst s0;
	s0 =	simm.s32 @!p1 $0x0  }
0x14: {  	s2 =	sld [smem:$0x3F84];
	s0 =	simm.s32 @p1 $0x1  }
0x15: {  	[smem:$0x3FA1] =	sst s0;
	s0 =	simm.s32 @!p2 $0x0  }
0x16: {  	s3 =	sld [smem:$0x3FDB];
	s0 =	simm.s32 @p2 $0x1  }
0x17: {  	s4 =	simm.s32 $0x1BF5;
	[smem:$0x3FA3] =	sst s0  }
0x18: {  	s0 =	sld [smem:$0x3F86];
	_ =	swait.ge [sflag:s4], $0x0  }
0x19: {  	s7 =	sld [smem:$0x3F87]  }
0x1a: {  	s8 =	sadd.s32 $0xFFFFE003, lr  }
0x1b: {  	s9 =	sadd.s32 $0xFFFFFEF7, lr;
	s5 =	simm.s32 $0xFFFFFFFF;
	p2 =	slt.u32 s8, $0xFFFFF086  }
0x1c: {  	p1 =	slt.u32 s9, $0xF7A;
	s5 =	simm.s32 @!p2 $0x0  }
0x1d: {  	s5 =	simm.s32 @p1 $0x1;
	p0 =	seq.s32 s7, s2  }
0x1e: {  	s7 =	smul.u32 @!p0 $0xF7A, s2;
	p2 =	seq.s32 @!p0 s5, $0x0  }
0x1f: {  	s9 =	smul.u32 $0xF7A, s1;
	s8 =	simm.s32 @!p0 $0x1BF5;
	p2 =	por !p2, p0  }
0x20: {  	[sflag:s8] =	ssyncset.s32 @!p0 $0xFFFFF086;
	s6 =	sadd.s32 @!p0 s3, s7;
	s7 =	simm.s32 @!p0 $0x108  }
0x21: {  	s3 =	sadd.s32 s3, s9;
	s6 =	sadd.s32 @!p0 $0x88, s6;
	s7 =	simm.s32 @p2 $0x1082  }
0x22: {  	[simem:s7], [sflag:s8] =	dma.local @!p0 [hbm:s6], $0xF7A  }
0x23: {  	s9 =	sor.u32 $0xD0000000, s2;
	s6 =	simm.s32 $0x108;
	_ =	swait.ge @!p0 [sflag:s8], $0x0  }
0x24: {  	s3 =	sadd.s32 $0x88, s3;
	s6 =	simm.s32 @!p1 $0x1082;
	[sflag:s4] =	ssyncset.s32 $0xFFFFF086  }
0x25: {  	[simem:s6], [sflag:s4] =	dma.local [hbm:s3], $0xF7A  }
0x26: {  	[smem:$0x3F87] =	sst s1;
	(tag) =	ssettag s2;
	_ =	strace s9  }
0x27: {  	s1 =	sld [smem:$0x3F97]  }
0x28: {  	s2 =	sld [smem:$0x3F98]  }
0x29: {  	s4 =	sld [smem:$0x3F9A]  }
0x2a: {  	p0 =	seq.s32 s5, $0x0;
	s5 =	sld [smem:$0x3F9B]  }
0x2b: {  	s6 =	sld [smem:$0x3F9C]  }
0x2c: {  	s7 =	sld [smem:$0x3F9D]  }
0x2d: {  	s3 =	simm.s32 $0x108;
	s8 =	sld [smem:$0x3F9E]  }
0x2e: {  	s3 =	simm.s32 @!p0 $0x1082;
	s9 =	sld [smem:$0x3F9F]  }
0x2f: {  	lr =	sadd.s32 s0, s3;
	s0 =	sld [smem:$0x3F96]  }
0x30: {  	s3 =	sld [smem:$0x3F99]  }
0x31: {  	[smem:$0x3FA2] =	sst s10  }
0x32: {  	s10 =	sld [smem:$0x3FA0];
	_ =	sdelay $0x3  }
0x33: {  	p0 =	seq.s32 s10, $0x1;
	s10 =	sld [smem:$0x3FA2];
	_ =	sdelay $0x3  }
0x34: {  	[smem:$0x3FA2] =	sst s10  }
0x35: {  	s10 =	sld [smem:$0x3FA1];
	_ =	sdelay $0x3  }
0x36: {  	p1 =	seq.s32 s10, $0x1;
	s10 =	sld [smem:$0x3FA2];
	_ =	sdelay $0x3  }
0x37: {  	[smem:$0x3FA2] =	sst s10  }
0x38: {  	s10 =	sld [smem:$0x3FA3]  }
0x39: {  	_ = 	snop;
	(pc) =	sbr.ind lr, $3  }
0x3a: {  	_ = 	snop  }
0x3b: {  	_ = 	snop  }
0x3c: {  	p2 =	seq.s32 s10, $0x1;
	s10 =	sld [smem:$0x3FA2]  }
0x3d: {  	_ =	shalt  }
0x3e: {  	_ =	shalt  }
0x3f: {  	_ =	shalt  }
0x40: {  	_ =	shalt  }
0x41: {  	_ =	shalt  }
0x42: {  	_ =	shalt  }
0x43: {  	_ =	shalt  }
0x44: {  	_ =	shalt  }
0x45: {  	_ =	shalt  }
0x46: {  	_ =	shalt  }
0x47: {  	_ =	shalt  }
0x48: {  	_ =	shalt  }
0x49: {  	_ =	shalt  }
0x4a: {  	_ =	shalt  }
0x4b: {  	_ =	shalt  }
0x4c: {  	_ =	shalt  }
0x4d: {  	_ =	shalt  }
0x4e: {  	_ =	shalt  }
0x4f: {  	_ =	shalt  }
0x50: {  	_ =	shalt  }
0x51: {  	_ =	shalt  }
0x52: {  	_ =	shalt  }
0x53: {  	_ =	shalt  }
0x54: {  	_ =	shalt  }
0x55: {  	_ =	shalt  }
0x56: {  	_ =	shalt  }
0x57: {  	_ =	shalt  }
0x58: {  	_ =	shalt  }
0x59: {  	_ =	shalt  }
0x5a: {  	_ =	shalt  }
0x5b: {  	_ =	shalt  }
0x5c: {  	_ =	shalt  }
0x5d: {  	_ =	shalt  }
0x5e: {  	_ =	shalt  }
0x5f: {  	_ =	shalt  }
0x60: {  	_ =	shalt  }
0x61: {  	_ =	shalt  }
0x62: {  	_ =	shalt  }
0x63: {  	_ =	shalt  }
0x64: {  	_ =	shalt  }
0x65: {  	_ =	shalt  }
0x66: {  	_ =	shalt  }
0x67: {  	_ =	shalt  }
0x68: {  	_ =	shalt  }
0x69: {  	_ =	shalt  }
0x6a: {  	_ =	shalt  }
0x6b: {  	_ =	shalt  }
0x6c: {  	_ =	shalt  }
0x6d: {  	_ =	shalt  }
0x6e: {  	_ =	shalt  }
0x6f: {  	_ =	shalt  }
0x70: {  	_ =	shalt  }
0x71: {  	_ =	shalt  }
0x72: {  	_ =	shalt  }
0x73: {  	_ =	shalt  }
0x74: {  	_ =	shalt  }
0x75: {  	_ =	shalt  }
0x76: {  	_ =	shalt  }
0x77: {  	_ =	shalt  }
0x78: {  	_ =	shalt  }
0x79: {  	_ =	shalt  }
0x7a: {  	_ =	shalt  }
0x7b: {  	_ =	shalt  }
0x7c: {  	_ =	shalt  }
0x7d: {  	_ =	shalt  }
0x7e: {  	_ =	shalt  }
0x7f: {  	_ =	shalt  }
0x80: {  	_ =	shalt  }
0x81: {  	_ =	shalt  }
0x82: {  	_ =	shalt  }
0x83: {  	_ =	shalt  }
0x84: {  	_ =	shalt  }
0x85: {  	_ =	shalt  }
0x86: {  	_ =	shalt  }
0x87: {  	_ =	shalt  }
.Lfunc_end0:
.L_simem_size_0:
called_computation_lowered:
.L_overlay_start_0:
0x88: {  	s2 =	sld [smem:$0x3FD9]  }
0x89: {  	s3 =	sld [smem:$0x3FFE];
	_ =	sdelay $0x1  }
0x8a: {  	s1 =	srdreg.scid  }
0x8b: {  	s0 =	sand.u32 $0x1, s1  }
0x8c: {  	s17 =	sshll.u32 s0, $0xA;
	s2 =	sadd.s32 s3, s2  }
0x8d: {  	s2 =	sadd.s32 s2, s17  }
0x8e: {  	[smem:$0x3FAE] =	sst s2  }
0x8f: {  	_ = 	snop  }
0x90: {  	s2 =	sld [smem:$0x3FC9]  }
0x91: {  	s18 =	sld [smem:$0x3FC8]  }
0x92: {  	s4 =	sld [smem:$0x3FC7]  }
0x93: {  	s5 =	sld [smem:$0x3FC6]  }
0x94: {  	s6 =	sld [smem:$0x3FC5]  }
0x95: {  	s7 =	sld [smem:$0x3FC4]  }
0x96: {  	s8 =	sld [smem:$0x3FC2]  }
0x97: {  	s9 =	sld [smem:$0x3FD0];
	(tm) =	ssettm $0x1  }
0x98: {  	s10 =	sld [smem:$0x3FFB];
	_ =	sdelay $0x3  }
0x99: {  	_ =	strace s10  }
0x9a: {  	s10 =	sld [smem:$0x3FFC];
	_ =	sdelay $0x3  }
0x9b: {  	_ =	strace s10  }
0x9c: {  	s10 =	sld [smem:$0x3FFD];
	_ =	sdelay $0x3  }
0x9d: {  	_ =	strace s10  }
0x9e: {  	_ =	strace $0x8FFFFFFF  }
0x9f: {  	s19 =	sld [smem:$0x3FDB];
	_ =	sdelay $0x1  }
0xa0: {  	s11 =	simm.s32 $_scs_section_size  }
0xa1: {  	s12 =	simm.s32 $_size__tile_overlayer_lowered;
	s13 =	simm.s32 $_tile_overlayer_lowered  }
0xa2: {  	s22 =	simm.s32 $0x1BFF;
	s21 =	sshll.u32 s13, $0x1;
	s10 =	sadd.s32 s11, s19  }
0xa3: {  	s14 =	simm.s32 $0x0;
	s20 =	sshll.u32 s12, $0x1;
	s12 =	sadd.s32 s21, s10  }
0xa4: {  	[timem:s14], [sflag:s22] =	dma.local [hbm:s12], s20  }
0xa5: {  	_ =	swait.ge [sflag:s22], s20  }
0xa6: {  	s11 =	ssub.s32 $0x0, s20;
	[sflag:s22] =	ssyncset.done $0x0  }
0xa7: {  	[sflag:s22] =	ssyncadd.s32 s11;
	_ =	sdelay $0x1  }
0xa8: {  	s23 =	simm.s32 $0x1B8B  }
0xa9: {  	_ =	swait.ge [sflag:s23], $0x1  }
0xaa: {  	[sflag:s23] =	ssyncset.done $0x0  }
0xab: {  	s25 =	simm.s32 $0x1B8E;
	s24 =	sld [smem:$0x3FFE];
	[sflag:s23] =	ssyncadd.s32 $0xFFFFFFFF  }
0xac: {  	s26 =	simm.s32 $execute0_lowered;
	[smem:$0x3FD2] =	sst s25  }
0xad: {  	s12 =	sshll.u32 s26, $0x1;
	_ =	strace $0x80000046;
	[dreg:$0x1] =	wrdreg $0xFFFFFFFF  }
0xae: {  	s28 =	simm.s32 $_size_execute0_lowered;
	s10 =	sadd.s32 s10, s12;
	[dreg:$0x0] =	wrdreg $0x0  }
0xaf: {  	s12 =	sshll.u32 s28, $0x1;
	[dreg:$0x2] =	wrdreg s10  }
0xb0: {  	[dreg:$0x3] =	wrdreg s12  }
0xb1: {  	[dreg:$0x4] =	wrdreg $0xC0  }
0xb2: {  	_ =	task [dreg:s14], $0x5FFFF  }
0xb3: {  	[dreg:$0x1] =	wrdreg $0xFFFFFFFF  }
0xb4: {  	[dreg:$0x0] =	wrdreg $0x60  }
0xb5: {  	[dreg:$0x2] =	wrdreg s2  }
0xb6: {  	[dreg:$0x3] =	wrdreg s18  }
0xb7: {  	[dreg:$0x4] =	wrdreg s4  }
0xb8: {  	[dreg:$0x5] =	wrdreg s5  }
0xb9: {  	[dreg:$0x6] =	wrdreg s6  }
0xba: {  	[dreg:$0x7] =	wrdreg s7  }
0xbb: {  	[dreg:$0x8] =	wrdreg s24  }
0xbc: {  	[dreg:$0x9] =	wrdreg s8  }
0xbd: {  	[dreg:$0xa] =	wrdreg s9  }
0xbe: {  	[dreg:$0xb] =	wrdreg $0x9  }
0xbf: {  	_ =	task.clear_ibuf [dreg:s14], $0xCFFFF;
	_ =	strace $0x90000046  }
0xc0: {  	s29 =	simm.s32 $0x9;
	_ =	strace $0x80000048  }
0xc1: {  	_ =	swait.ge [sflag:s29], $0x1  }
0xc2: {  	[sflag:s29] =	ssyncadd.s32 $0xFFFFFFFF  }
0xc3: {  	_ =	strace $0x90000048  }
0xc4: {  	_ =	sfence  }
0xc5: {  	s30 =	sld [smem:$0x0];
	_ =	sdelay $0x2  }
0xc6: {  	s31 =	sshll.u32 s1, $0xD;
	s1 =	sshrl.u32 s1, $0x2  }
0xc7: {  	s3 =	sand.u32 $0x4000, s31;
	s1 =	sadd.s32 s1, s30  }
0xc8: {  	s0 =	sor.u32 s3, s0;
	s1 =	sshll.u32 s1, $0x11  }
0xc9: {  	s0 =	sor.u32 s1, s0  }
0xca: {  	s0 =	sadd.s32 $0x8F2B, s0  }
0xcb: {  	[sflag:s0] =	ssyncadd.remote.s32 $0x1  }
0xcc: {  	_ =	sfence.sel $0xFFFF  }
0xcd: {  	[dreg:$0x0] =	wrdreg $0xFFFFFFFF;
	(pc) =	sbr.abs _section_cstart, $3  }
0xce: {  	[dreg:$0x1] =	wrdreg $0xFFFFFFFF  }
0xcf: {  	_ =	task.clear_ibuf [dreg:s14], $0x2FFFF;
	_ =	strace $0x9FFFFFFF  }
0xd0: {  	(tm) =	ssettm $0x7FFFFFFF  }
0xd1: {  	_ =	shalt  }
tec
execute0_lowered:
.L_overlay_start_1:
0x0: {  	(tag) =	ssettag $0x1  }
0x1: {  	s0 =	rddreg [dreg:$0x6];
	s1 =	simm.s32 $0x0  }
0x2: {  	[smem:$0x7FF] =	sst s1;
	s11 =	sadd.s32 $0x196A00, s0  }
0x3: {  	s12 =	sadd.s32 $0x25A000, s0;
	_ =	strace $0x80000047;
	[dreg:$0xa] =	wrdreg s11  }
0x4: {  	s13 =	sadd.s32 $0x31D600, s0;
	[dreg:$0xb] =	wrdreg s12  }
0x5: {  	s14 =	sadd.s32 $0x3E0C00, s0;
	[dreg:$0xc] =	wrdreg s13  }
0x6: {  	s15 =	sadd.s32 $0x4A4200, s0;
	[dreg:$0xd] =	wrdreg s14  }
0x7: {  	s2 =	sadd.s32 $0x567800, s0;
	[dreg:$0xe] =	wrdreg s15  }
0x8: {  	s17 =	sadd.s32 $0x62AE00, s0;
	[dreg:$0xf] =	wrdreg s2  }
0x9: {  	s18 =	sadd.s32 $0x6EE400, s0;
	[dreg:$0x10] =	wrdreg s17  }
0xa: {  	s19 =	sadd.s32 $0x7B1A00, s0;
	[dreg:$0x11] =	wrdreg s18  }
0xb: {  	s3 =	sadd.s32 $0x938600, s0;
	[dreg:$0x12] =	wrdreg s19  }
0xc: {  	s21 =	sadd.s32 $0x9FBC00, s0;
	[dreg:$0x13] =	wrdreg s3  }
0xd: {  	s4 =	sadd.s32 $0xABF200, s0;
	[dreg:$0x14] =	wrdreg s21  }
0xe: {  	s16 =	srdreg.scid;
	s24 =	sadd.s32 $0xB82800, s0;
	[dreg:$0x15] =	wrdreg s4  }
0xf: {  	s23 =	stileid.u32;
	s25 =	sadd.s32 $0xC45E00, s0;
	[dreg:$0x16] =	wrdreg s24  }
0x10: {  	s1 =	sand.u32 $0x1, s16;
	s26 =	sadd.s32 $0xD09400, s0;
	[dreg:$0x18] =	wrdreg s25  }
0x11: {  	s28 =	sadd.s32 $0x875000, s0;
	s29 =	sadd.s32 $0xDCCA00, s0;
	[dreg:$0x19] =	wrdreg s26  }
0x12: {  	s30 =	sadd.s32 $0xE90000, s0;
	s0 =	sadd.s32 $0xF53600, s0;
	[dreg:$0x1a] =	wrdreg s28  }
0x13: {  	s20 =	ssub.s32 $0x2, s1;
	s1 =	sshll.u32 s1, $0x6;
	[dreg:$0x1b] =	wrdreg s29  }
0x14: {  	v0 =	vlaneseq.u32;
	s3 =	sshll.u32 s23, $0x7;
	[dreg:$0x1c] =	wrdreg s30;
	s22 =	sshrl.u32 s20, $0x1  }
0x15: {  	v1 =	vor.u32 $0x40, v0;
	[dreg:$0x1d] =	wrdreg s0;
	s1 =	sor.u32 s1, s3;
	s2 =	ssub.s32 s20, s22  }
0x16: {  	v2 =	vor.u32 $0x10, v0;
	v3 =	vor.u32 $0x50, v0;
	v4 =	vor.u32 $0x20, v0;
	[dreg:$0x17] =	wrdreg s1;
	s31 =	smax.u32 s2, $0x1  }
0x17: {  	s7 =	simm.s32 $0x11E0;
	v5 =	vor.u32 $0x60, v0;
	v6 =	vor.u32 $0x30, v0;
	v7 =	vor.u32 $0x70, v0;
	s0 =	simm.s32 $0x0;
	[dreg:$0x1e] =	wrdreg s31  }
.LBB2_1:
0x18: {  	[dreg:$0x1f] =	wrdreg s0;
	s0 =	simm.s32 $0x0  }
.LBB2_2:
0x19: {  	[smem:$0x7FC] =	sst s0  }
0x1a: {  	s12 =	sshll.u32 s0, $0x2;
	s13 =	rddreg [dreg:$0x17]  }
0x1b: {  	s17 =	rddreg [dreg:$0x0];
	s0 =	sadd.s32 s13, s12  }
0x1c: {  	s14 =	simm.s32 $0x2;
	s12 =	simm.s32 $0x0;
	s13 =	sadd.s32 s17, s0  }
0x1d: {  	[tilespmem:s12], [sflag:$0x2] =	stream.linear.gather [hbm4b:s13+s12], $0x20, $0x38;
	[tilespmem:$0x15200] =	vst v63  }
0x1e: {  	_ =	swait.ge [sflag:s14], $0x20  }
0x1f: {  	[sflag:s14] =	ssyncset.done $0x0  }
0x20: {  	[sflag:s14] =	ssyncadd.s32 $0xFFFFFFE0  }
0x21: {  	s18 =	rddreg [dreg:$0x2]  }
0x22: {  	s15 =	simm.s32 $0x20;
	s13 =	sadd.s32 s18, s0  }
0x23: {  	[tilespmem:s15], [sflag:$0x2] =	stream.linear.gather [hbm4b:s13+s12], $0x20, $0x38;
	[tilespmem:$0x15200] =	vst v63  }
0x24: {  	_ =	swait.ge [sflag:s14], $0x20  }
0x25: {  	[sflag:s14] =	ssyncset.done $0x0  }
0x26: {  	[sflag:s14] =	ssyncadd.s32 $0xFFFFFFE0  }
0x27: {  	s19 =	rddreg [dreg:$0x1]  }
0x28: {  	s2 =	simm.s32 $0x40;
	s13 =	sadd.s32 s19, s0  }
0x29: {  	[tilespmem:s2], [sflag:$0x2] =	stream.linear.gather [hbm4b:s13+s12], $0x20, $0x38;
	[tilespmem:$0x15200] =	vst v63  }
0x2a: {  	_ =	swait.ge [sflag:s14], $0x20  }
0x2b: {  	[sflag:s14] =	ssyncset.done $0x0  }
0x2c: {  	[sflag:s14] =	ssyncadd.s32 $0xFFFFFFE0  }
0x2d: {  	s20 =	rddreg [dreg:$0x3]  }
0x2e: {  	s16 =	simm.s32 $0x60;
	s13 =	sadd.s32 s20, s0  }
0x2f: {  	[tilespmem:s16], [sflag:$0x2] =	stream.linear.gather [hbm4b:s13+s12], $0x20, $0x38;
	[tilespmem:$0x15200] =	vst v63  }
0x30: {  	_ =	swait.ge [sflag:s14], $0x20  }
0x31: {  	[sflag:s14] =	ssyncset.done $0x0  }
0x32: {  	[sflag:s14] =	ssyncadd.s32 $0xFFFFFFE0  }
0x33: {  	s21 =	rddreg [dreg:$0x4]  }
0x34: {  	s1 =	simm.s32 $0xE0;
	s13 =	sadd.s32 s21, s0  }
0x35: {  	[tilespmem:s1], [sflag:$0x2] =	stream.linear.gather [hbm4b:s13+s12], $0x20, $0x38;
	[tilespmem:$0x15200] =	vst v63  }
0x36: {  	_ =	swait.ge [sflag:s14], $0x20  }
0x37: {  	[sflag:s14] =	ssyncset.done $0x0  }
0x38: {  	[sflag:s14] =	ssyncadd.s32 $0xFFFFFFE0  }
0x39: {  	s22 =	rddreg [dreg:$0x5]  }
0x3a: {  	s23 =	simm.s32 $0x160;
	[smem:$0x7FD] =	sst s0;
	s13 =	sadd.s32 s22, s0  }
0x3b: {  	[tilespmem:s23], [sflag:$0x2] =	stream.linear.gather [hbm4b:s13+s12], $0x20, $0x38;
	[tilespmem:$0x15200] =	vst v63  }
0x3c: {  	_ =	swait.ge [sflag:s14], $0x20  }
0x3d: {  	[sflag:s14] =	ssyncset.done $0x0  }
0x3e: {  	s24 =	simm.s32 $0x1E0;
	s25 =	rddreg [dreg:$0xa];
	[sflag:s14] =	ssyncadd.s32 $0xFFFFFFE0  }
0x3f: {  	[tilespmem:s24], [sflag:$0x1] =	stream.indirect.gather [hbm4b:s25+s15], $0x40, s12, s15, $0xb8;
	[tilespmem:$0x15200] =	vst v63  }
0x40: {  	s26 =	simm.s32 $0x9E0  }
0x41: {  	[tilespmem:s26], [sflag:$0x1] =	stream.indirect.gather [hbm4b:s25+s15], $0x40, s15, s15, $0xb8;
	[tilespmem:$0x15200] =	vst v63  }
0x42: {  	s29 =	rddreg [dreg:$0x7]  }
0x43: {  	[tilespmem:s7], [sflag:$0x1] =	stream.indirect.gather [hbm4b:s29+s15], $0x80, s2, s15, $0xb8;
	[tilespmem:$0x15200] =	vst v63  }
0x44: {  	s28 =	simm.s32 $0x21E0;
	s30 =	rddreg [dreg:$0xb]  }
0x45: {  	[tilespmem:s28], [sflag:$0x1] =	stream.indirect.gather [hbm4b:s30+s15], $0x40, s12, s15, $0xb8;
	[tilespmem:$0x15200] =	vst v63  }
0x46: {  	s31 =	simm.s32 $0xB1E0  }
0x47: {  	[tilespmem:s31], [sflag:$0x1] =	stream.indirect.gather [hbm4b:s30+s15], $0x40, s15, s15, $0xb8;
	[tilespmem:$0x15200] =	vst v63  }
0x48: {  	s1 =	rddreg [dreg:$0xc];
	s2 =	simm.s32 $0x29E0  }
0x49: {  	[tilespmem:s2], [sflag:$0x1] =	stream.indirect.gather [hbm4b:s1+s15], $0x40, s12, s15, $0xb8;
	[tilespmem:$0x15200] =	vst v63  }
0x4a: {  	s3 =	simm.s32 $0xB9E0  }
0x4b: {  	[tilespmem:s3], [sflag:$0x1] =	stream.indirect.gather [hbm4b:s1+s15], $0x40, s15, s15, $0xb8;
	[tilespmem:$0x15200] =	vst v63  }
0x4c: {  	s5 =	simm.s32 $0x31E0;
	s4 =	rddreg [dreg:$0xd]  }
0x4d: {  	[tilespmem:s5], [sflag:$0x1] =	stream.indirect.gather [hbm4b:s4+s15], $0x40, s12, s15, $0xb8;
	[tilespmem:$0x15200] =	vst v63  }
0x4e: {  	s6 =	simm.s32 $0xC1E0  }
0x4f: {  	[tilespmem:s6], [sflag:$0x1] =	stream.indirect.gather [hbm4b:s4+s15], $0x40, s15, s15, $0xb8;
	[tilespmem:$0x15200] =	vst v63  }
0x50: {  	s9 =	simm.s32 $0x39E0;
	s8 =	rddreg [dreg:$0xe]  }
0x51: {  	[tilespmem:s9], [sflag:$0x1] =	stream.indirect.gather [hbm4b:s8+s15], $0x40, s12, s15, $0xb8;
	[tilespmem:$0x15200] =	vst v63  }
0x52: {  	s10 =	simm.s32 $0xC9E0  }
0x53: {  	[tilespmem:s10], [sflag:$0x1] =	stream.indirect.gather [hbm4b:s8+s15], $0x40, s15, s15, $0xb8;
	[tilespmem:$0x15200] =	vst v63  }
0x54: {  	s11 =	rddreg [dreg:$0xf];
	s14 =	simm.s32 $0x41E0  }
0x55: {  	[tilespmem:s14], [sflag:$0x1] =	stream.indirect.gather [hbm4b:s11+s15], $0x40, s12, s15, $0xb8;
	[tilespmem:$0x15200] =	vst v63  }
0x56: {  	s16 =	simm.s32 $0xD1E0  }
0x57: {  	[tilespmem:s16], [sflag:$0x1] =	stream.indirect.gather [hbm4b:s11+s15], $0x40, s15, s15, $0xb8;
	[tilespmem:$0x15200] =	vst v63  }
0x58: {  	s18 =	simm.s32 $0x49E0;
	s17 =	rddreg [dreg:$0x10]  }
0x59: {  	[tilespmem:s18], [sflag:$0x1] =	stream.indirect.gather [hbm4b:s17+s15], $0x40, s12, s15, $0xb8;
	[tilespmem:$0x15200] =	vst v63  }
0x5a: {  	s19 =	simm.s32 $0xD9E0  }
0x5b: {  	[tilespmem:s19], [sflag:$0x1] =	stream.indirect.gather [hbm4b:s17+s15], $0x40, s15, s15, $0xb8;
	[tilespmem:$0x15200] =	vst v63  }
0x5c: {  	s21 =	simm.s32 $0x51E0;
	s20 =	rddreg [dreg:$0x11]  }
0x5d: {  	[tilespmem:s21], [sflag:$0x1] =	stream.indirect.gather [hbm4b:s20+s15], $0x40, s12, s15, $0xb8;
	[tilespmem:$0x15200] =	vst v63  }
0x5e: {  	s22 =	simm.s32 $0xE1E0  }
0x5f: {  	[tilespmem:s22], [sflag:$0x1] =	stream.indirect.gather [hbm4b:s20+s15], $0x40, s15, s15, $0xb8;
	[tilespmem:$0x15200] =	vst v63  }
0x60: {  	s23 =	rddreg [dreg:$0x12];
	s24 =	simm.s32 $0x59E0  }
0x61: {  	[tilespmem:s24], [sflag:$0x1] =	stream.indirect.gather [hbm4b:s23+s15], $0x40, s12, s15, $0xb8;
	[tilespmem:$0x15200] =	vst v63  }
0x62: {  	s25 =	simm.s32 $0xE9E0  }
0x63: {  	[tilespmem:s25], [sflag:$0x1] =	stream.indirect.gather [hbm4b:s23+s15], $0x40, s15, s15, $0xb8;
	[tilespmem:$0x15200] =	vst v63  }
0x64: {  	s26 =	rddreg [dreg:$0x1a];
	s28 =	simm.s32 $0x61E0  }
0x65: {  	[tilespmem:s28], [sflag:$0x1] =	stream.indirect.gather [hbm4b:s26+s15], $0x40, s12, s15, $0xb8;
	[tilespmem:$0x15200] =	vst v63  }
0x66: {  	s29 =	simm.s32 $0xF1E0  }
0x67: {  	[tilespmem:s29], [sflag:$0x1] =	stream.indirect.gather [hbm4b:s26+s15], $0x40, s15, s15, $0xb8;
	[tilespmem:$0x15200] =	vst v63  }
0x68: {  	s30 =	rddreg [dreg:$0x13];
	s31 =	simm.s32 $0x69E0  }
0x69: {  	[tilespmem:s31], [sflag:$0x1] =	stream.indirect.gather [hbm4b:s30+s15], $0x40, s12, s15, $0xb8;
	[tilespmem:$0x15200] =	vst v63  }
0x6a: {  	s1 =	simm.s32 $0xF9E0  }
0x6b: {  	[tilespmem:s1], [sflag:$0x1] =	stream.indirect.gather [hbm4b:s30+s15], $0x40, s15, s15, $0xb8;
	[tilespmem:$0x15200] =	vst v63  }
0x6c: {  	s2 =	rddreg [dreg:$0x14];
	s3 =	simm.s32 $0x71E0  }
0x6d: {  	[tilespmem:s3], [sflag:$0x1] =	stream.indirect.gather [hbm4b:s2+s15], $0x40, s12, s15, $0xb8;
	[tilespmem:$0x15200] =	vst v63  }
0x6e: {  	s4 =	simm.s32 $0x101E0  }
0x6f: {  	[tilespmem:s4], [sflag:$0x1] =	stream.indirect.gather [hbm4b:s2+s15], $0x40, s15, s15, $0xb8;
	[tilespmem:$0x15200] =	vst v63  }
0x70: {  	s5 =	rddreg [dreg:$0x15];
	s6 =	simm.s32 $0x79E0  }
0x71: {  	[tilespmem:s6], [sflag:$0x1] =	stream.indirect.gather [hbm4b:s5+s15], $0x40, s12, s15, $0xb8;
	[tilespmem:$0x15200] =	vst v63  }
0x72: {  	s8 =	simm.s32 $0x109E0  }
0x73: {  	[tilespmem:s8], [sflag:$0x1] =	stream.indirect.gather [hbm4b:s5+s15], $0x40, s15, s15, $0xb8;
	[tilespmem:$0x15200] =	vst v63  }
0x74: {  	s9 =	rddreg [dreg:$0x16];
	s10 =	simm.s32 $0x81E0  }
0x75: {  	[tilespmem:s10], [sflag:$0x1] =	stream.indirect.gather [hbm4b:s9+s15], $0x40, s12, s15, $0xb8;
	[tilespmem:$0x15200] =	vst v63  }
0x76: {  	s11 =	simm.s32 $0x111E0  }
0x77: {  	[tilespmem:s11], [sflag:$0x1] =	stream.indirect.gather [hbm4b:s9+s15], $0x40, s15, s15, $0xb8;
	[tilespmem:$0x15200] =	vst v63  }
0x78: {  	s14 =	rddreg [dreg:$0x18];
	s16 =	simm.s32 $0x89E0  }
0x79: {  	[tilespmem:s16], [sflag:$0x1] =	stream.indirect.gather [hbm4b:s14+s15], $0x40, s12, s15, $0xb8;
	[tilespmem:$0x15200] =	vst v63  }
0x7a: {  	s17 =	simm.s32 $0x119E0  }
0x7b: {  	[tilespmem:s17], [sflag:$0x1] =	stream.indirect.gather [hbm4b:s14+s15], $0x40, s15, s15, $0xb8;
	[tilespmem:$0x15200] =	vst v63  }
0x7c: {  	s18 =	rddreg [dreg:$0x19];
	s19 =	simm.s32 $0x91E0  }
0x7d: {  	[tilespmem:s19], [sflag:$0x1] =	stream.indirect.gather [hbm4b:s18+s15], $0x40, s12, s15, $0xb8;
	[tilespmem:$0x15200] =	vst v63  }
0x7e: {  	s20 =	simm.s32 $0x121E0  }
0x7f: {  	[tilespmem:s20], [sflag:$0x1] =	stream.indirect.gather [hbm4b:s18+s15], $0x40, s15, s15, $0xb8;
	[tilespmem:$0x15200] =	vst v63  }
0x80: {  	s21 =	rddreg [dreg:$0x1b];
	s22 =	simm.s32 $0x99E0  }
0x81: {  	[tilespmem:s22], [sflag:$0x1] =	stream.indirect.gather [hbm4b:s21+s15], $0x40, s12, s15, $0xb8;
	[tilespmem:$0x15200] =	vst v63  }
0x82: {  	s23 =	simm.s32 $0x129E0  }
0x83: {  	[tilespmem:s23], [sflag:$0x1] =	stream.indirect.gather [hbm4b:s21+s15], $0x40, s15, s15, $0xb8;
	[tilespmem:$0x15200] =	vst v63  }
0x84: {  	s24 =	rddreg [dreg:$0x1c];
	s25 =	simm.s32 $0xA1E0  }
0x85: {  	[tilespmem:s25], [sflag:$0x1] =	stream.indirect.gather [hbm4b:s24+s15], $0x40, s12, s15, $0xb8;
	[tilespmem:$0x15200] =	vst v63  }
0x86: {  	s26 =	simm.s32 $0x131E0  }
0x87: {  	[tilespmem:s26], [sflag:$0x1] =	stream.indirect.gather [hbm4b:s24+s15], $0x40, s15, s15, $0xb8;
	[tilespmem:$0x15200] =	vst v63  }
0x88: {  	s28 =	rddreg [dreg:$0x1d];
	s29 =	simm.s32 $0xA9E0  }
0x89: {  	[tilespmem:s29], [sflag:$0x1] =	stream.indirect.gather [hbm4b:s28+s15], $0x40, s12, s15, $0xb8;
	[tilespmem:$0x15200] =	vst v63  }
0x8a: {  	s31 =	simm.s32 $0x1;
	s30 =	simm.s32 $0x139E0  }
0x8b: {  	[tilespmem:s30], [sflag:$0x1] =	stream.indirect.gather [hbm4b:s28+s15], $0x40, s15, s15, $0xb8;
	[tilespmem:$0x15200] =	vst v63  }
0x8c: {  	_ =	swait.ge [sflag:s31], $0x800  }
0x8d: {  	[sflag:s31] =	ssyncset.done $0x0  }
0x8e: {  	[sflag:s31] =	ssyncadd.s32 $0xFFFFF800  }
0x8f: {  	_ =	swait.ge [sflag:s31], $0x800  }
0x90: {  	[sflag:s31] =	ssyncset.done $0x0  }
0x91: {  	[sflag:s31] =	ssyncadd.s32 $0xFFFFF800  }
0x92: {  	_ =	swait.ge [sflag:s31], $0x1000  }
0x93: {  	[sflag:s31] =	ssyncset.done $0x0  }
0x94: {  	[sflag:s31] =	ssyncadd.s32 $0xFFFFF000  }
0x95: {  	_ =	swait.ge [sflag:s31], $0x800  }
0x96: {  	[sflag:s31] =	ssyncset.done $0x0  }
0x97: {  	[sflag:s31] =	ssyncadd.s32 $0xFFFFF800  }
0x98: {  	_ =	swait.ge [sflag:s31], $0x800  }
0x99: {  	[sflag:s31] =	ssyncset.done $0x0  }
0x9a: {  	[sflag:s31] =	ssyncadd.s32 $0xFFFFF800  }
0x9b: {  	_ =	swait.ge [sflag:s31], $0x800  }
0x9c: {  	[sflag:s31] =	ssyncset.done $0x0  }
0x9d: {  	[sflag:s31] =	ssyncadd.s32 $0xFFFFF800  }
0x9e: {  	_ =	swait.ge [sflag:s31], $0x800  }
0x9f: {  	[sflag:s31] =	ssyncset.done $0x0  }
0xa0: {  	[sflag:s31] =	ssyncadd.s32 $0xFFFFF800  }
0xa1: {  	_ =	swait.ge [sflag:s31], $0x800  }
0xa2: {  	[sflag:s31] =	ssyncset.done $0x0  }
0xa3: {  	[sflag:s31] =	ssyncadd.s32 $0xFFFFF800  }
0xa4: {  	_ =	swait.ge [sflag:s31], $0x800  }
0xa5: {  	[sflag:s31] =	ssyncset.done $0x0  }
0xa6: {  	[sflag:s31] =	ssyncadd.s32 $0xFFFFF800  }
0xa7: {  	_ =	swait.ge [sflag:s31], $0x800  }
0xa8: {  	[sflag:s31] =	ssyncset.done $0x0  }
0xa9: {  	[sflag:s31] =	ssyncadd.s32 $0xFFFFF800  }
0xaa: {  	_ =	swait.ge [sflag:s31], $0x800  }
0xab: {  	[sflag:s31] =	ssyncset.done $0x0  }
0xac: {  	[sflag:s31] =	ssyncadd.s32 $0xFFFFF800  }
0xad: {  	_ =	swait.ge [sflag:s31], $0x800  }
0xae: {  	[sflag:s31] =	ssyncset.done $0x0  }
0xaf: {  	[sflag:s31] =	ssyncadd.s32 $0xFFFFF800  }
0xb0: {  	_ =	swait.ge [sflag:s31], $0x800  }
0xb1: {  	[sflag:s31] =	ssyncset.done $0x0  }
0xb2: {  	[sflag:s31] =	ssyncadd.s32 $0xFFFFF800  }
0xb3: {  	_ =	swait.ge [sflag:s31], $0x800  }
0xb4: {  	[sflag:s31] =	ssyncset.done $0x0  }
0xb5: {  	[sflag:s31] =	ssyncadd.s32 $0xFFFFF800  }
0xb6: {  	_ =	swait.ge [sflag:s31], $0x800  }
0xb7: {  	[sflag:s31] =	ssyncset.done $0x0  }
0xb8: {  	[sflag:s31] =	ssyncadd.s32 $0xFFFFF800  }
0xb9: {  	_ =	swait.ge [sflag:s31], $0x800  }
0xba: {  	[sflag:s31] =	ssyncset.done $0x0  }
0xbb: {  	[sflag:s31] =	ssyncadd.s32 $0xFFFFF800  }
0xbc: {  	_ =	swait.ge [sflag:s31], $0x800  }
0xbd: {  	[sflag:s31] =	ssyncset.done $0x0  }
0xbe: {  	[sflag:s31] =	ssyncadd.s32 $0xFFFFF800  }
0xbf: {  	_ =	swait.ge [sflag:s31], $0x800  }
0xc0: {  	[sflag:s31] =	ssyncset.done $0x0  }
0xc1: {  	[sflag:s31] =	ssyncadd.s32 $0xFFFFF800  }
0xc2: {  	_ =	swait.ge [sflag:s31], $0x800  }
0xc3: {  	[sflag:s31] =	ssyncset.done $0x0  }
0xc4: {  	[sflag:s31] =	ssyncadd.s32 $0xFFFFF800  }
0xc5: {  	_ =	swait.ge [sflag:s31], $0x800  }
0xc6: {  	[sflag:s31] =	ssyncset.done $0x0  }
0xc7: {  	[sflag:s31] =	ssyncadd.s32 $0xFFFFF800  }
0xc8: {  	_ =	swait.ge [sflag:s31], $0x800  }
0xc9: {  	[sflag:s31] =	ssyncset.done $0x0  }
0xca: {  	[sflag:s31] =	ssyncadd.s32 $0xFFFFF800  }
0xcb: {  	_ =	swait.ge [sflag:s31], $0x800  }
0xcc: {  	[sflag:s31] =	ssyncset.done $0x0  }
0xcd: {  	[sflag:s31] =	ssyncadd.s32 $0xFFFFF800  }
0xce: {  	_ =	swait.ge [sflag:s31], $0x800  }
0xcf: {  	[sflag:s31] =	ssyncset.done $0x0  }
0xd0: {  	[sflag:s31] =	ssyncadd.s32 $0xFFFFF800  }
0xd1: {  	_ =	swait.ge [sflag:s31], $0x800  }
0xd2: {  	[sflag:s31] =	ssyncset.done $0x0  }
0xd3: {  	[sflag:s31] =	ssyncadd.s32 $0xFFFFF800  }
0xd4: {  	_ =	swait.ge [sflag:s31], $0x800  }
0xd5: {  	[sflag:s31] =	ssyncset.done $0x0  }
0xd6: {  	[sflag:s31] =	ssyncadd.s32 $0xFFFFF800  }
0xd7: {  	_ =	swait.ge [sflag:s31], $0x800  }
0xd8: {  	[sflag:s31] =	ssyncset.done $0x0  }
0xd9: {  	[sflag:s31] =	ssyncadd.s32 $0xFFFFF800  }
0xda: {  	_ =	swait.ge [sflag:s31], $0x800  }
0xdb: {  	[sflag:s31] =	ssyncset.done $0x0  }
0xdc: {  	[sflag:s31] =	ssyncadd.s32 $0xFFFFF800  }
0xdd: {  	_ =	swait.ge [sflag:s31], $0x800  }
0xde: {  	[sflag:s31] =	ssyncset.done $0x0  }
0xdf: {  	[sflag:s31] =	ssyncadd.s32 $0xFFFFF800  }
0xe0: {  	_ =	swait.ge [sflag:s31], $0x800  }
0xe1: {  	[sflag:s31] =	ssyncset.done $0x0  }
0xe2: {  	[sflag:s31] =	ssyncadd.s32 $0xFFFFF800  }
0xe3: {  	_ =	swait.ge [sflag:s31], $0x800  }
0xe4: {  	[sflag:s31] =	ssyncset.done $0x0  }
0xe5: {  	[sflag:s31] =	ssyncadd.s32 $0xFFFFF800  }
0xe6: {  	_ =	swait.ge [sflag:s31], $0x800  }
0xe7: {  	[sflag:s31] =	ssyncset.done $0x0  }
0xe8: {  	[sflag:s31] =	ssyncadd.s32 $0xFFFFF800  }
0xe9: {  	_ =	swait.ge [sflag:s31], $0x800  }
0xea: {  	[sflag:s31] =	ssyncset.done $0x0  }
0xeb: {  	[sflag:s31] =	ssyncadd.s32 $0xFFFFF800  }
0xec: {  	_ =	swait.ge [sflag:s31], $0x800  }
0xed: {  	[sflag:s31] =	ssyncset.done $0x0  }
0xee: {  	[sflag:s31] =	ssyncadd.s32 $0xFFFFF800  }
0xef: {  	_ =	swait.ge [sflag:s31], $0x800  }
0xf0: {  	[sflag:s31] =	ssyncset.done $0x0  }
0xf1: {  	[sflag:s31] =	ssyncadd.s32 $0xFFFFF800  }
0xf2: {  	_ =	swait.ge [sflag:s31], $0x800  }
0xf3: {  	[sflag:s31] =	ssyncset.done $0x0  }
0xf4: {  	[sflag:s31] =	ssyncadd.s32 $0xFFFFF800  }
0xf5: {  	_ =	swait.ge [sflag:s31], $0x800  }
0xf6: {  	[sflag:s31] =	ssyncset.done $0x0  }
0xf7: {  	[sflag:s31] =	ssyncadd.s32 $0xFFFFF800  }
0xf8: {  	_ =	swait.ge [sflag:s31], $0x800  }
0xf9: {  	[sflag:s31] =	ssyncset.done $0x0  }
0xfa: {  	[sflag:s31] =	ssyncadd.s32 $0xFFFFF800  }
0xfb: {  	_ =	swait.ge [sflag:s31], $0x800  }
0xfc: {  	[sflag:s31] =	ssyncset.done $0x0  }
0xfd: {  	[sflag:s31] =	ssyncadd.s32 $0xFFFFF800  }
0xfe: {  	_ =	swait.ge [sflag:s31], $0x800  }
0xff: {  	[sflag:s31] =	ssyncset.done $0x0  }
0x100: {  	[sflag:s31] =	ssyncadd.s32 $0xFFFFF800  }
.LBB2_3:
0x101: {  	v8 =	vmov s12  }
0x102: {  	v15 =	vshll.u32 v8, $0x6  }
0x103: {  	v13 =	vor.u32 v0, v15;
	_ =	sdelay $0x2  }
0x104: {  	s13 =	simm.s32 $0x60  }
0x105: {  	s0 =	simm.s32 $0x21E0;
	v9 =	vld.idx.msk [tilespmem:v8+s13+$0x0], $0xffff  }
0x106: {  	v10 =	vld.idx.msk [tilespmem:v13+s0+$0x0], $0xffff  }
0x107: {  	s13 =	simm.s32 $0x29E0  }
0x108: {  	s15 =	simm.s32 $0xE0;
	v11 =	vld.idx.msk [tilespmem:v13+s13+$0x0], $0xffff  }
0x109: {  	s16 =	simm.s32 $0x39E0;
	v12 =	vld.idx.msk [tilespmem:v8+s15+$0x0], $0xffff  }
0x10a: {  	s17 =	simm.s32 $0x41E0;
	v16 =	vld.idx.msk [tilespmem:v13+s16+$0x0], $0xffff  }
0x10b: {  	s19 =	simm.s32 $0x51E0;
	v18 =	vld.idx.msk [tilespmem:v13+s17+$0x0], $0xffff;
	v10 =	vmul.f32 v10, v9  }
0x10c: {  	s20 =	simm.s32 $0x59E0;
	v19 =	vld.idx.msk [tilespmem:v13+s19+$0x0], $0xffff  }
0x10d: {  	s21 =	simm.s32 $0xB1E0;
	v20 =	vld.idx.msk [tilespmem:v13+s20+$0x0], $0xffff;
	v11 =	vadd.f32 v11, v10  }
0x10e: {  	s22 =	simm.s32 $0xC9E0;
	v47 =	vld.idx.msk [tilespmem:v13+s21+$0x0], $0xffff  }
0x10f: {  	s25 =	simm.s32 $0xE1E0;
	v21 =	vld.idx.msk [tilespmem:v13+s22+$0x0], $0xffff;
	v16 =	vmul.f32 v16, v12;
	v14 =	vmul.f32 v11, v11  }
0x110: {  	s18 =	simm.s32 $0x160;
	v26 =	vld.idx.msk [tilespmem:v13+s25+$0x0], $0xffff  }
0x111: {  	s26 =	simm.s32 $0xE9E0;
	v10 =	vld.idx.msk [tilespmem:v8+s18+$0x0], $0xffff;
	v16 =	vadd.f32 v18, v16;
	v17 =	vmul.f32 $2.755731880e-06, v14  }
0x112: {  	s29 =	simm.s32 $0x69E0;
	v49 =	vld.idx.msk [tilespmem:v13+s26+$0x0], $0xffff  }
0x113: {  	s24 =	simm.s32 $0xD1E0;
	v54 =	vld.idx.msk [tilespmem:v13+s29+$0x0], $0xffff;
	v22 =	vmul.f32 v16, v16;
	v17 =	vadd.f32 $-1.984127010e-04, v17  }
0x114: {  	v24 =	vld.idx.msk [tilespmem:v13+s24+$0x0], $0xffff;
	v48 =	vmul.f32 v21, v12  }
0x115: {  	s30 =	simm.s32 $0x71E0;
	v25 =	vmul.f32 $2.755731880e-06, v22;
	v17 =	vmul.f32 v17, v14  }
0x116: {  	v31 =	vld.idx.msk [tilespmem:v13+s30+$0x0], $0xffff;
	v19 =	vmul.f32 v19, v10;
	v26 =	vmul.f32 v26, v10  }
0x117: {  	s23 =	simm.s32 $0xB9E0;
	v18 =	vmul.f32 v47, v9;
	v25 =	vadd.f32 $-1.984127010e-04, v25;
	v17 =	vadd.f32 $8.333333770e-03, v17  }
0x118: {  	v23 =	vld.idx.msk [tilespmem:v13+s23+$0x0], $0xffff;
	v19 =	vadd.f32 v20, v19;
	v21 =	vadd.f32 v49, v26;
	v26 =	vmul.f32 v54, v9  }
0x119: {  	v20 =	vadd.f32 v24, v48;
	v50 =	vmul.f32 v25, v22;
	v17 =	vmul.f32 v17, v14  }
0x11a: {  	v51 =	vmul.f32 v19, v19;
	v30 =	vmul.f32 v21, v21  }
0x11b: {  	v28 =	vmul.f32 v20, v20;
	v26 =	vadd.f32 v31, v26;
	v17 =	vadd.f32 $-1.666666720e-01, v17  }
0x11c: {  	v27 =	vmul.f32 $2.755731880e-06, v51;
	v60 =	vmul.f32 $2.755731880e-06, v30  }
0x11d: {  	v34 =	vmul.f32 v26, v26;
	v14 =	vmul.f32 v17, v14;
	v17 =	vadd.f32 v23, v18  }
0x11e: {  	s28 =	simm.s32 $0x31E0;
	v56 =	vmul.f32 $2.755731880e-06, v28;
	v55 =	vadd.f32 $-1.984127010e-04, v27;
	v62 =	vadd.f32 $-1.984127010e-04, v60  }
0x11f: {  	v52 =	vld.idx.msk [tilespmem:v13+s28+$0x0], $0xffff;
	v35 =	vmul.f32 $2.755731880e-06, v34;
	v18 =	vadd.f32 $8.333333770e-03, v50;
	v53 =	vmul.f32 v17, v17  }
0x120: {  	v57 =	vmul.f32 v55, v51;
	v27 =	vmul.f32 v62, v30;
	v14 =	vadd.f32 $1.000000000e+00, v14  }
0x121: {  	s17 =	simm.s32 $0x99E0;
	v58 =	vadd.f32 $-1.984127010e-04, v56;
	v18 =	vmul.f32 v18, v22;
	v29 =	vmul.f32 $2.755731880e-06, v53  }
0x122: {  	s19 =	simm.s32 $0xF9E0;
	v46 =	vld.idx.msk [tilespmem:v13+s17+$0x0], $0xffff;
	v45 =	vadd.f32 $-1.984127010e-04, v35;
	v27 =	vadd.f32 $8.333333770e-03, v27;
	v11 =	vmul.f32 v14, v11  }
0x123: {  	v50 =	vld.idx.msk [tilespmem:v13+s19+$0x0], $0xffff;
	v18 =	vadd.f32 $-1.666666720e-01, v18;
	v14 =	vmul.f32 v58, v28;
	v29 =	vadd.f32 $-1.984127010e-04, v29  }
0x124: {  	s31 =	simm.s32 $0x49E0;
	v49 =	vmul.f32 v45, v34;
	v24 =	vmul.f32 v11, v52;
	v11 =	vadd.f32 $8.333333770e-03, v57  }
0x125: {  	s1 =	simm.s32 $0x61E0;
	v32 =	vld.idx.msk [tilespmem:v13+s31+$0x0], $0xffff;
	v18 =	vmul.f32 v18, v22;
	v14 =	vadd.f32 $8.333333770e-03, v14;
	v59 =	vmul.f32 v29, v53  }
0x126: {  	v63 =	vld.idx.msk [tilespmem:v13+s1+$0x0], $0xffff;
	s21 =	simm.s32 $0x111E0;
	v43 =	vmul.f32 v27, v30;
	v11 =	vmul.f32 v11, v51  }
0x127: {  	s15 =	simm.s32 $0x81E0;
	v54 =	vld.idx.msk [tilespmem:v13+s21+$0x0], $0xffff;
	v18 =	vadd.f32 $1.000000000e+00, v18;
	v14 =	vmul.f32 v14, v28;
	v61 =	vadd.f32 $8.333333770e-03, v59  }
0x128: {  	v36 =	vld.idx.msk [tilespmem:v13+s15+$0x0], $0xffff;
	s22 =	simm.s32 $0x119E0;
	v58 =	vmul.f32 v46, v10;
	v27 =	vmul.f32 v50, v9;
	v11 =	vadd.f32 $-1.666666720e-01, v11  }
0x129: {  	s16 =	simm.s32 $0x89E0;
	v56 =	vld.idx.msk [tilespmem:v13+s22+$0x0], $0xffff;
	v16 =	vmul.f32 v18, v16;
	v14 =	vadd.f32 $-1.666666720e-01, v14;
	v22 =	vmul.f32 v61, v53  }
0x12a: {  	s23 =	simm.s32 $0x129E0;
	v44 =	vld.idx.msk [tilespmem:v13+s16+$0x0], $0xffff;
	v52 =	vadd.f32 $8.333333770e-03, v49;
	v18 =	vadd.f32 $-1.666666720e-01, v43;
	v23 =	vmul.f32 v11, v51  }
0x12b: {  	s6 =	simm.s32 $0xC1E0;
	v57 =	vld.idx.msk [tilespmem:v13+s23+$0x0], $0xffff;
	v14 =	vmul.f32 v14, v28;
	v16 =	vmul.f32 v16, v32;
	v41 =	vadd.f32 $-1.666666720e-01, v22  }
0x12c: {  	v40 =	vld.idx.msk [tilespmem:v13+s6+$0x0], $0xffff;
	s20 =	simm.s32 $0x101E0;
	v11 =	vshll.u32 v8, $0x7;
	v18 =	vmul.f32 v18, v30;
	v61 =	vmul.f32 v54, v12  }
0x12d: {  	s13 =	simm.s32 $0xD9E0;
	v51 =	vld.idx.msk [tilespmem:v13+s20+$0x0], $0xffff;
	v23 =	vadd.f32 $1.000000000e+00, v23;
	v14 =	vadd.f32 $1.000000000e+00, v14;
	v8 =	vmul.f32 v41, v53  }
0x12e: {  	v33 =	vld.idx.msk [tilespmem:v13+s13+$0x0], $0xffff;
	s18 =	simm.s32 $0xA1E0;
	v55 =	vadd.f32 $1.000000000e+00, v18;
	v18 =	vadd.f32 v56, v61;
	v53 =	vmul.f32 v36, v12  }
0x12f: {  	s24 =	simm.s32 $0x131E0;
	v48 =	vld.idx.msk [tilespmem:v13+s18+$0x0], $0xffff;
	v19 =	vmul.f32 v23, v19;
	v14 =	vmul.f32 v14, v20;
	v47 =	vadd.f32 $1.000000000e+00, v8  }
0x130: {  	s1 =	simm.s32 $0xF1E0;
	v60 =	vld.idx.msk [tilespmem:v13+s24+$0x0], $0xffff;
	v20 =	vmul.f32 v52, v34;
	v41 =	vmul.f32 v57, v10;
	v23 =	vadd.f32 v44, v53  }
0x131: {  	v42 =	vld.idx.msk [tilespmem:v13+s1+$0x0], $0xffff;
	v16 =	vadd.f32 v16, v24;
	v35 =	vmul.f32 v18, v18;
	v17 =	vmul.f32 v47, v17  }
0x132: {  	v27 =	vadd.f32 v51, v27;
	v19 =	vmul.f32 v19, v63;
	v59 =	vmul.f32 v23, v23  }
0x133: {  	v14 =	vmul.f32 v14, v33;
	v20 =	vadd.f32 $-1.666666720e-01, v20;
	v29 =	vmul.f32 v17, v40  }
0x134: {  	v17 =	vmul.f32 v55, v21;
	v21 =	vadd.f32 v48, v58;
	v62 =	vmul.f32 $2.755731880e-06, v59  }
0x135: {  	v33 =	vadd.f32 v60, v41;
	v32 =	vmul.f32 v27, v27;
	v20 =	vmul.f32 v20, v34  }
0x136: {  	v22 =	vmul.f32 v17, v42;
	v63 =	vmul.f32 v21, v21;
	v42 =	vadd.f32 $-1.984127010e-04, v62  }
0x137: {  	v8 =	vor.u32 v0, v11;
	v39 =	vmul.f32 v33, v33;
	v44 =	vmul.f32 $2.755731880e-06, v32  }
0x138: {  	s25 =	simm.s32 $0x79E0;
	v17 =	vor.u32 v2, v15;
	v43 =	vmul.f32 $2.755731880e-06, v63;
	v25 =	vmul.f32 v42, v59  }
0x139: {  	s28 =	simm.s32 $0x9E0;
	v37 =	vld.idx.msk [tilespmem:v13+s25+$0x0], $0xffff;
	v38 =	vmul.f32 $2.755731880e-06, v35;
	v20 =	vadd.f32 $1.000000000e+00, v20;
	v45 =	vadd.f32 $-1.984127010e-04, v44  }
0x13a: {  	v47 =	vmul.f32 $2.755731880e-06, v39;
	v34 =	vadd.f32 $-1.984127010e-04, v43;
	v25 =	vadd.f32 $8.333333770e-03, v25  }
0x13b: {  	s26 =	simm.s32 $0x1E0;
	v41 =	vld.idx.msk [tilespmem:v13+s28+$0x0], $0xffff;
	v46 =	vadd.f32 $-1.984127010e-04, v38;
	v20 =	vmul.f32 v20, v26;
	v49 =	vmul.f32 v45, v32  }
0x13c: {  	s14 =	simm.s32 $0x21E0;
	v16 =	vadd.f32 v19, v16;
	v40 =	vld.idx.msk [tilespmem:v13+s26+$0x0], $0xffff;
	v34 =	vmul.f32 v34, v63;
	v48 =	vmul.f32 v25, v59  }
0x13d: {  	s9 =	simm.s32 $0x29E0;
	v51 =	vmul.f32 v46, v35;
	v52 =	vadd.f32 $-1.984127010e-04, v47;
	v53 =	vld.idx.msk [tilespmem:v17+s14+$0x0], $0xffff;
	v25 =	vadd.f32 $8.333333770e-03, v49  }
0x13e: {  	s11 =	simm.s32 $0x39E0;
	v20 =	vmul.f32 v20, v37;
	v54 =	vld.idx.msk [tilespmem:v17+s9+$0x0], $0xffff;
	v50 =	vadd.f32 $8.333333770e-03, v34;
	v24 =	vadd.f32 $-1.666666720e-01, v48  }
0x13f: {  	s10 =	simm.s32 $0x51E0;
	v36 =	vmul.f32 v52, v39;
	v45 =	vld.idx.msk [tilespmem:v17+s11+$0x0], $0xffff;
	v34 =	vadd.f32 $8.333333770e-03, v51;
	v56 =	vmul.f32 v25, v32  }
0x140: {  	s31 =	simm.s32 $0xA9E0;
	v14 =	vadd.f32 v14, v29;
	v49 =	vld.idx.msk [tilespmem:v17+s10+$0x0], $0xffff;
	v26 =	vmul.f32 v50, v63;
	v55 =	vmul.f32 v24, v59  }
0x141: {  	s0 =	simm.s32 $0x59E0;
	v61 =	vld.idx.msk [tilespmem:v13+s31+$0x0], $0xffff;
	v58 =	vmul.f32 v34, v35;
	v59 =	vadd.f32 $8.333333770e-03, v36;
	v24 =	vadd.f32 $-1.666666720e-01, v56  }
0x142: {  	s4 =	simm.s32 $0xB1E0;
	v52 =	vld.idx.msk [tilespmem:v17+s0+$0x0], $0xffff;
	v60 =	vmul.f32 v53, v9;
	v56 =	vmul.f32 v41, v40;
	v26 =	vadd.f32 $-1.666666720e-01, v26  }
0x143: {  	s29 =	simm.s32 $0x91E0;
	v51 =	vld.idx.msk [tilespmem:v17+s4+$0x0], $0xffff;
	v19 =	vadd.f32 $1.000000000e+00, v55;
	v28 =	vadd.f32 $-1.666666720e-01, v58;
	v62 =	vmul.f32 v59, v39  }
0x144: {  	s8 =	simm.s32 $0x41E0;
	v57 =	vld.idx.msk [tilespmem:v13+s29+$0x0], $0xffff;
	v24 =	vmul.f32 v24, v32;
	v32 =	vadd.f32 v54, v60;
	v54 =	vmul.f32 v45, v12  }
0x145: {  	v31 =	vor.u32 v1, v11;
	v47 =	vld.idx.msk [tilespmem:v17+s8+$0x0], $0xffff;
	v58 =	vmul.f32 v49, v10;
	v26 =	vmul.f32 v26, v63  }
0x146: {  	v42 =	vld.idx.msk [tilespmem:v8+s7+$0x0], $0xffff;
	s7 =	simm.s32 $0x109E0;
	v14 =	vadd.f32 v22, v14;
	v19 =	vmul.f32 v19, v23;
	v28 =	vmul.f32 v28, v35  }
0x147: {  	s9 =	simm.s32 $0x121E0;
	v63 =	vld.idx.msk [tilespmem:v13+s7+$0x0], $0xffff;
	v30 =	vadd.f32 $-1.666666720e-01, v62;
	v24 =	vadd.f32 $1.000000000e+00, v24;
	v25 =	vmul.f32 v32, v32  }
0x148: {  	s5 =	simm.s32 $0xB9E0;
	v37 =	vld.idx.msk [tilespmem:v13+s9+$0x0], $0xffff;
	v59 =	vmul.f32 v51, v9;
	v22 =	vadd.f32 v52, v58;
	v26 =	vadd.f32 $1.000000000e+00, v26  }
0x149: {  	s21 =	simm.s32 $0x11E0;
	v55 =	vld.idx.msk [tilespmem:v17+s5+$0x0], $0xffff;
	v19 =	vmul.f32 v19, v57;
	v43 =	vadd.f32 $1.000000000e+00, v28;
	v46 =	vmul.f32 $2.755731880e-06, v25  }
0x14a: {  	s13 =	simm.s32 $0x139E0;
	v31 =	vld.idx.msk [tilespmem:v31+s21+$0x0], $0xffff;
	v44 =	vmul.f32 v30, v39;
	v24 =	vmul.f32 v24, v27;
	v57 =	vadd.f32 v47, v54  }
0x14b: {  	v13 =	vld.idx.msk [tilespmem:v13+s13+$0x0], $0xffff;
	v21 =	vmul.f32 v26, v21;
	v18 =	vmul.f32 v43, v18;
	v50 =	vadd.f32 $-1.984127010e-04, v46  }
0x14c: {  	v48 =	vadd.f32 $1.000000000e+00, v44;
	v60 =	vmul.f32 v57, v57;
	v23 =	vmul.f32 v24, v63  }
0x14d: {  	s2 =	simm.s32 $0xC9E0;
	v19 =	vadd.f32 v19, v20;
	v21 =	vmul.f32 v21, v61;
	v53 =	vmul.f32 v50, v25  }
0x14e: {  	v63 =	vadd.f32 v55, v59;
	v18 =	vmul.f32 v18, v37;
	v20 =	vmul.f32 v48, v33;
	v61 =	vld.idx.msk [tilespmem:v17+s2+$0x0], $0xffff  }
0x14f: {  	s4 =	simm.s32 $0xD1E0;
	v62 =	vmul.f32 $5.000000000e-01, v31;
	v19 =	vadd.f32 v21, v19;
	v21 =	vadd.f32 $8.333333770e-03, v53  }
0x150: {  	v38 =	vld.idx.msk [tilespmem:v17+s4+$0x0], $0xffff;
	v36 =	vmul.f32 $2.755731880e-06, v60;
	v18 =	vadd.f32 v18, v23;
	v13 =	vmul.f32 v20, v13  }
0x151: {  	s19 =	simm.s32 $0xE1E0;
	v37 =	vmul.f32 v22, v22;
	v21 =	vmul.f32 v21, v25  }
0x152: {  	v39 =	vmul.f32 v63, v63;
	v18 =	vadd.f32 v13, v18;
	v13 =	vmul.f32 v42, v56;
	v42 =	vld.idx.msk [tilespmem:v17+s19+$0x0], $0xffff  }
0x153: {  	s7 =	simm.s32 $0x81E0;
	v40 =	vmul.f32 $2.755731880e-06, v37;
	v24 =	vmul.f32 v61, v12;
	v35 =	vadd.f32 $-1.666666720e-01, v21  }
0x154: {  	v55 =	vld.idx.msk [tilespmem:v17+s7+$0x0], $0xffff;
	s2 =	simm.s32 $0xE9E0;
	v14 =	vmul.f32 v19, v14;
	v16 =	vmul.f32 v18, v16;
	v21 =	vadd.f32 $-1.984127010e-04, v36  }
0x155: {  	v44 =	vld.idx.msk [tilespmem:v17+s2+$0x0], $0xffff;
	v41 =	vmul.f32 $2.755731880e-06, v39;
	v24 =	vadd.f32 v38, v24;
	v20 =	vmul.f32 v35, v25  }
0x156: {  	s20 =	simm.s32 $0x69E0;
	v14 =	vadd.f32 v16, v14;
	v21 =	vmul.f32 v21, v60;
	v25 =	vadd.f32 $-1.984127010e-04, v40  }
0x157: {  	s3 =	simm.s32 $0x31E0;
	v45 =	vld.idx.msk [tilespmem:v17+s20+$0x0], $0xffff;
	v16 =	vadd.f32 $-1.984127010e-04, v41;
	v29 =	vmul.f32 v24, v24;
	v30 =	vmul.f32 v42, v10  }
0x158: {  	s21 =	simm.s32 $0x71E0;
	v43 =	vld.idx.msk [tilespmem:v17+s3+$0x0], $0xffff;
	v20 =	vadd.f32 $1.000000000e+00, v20;
	v14 =	vmul.f32 v14, v62;
	v25 =	vmul.f32 v25, v37  }
0x159: {  	v47 =	vld.idx.msk [tilespmem:v17+s21+$0x0], $0xffff;
	v21 =	vadd.f32 $8.333333770e-03, v21;
	v16 =	vmul.f32 v16, v39;
	v62 =	vmul.f32 v55, v12  }
0x15a: {  	v46 =	vmul.f32 $2.755731880e-06, v29;
	v27 =	vadd.f32 v44, v30;
	v20 =	vmul.f32 v20, v32  }
0x15b: {  	v21 =	vmul.f32 v21, v60;
	v25 =	vadd.f32 $8.333333770e-03, v25;
	v16 =	vadd.f32 $8.333333770e-03, v16  }
0x15c: {  	v32 =	vmul.f32 v45, v9;
	v48 =	vadd.f32 $-1.984127010e-04, v46;
	v49 =	vmul.f32 v27, v27  }
0x15d: {  	v20 =	vmul.f32 v20, v43;
	v21 =	vadd.f32 $-1.666666720e-01, v21;
	v25 =	vmul.f32 v25, v37  }
0x15e: {  	v16 =	vmul.f32 v16, v39;
	v32 =	vadd.f32 v47, v32;
	v50 =	vmul.f32 v48, v29  }
0x15f: {  	s10 =	simm.s32 $0x49E0;
	v52 =	vmul.f32 $2.755731880e-06, v49;
	v21 =	vmul.f32 v21, v60;
	v25 =	vadd.f32 $-1.666666720e-01, v25  }
0x160: {  	v51 =	vld.idx.msk [tilespmem:v17+s10+$0x0], $0xffff;
	v16 =	vadd.f32 $-1.666666720e-01, v16;
	v54 =	vmul.f32 v32, v32;
	v26 =	vadd.f32 $8.333333770e-03, v50  }
0x161: {  	s8 =	simm.s32 $0x89E0;
	v53 =	vadd.f32 $-1.984127010e-04, v52;
	v21 =	vadd.f32 $1.000000000e+00, v21;
	v25 =	vmul.f32 v25, v37  }
0x162: {  	s17 =	simm.s32 $0xF9E0;
	v58 =	vld.idx.msk [tilespmem:v17+s8+$0x0], $0xffff;
	v16 =	vmul.f32 v16, v39;
	v26 =	vmul.f32 v26, v29  }
0x163: {  	s13 =	simm.s32 $0x61E0;
	v42 =	vld.idx.msk [tilespmem:v17+s17+$0x0], $0xffff;
	v19 =	vmul.f32 v53, v49;
	v21 =	vmul.f32 v21, v57  }
0x164: {  	s9 =	simm.s32 $0xC1E0;
	v56 =	vld.idx.msk [tilespmem:v17+s13+$0x0], $0xffff;
	v25 =	vadd.f32 $1.000000000e+00, v25;
	v57 =	vmul.f32 $2.755731880e-06, v54;
	v26 =	vadd.f32 $-1.666666720e-01, v26  }
0x165: {  	s15 =	simm.s32 $0xA1E0;
	v59 =	vld.idx.msk [tilespmem:v17+s9+$0x0], $0xffff;
	v16 =	vadd.f32 $1.000000000e+00, v16;
	v19 =	vadd.f32 $8.333333770e-03, v19;
	v21 =	vmul.f32 v21, v51  }
0x166: {  	s5 =	simm.s32 $0x99E0;
	v40 =	vld.idx.msk [tilespmem:v17+s15+$0x0], $0xffff;
	v22 =	vmul.f32 v25, v22;
	v61 =	vadd.f32 $-1.984127010e-04, v57;
	v26 =	vmul.f32 v26, v29  }
0x167: {  	s1 =	simm.s32 $0x111E0;
	v16 =	vmul.f32 v16, v63;
	v63 =	vld.idx.msk [tilespmem:v17+s5+$0x0], $0xffff;
	v19 =	vmul.f32 v19, v49  }
0x168: {  	s3 =	simm.s32 $0xD9E0;
	v45 =	vld.idx.msk [tilespmem:v17+s1+$0x0], $0xffff;
	v29 =	vmul.f32 v42, v9;
	v30 =	vmul.f32 v61, v54;
	v41 =	vadd.f32 $1.000000000e+00, v26  }
0x169: {  	s11 =	simm.s32 $0x101E0;
	v60 =	vld.idx.msk [tilespmem:v17+s3+$0x0], $0xffff;
	v22 =	vmul.f32 v22, v56;
	v26 =	vadd.f32 v58, v62;
	v43 =	vadd.f32 $-1.666666720e-01, v19  }
0x16a: {  	s18 =	simm.s32 $0x119E0;
	v46 =	vld.idx.msk [tilespmem:v17+s11+$0x0], $0xffff;
	v25 =	vmul.f32 v16, v59;
	v44 =	vadd.f32 $8.333333770e-03, v30;
	v23 =	vmul.f32 v41, v24  }
0x16b: {  	s6 =	simm.s32 $0x129E0;
	v47 =	vld.idx.msk [tilespmem:v17+s18+$0x0], $0xffff;
	v24 =	vmul.f32 v26, v26;
	v16 =	vmul.f32 v43, v49  }
0x16c: {  	v49 =	vld.idx.msk [tilespmem:v17+s6+$0x0], $0xffff;
	v33 =	vmul.f32 v63, v10;
	v19 =	vmul.f32 v44, v54  }
0x16d: {  	s1 =	simm.s32 $0xF1E0;
	v30 =	vmul.f32 v45, v12;
	v48 =	vmul.f32 $2.755731880e-06, v24;
	v16 =	vadd.f32 $1.000000000e+00, v16  }
0x16e: {  	s18 =	simm.s32 $0x131E0;
	v51 =	vld.idx.msk [tilespmem:v17+s1+$0x0], $0xffff;
	v18 =	vmul.f32 v23, v60;
	v28 =	vadd.f32 v40, v33;
	v19 =	vadd.f32 $-1.666666720e-01, v19  }
0x16f: {  	s16 =	simm.s32 $0x1E0;
	v50 =	vld.idx.msk [tilespmem:v17+s18+$0x0], $0xffff;
	v23 =	vadd.f32 $-1.984127010e-04, v48;
	v16 =	vmul.f32 v16, v27;
	v27 =	vadd.f32 v46, v29  }
0x170: {  	s14 =	simm.s32 $0x9E0;
	v39 =	vld.idx.msk [tilespmem:v17+s16+$0x0], $0xffff;
	v29 =	vadd.f32 v47, v30;
	v55 =	vmul.f32 v28, v28;
	v19 =	vmul.f32 v19, v54  }
0x171: {  	v44 =	vld.idx.msk [tilespmem:v17+s14+$0x0], $0xffff;
	v53 =	vmul.f32 v49, v10;
	v23 =	vmul.f32 v23, v24  }
0x172: {  	v20 =	vadd.f32 v21, v20;
	v52 =	vmul.f32 v27, v27;
	v56 =	vmul.f32 v29, v29  }
0x173: {  	v54 =	vor.u32 v2, v11;
	v58 =	vmul.f32 $2.755731880e-06, v55;
	v30 =	vmul.f32 v16, v51  }
0x174: {  	s6 =	simm.s32 $0x79E0;
	v16 =	vor.u32 v4, v15;
	v33 =	vadd.f32 v50, v53;
	v57 =	vmul.f32 $2.755731880e-06, v52  }
0x175: {  	v23 =	vadd.f32 $8.333333770e-03, v23;
	v59 =	vmul.f32 $2.755731880e-06, v56;
	v60 =	vadd.f32 $-1.984127010e-04, v58  }
0x176: {  	s24 =	simm.s32 $0x109E0;
	v63 =	vld.idx.msk [tilespmem:v17+s6+$0x0], $0xffff;
	v39 =	vmul.f32 v44, v39;
	v40 =	vmul.f32 v33, v33;
	v38 =	vadd.f32 $-1.984127010e-04, v57  }
0x177: {  	s23 =	simm.s32 $0x121E0;
	v49 =	vld.idx.msk [tilespmem:v17+s24+$0x0], $0xffff;
	v23 =	vmul.f32 v23, v24;
	v61 =	vadd.f32 $-1.984127010e-04, v59;
	v43 =	vmul.f32 v60, v55  }
0x178: {  	s14 =	simm.s32 $0x11E0;
	v51 =	vld.idx.msk [tilespmem:v17+s23+$0x0], $0xffff;
	v19 =	vadd.f32 $1.000000000e+00, v19;
	v62 =	vmul.f32 $2.755731880e-06, v40;
	v38 =	vmul.f32 v38, v52  }
0x179: {  	s26 =	simm.s32 $0x21E0;
	v34 =	vld.idx.msk [tilespmem:v54+s14+$0x0], $0xffff;
	v23 =	vadd.f32 $-1.666666720e-01, v23;
	v37 =	vmul.f32 v61, v56;
	v47 =	vadd.f32 $8.333333770e-03, v43  }
0x17a: {  	v19 =	vmul.f32 v19, v32;
	s14 =	simm.s32 $0x91E0;
	v50 =	vld.idx.msk [tilespmem:v16+s26+$0x0], $0xffff;
	v46 =	vadd.f32 $-1.984127010e-04, v62;
	v45 =	vadd.f32 $8.333333770e-03, v38  }
0x17b: {  	s30 =	simm.s32 $0x29E0;
	v48 =	vld.idx.msk [tilespmem:v17+s14+$0x0], $0xffff;
	v23 =	vmul.f32 v23, v24;
	v37 =	vadd.f32 $8.333333770e-03, v37;
	v24 =	vmul.f32 v47, v55  }
0x17c: {  	s29 =	simm.s32 $0x51E0;
	v20 =	vadd.f32 v22, v20;
	v54 =	vld.idx.msk [tilespmem:v16+s30+$0x0], $0xffff;
	v38 =	vmul.f32 v46, v40;
	v32 =	vmul.f32 v45, v52  }
0x17d: {  	v60 =	vld.idx.msk [tilespmem:v16+s29+$0x0], $0xffff;
	v23 =	vadd.f32 $1.000000000e+00, v23;
	v37 =	vmul.f32 v37, v56;
	v24 =	vadd.f32 $-1.666666720e-01, v24  }
0x17e: {  	s16 =	simm.s32 $0x139E0;
	v19 =	vmul.f32 v19, v63;
	v63 =	vld.idx.msk [tilespmem:v16+s0+$0x0], $0xffff;
	v38 =	vadd.f32 $8.333333770e-03, v38;
	v32 =	vadd.f32 $-1.666666720e-01, v32  }
0x17f: {  	s0 =	simm.s32 $0xA9E0;
	v62 =	vld.idx.msk [tilespmem:v17+s16+$0x0], $0xffff;
	v59 =	vmul.f32 v50, v9;
	v37 =	vadd.f32 $-1.666666720e-01, v37;
	v24 =	vmul.f32 v24, v55  }
0x180: {  	s25 =	simm.s32 $0xC9E0;
	v18 =	vadd.f32 v18, v25;
	v17 =	vld.idx.msk [tilespmem:v17+s0+$0x0], $0xffff;
	v53 =	vmul.f32 v38, v40;
	v52 =	vmul.f32 v32, v52  }
0x181: {  	s23 =	simm.s32 $0xB1E0;
	v43 =	vld.idx.msk [tilespmem:v16+s25+$0x0], $0xffff;
	v23 =	vmul.f32 v23, v26;
	v55 =	vmul.f32 v37, v56;
	v24 =	vadd.f32 $1.000000000e+00, v24  }
0x182: {  	s22 =	simm.s32 $0x39E0;
	v38 =	vld.idx.msk [tilespmem:v16+s23+$0x0], $0xffff;
	v37 =	vmul.f32 v60, v10;
	v57 =	vadd.f32 $-1.666666720e-01, v53;
	v22 =	vadd.f32 $1.000000000e+00, v52  }
0x183: {  	s28 =	simm.s32 $0x41E0;
	v56 =	vld.idx.msk [tilespmem:v16+s22+$0x0], $0xffff;
	v21 =	vmul.f32 v23, v48;
	v25 =	vadd.f32 $1.000000000e+00, v55;
	v24 =	vmul.f32 v24, v28  }
0x184: {  	s24 =	simm.s32 $0xB9E0;
	v58 =	vld.idx.msk [tilespmem:v16+s28+$0x0], $0xffff;
	v28 =	vadd.f32 v63, v37;
	v23 =	vmul.f32 v57, v40;
	v61 =	vmul.f32 v22, v27  }
0x185: {  	v30 =	vadd.f32 v30, v18;
	v41 =	vld.idx.msk [tilespmem:v16+s24+$0x0], $0xffff;
	v25 =	vmul.f32 v25, v29;
	v24 =	vmul.f32 v24, v17  }
0x186: {  	v47 =	vld.idx.msk [tilespmem:v16+s4+$0x0], $0xffff;
	v19 =	vadd.f32 v21, v19;
	v17 =	vmul.f32 v34, v39;
	v46 =	vmul.f32 v28, v28  }
0x187: {  	v27 =	vadd.f32 v54, v59;
	v48 =	vmul.f32 v38, v9;
	v29 =	vmul.f32 v43, v12  }
0x188: {  	v23 =	vadd.f32 $1.000000000e+00, v23;
	v32 =	vmul.f32 v56, v12;
	v18 =	vmul.f32 v61, v49  }
0x189: {  	v35 =	vmul.f32 v25, v51;
	v36 =	vmul.f32 v27, v27;
	v19 =	vadd.f32 v24, v19  }
0x18a: {  	v51 =	vmul.f32 $2.755731880e-06, v46;
	v24 =	vadd.f32 v41, v48;
	v26 =	vadd.f32 v58, v32  }
0x18b: {  	v29 =	vadd.f32 v47, v29;
	v23 =	vmul.f32 v23, v33;
	v40 =	vmul.f32 $2.755731880e-06, v36  }
0x18c: {  	v49 =	vld.idx.msk [tilespmem:v16+s19+$0x0], $0xffff;
	v18 =	vadd.f32 v35, v18;
	v19 =	vmul.f32 v19, v30;
	v42 =	vmul.f32 v26, v26  }
0x18d: {  	v53 =	vmul.f32 v24, v24;
	v22 =	vmul.f32 v23, v62;
	v44 =	vadd.f32 $-1.984127010e-04, v40  }
0x18e: {  	v55 =	vmul.f32 v29, v29;
	v45 =	vmul.f32 $2.755731880e-06, v42  }
0x18f: {  	v52 =	vld.idx.msk [tilespmem:v16+s2+$0x0], $0xffff;
	v18 =	vadd.f32 v22, v18;
	v22 =	vadd.f32 $-1.984127010e-04, v51;
	v21 =	vmul.f32 v44, v36  }
0x190: {  	v54 =	vmul.f32 $2.755731880e-06, v53;
	v57 =	vmul.f32 $2.755731880e-06, v55;
	v50 =	vadd.f32 $-1.984127010e-04, v45  }
0x191: {  	v31 =	vmul.f32 v49, v10;
	v22 =	vmul.f32 v22, v46;
	v21 =	vadd.f32 $8.333333770e-03, v21  }
0x192: {  	v56 =	vadd.f32 $-1.984127010e-04, v54;
	v18 =	vmul.f32 v18, v20;
	v20 =	vmul.f32 v50, v42  }
0x193: {  	v34 =	vadd.f32 $-1.984127010e-04, v57;
	v22 =	vadd.f32 $8.333333770e-03, v22;
	v21 =	vmul.f32 v21, v36  }
0x194: {  	v44 =	vld.idx.msk [tilespmem:v16+s20+$0x0], $0xffff;
	v31 =	vadd.f32 v52, v31;
	v33 =	vmul.f32 v56, v53;
	v20 =	vadd.f32 $8.333333770e-03, v20  }
0x195: {  	v34 =	vmul.f32 v34, v55;
	v22 =	vmul.f32 v22, v46;
	v21 =	vadd.f32 $-1.666666720e-01, v21  }
0x196: {  	v60 =	vld.idx.msk [tilespmem:v16+s10+$0x0], $0xffff;
	v58 =	vmul.f32 v31, v31;
	v20 =	vmul.f32 v20, v42  }
0x197: {  	s25 =	simm.s32 $0x31E0;
	v63 =	vld.idx.msk [tilespmem:v16+s9+$0x0], $0xffff;
	v33 =	vadd.f32 $8.333333770e-03, v33;
	v22 =	vadd.f32 $-1.666666720e-01, v22;
	v21 =	vmul.f32 v21, v36  }
0x198: {  	v59 =	vld.idx.msk [tilespmem:v16+s25+$0x0], $0xffff;
	v43 =	vadd.f32 $8.333333770e-03, v34;
	v61 =	vmul.f32 $2.755731880e-06, v58;
	v20 =	vadd.f32 $-1.666666720e-01, v20  }
0x199: {  	v45 =	vld.idx.msk [tilespmem:v16+s7+$0x0], $0xffff;
	v34 =	vmul.f32 v44, v9;
	v22 =	vmul.f32 v22, v46;
	v21 =	vadd.f32 $1.000000000e+00, v21  }
0x19a: {  	v23 =	vadd.f32 $-1.984127010e-04, v61;
	v46 =	vld.idx.msk [tilespmem:v16+s21+$0x0], $0xffff;
	v20 =	vmul.f32 v20, v42;
	v42 =	vmul.f32 v33, v53  }
0x19b: {  	v48 =	vld.idx.msk [tilespmem:v16+s8+$0x0], $0xffff;
	v22 =	vadd.f32 $1.000000000e+00, v22;
	v33 =	vmul.f32 v43, v55;
	v21 =	vmul.f32 v21, v27  }
0x19c: {  	v62 =	vld.idx.msk [tilespmem:v16+s13+$0x0], $0xffff;
	v23 =	vmul.f32 v23, v58;
	v20 =	vadd.f32 $1.000000000e+00, v20;
	v32 =	vadd.f32 $-1.666666720e-01, v42  }
0x19d: {  	v57 =	vld.idx.msk [tilespmem:v16+s17+$0x0], $0xffff;
	v22 =	vmul.f32 v22, v28;
	v51 =	vadd.f32 $-1.666666720e-01, v33;
	v21 =	vmul.f32 v21, v59  }
0x19e: {  	v54 =	vld.idx.msk [tilespmem:v16+s15+$0x0], $0xffff;
	v47 =	vadd.f32 $8.333333770e-03, v23;
	v20 =	vmul.f32 v20, v26;
	v49 =	vmul.f32 v32, v53  }
0x19f: {  	v50 =	vld.idx.msk [tilespmem:v16+s3+$0x0], $0xffff;
	v34 =	vadd.f32 v46, v34;
	v32 =	vmul.f32 v51, v55;
	v26 =	vmul.f32 v45, v12  }
0x1a0: {  	v53 =	vld.idx.msk [tilespmem:v16+s5+$0x0], $0xffff;
	s5 =	simm.s32 $0x129E0;
	v36 =	vmul.f32 v20, v60;
	v20 =	vmul.f32 v47, v58;
	v28 =	vadd.f32 $1.000000000e+00, v49  }
0x1a1: {  	s21 =	simm.s32 $0x111E0;
	v37 =	vmul.f32 v22, v62;
	v44 =	vld.idx.msk [tilespmem:v16+s5+$0x0], $0xffff;
	v56 =	vadd.f32 $1.000000000e+00, v32;
	v26 =	vadd.f32 v48, v26  }
0x1a2: {  	v59 =	vld.idx.msk [tilespmem:v16+s21+$0x0], $0xffff;
	v45 =	vmul.f32 v57, v9;
	v20 =	vadd.f32 $-1.666666720e-01, v20;
	v55 =	vmul.f32 v28, v24  }
0x1a3: {  	v46 =	vld.idx.msk [tilespmem:v16+s18+$0x0], $0xffff;
	v24 =	vmul.f32 v56, v29;
	v60 =	vmul.f32 v26, v26  }
0x1a4: {  	v52 =	vld.idx.msk [tilespmem:v16+s1+$0x0], $0xffff;
	s1 =	simm.s32 $0x119E0;
	v25 =	vmul.f32 v20, v58;
	v58 =	vmul.f32 v34, v34  }
0x1a5: {  	v15 =	vor.u32 v6, v15;
	v20 =	vmul.f32 v55, v63;
	v63 =	vld.idx.msk [tilespmem:v16+s1+$0x0], $0xffff;
	v43 =	vmul.f32 $2.755731880e-06, v60  }
0x1a6: {  	v61 =	vld.idx.msk [tilespmem:v16+s11+$0x0], $0xffff;
	v35 =	vmul.f32 v53, v10;
	v30 =	vmul.f32 v44, v10;
	v25 =	vadd.f32 $1.000000000e+00, v25  }
0x1a7: {  	v22 =	vmul.f32 v24, v50;
	v62 =	vmul.f32 $2.755731880e-06, v58;
	v24 =	vadd.f32 $-1.984127010e-04, v43  }
0x1a8: {  	v32 =	vmul.f32 v59, v12;
	v30 =	vadd.f32 v46, v30;
	v25 =	vmul.f32 v25, v31  }
0x1a9: {  	v27 =	vadd.f32 $-1.984127010e-04, v62;
	v24 =	vmul.f32 v24, v60;
	v31 =	vadd.f32 v54, v35  }
0x1aa: {  	s26 =	simm.s32 $0x121E0;
	v53 =	vmul.f32 v30, v30;
	v32 =	vadd.f32 v63, v32;
	v23 =	vmul.f32 v25, v52  }
0x1ab: {  	v46 =	vld.idx.msk [tilespmem:v16+s26+$0x0], $0xffff;
	s26 =	simm.s32 $0x21E0;
	v47 =	vmul.f32 v27, v58;
	v27 =	vadd.f32 v61, v45;
	v35 =	vmul.f32 v31, v31  }
0x1ac: {  	v59 =	vld.idx.msk [tilespmem:v15+s26+$0x0], $0xffff;
	v24 =	vadd.f32 $8.333333770e-03, v24;
	v54 =	vmul.f32 $2.755731880e-06, v53;
	v49 =	vmul.f32 v32, v32  }
0x1ad: {  	s26 =	simm.s32 $0x29E0;
	v48 =	vmul.f32 v27, v27;
	v25 =	vadd.f32 $8.333333770e-03, v47;
	v51 =	vmul.f32 $2.755731880e-06, v35  }
0x1ae: {  	v61 =	vld.idx.msk [tilespmem:v15+s26+$0x0], $0xffff;
	v24 =	vmul.f32 v24, v60;
	v43 =	vadd.f32 $-1.984127010e-04, v54;
	v52 =	vmul.f32 $2.755731880e-06, v49  }
0x1af: {  	v18 =	vadd.f32 v18, v19;
	v50 =	vmul.f32 $2.755731880e-06, v48;
	v25 =	vmul.f32 v25, v58  }
0x1b0: {  	v40 =	vadd.f32 $-1.984127010e-04, v51;
	v24 =	vadd.f32 $-1.666666720e-01, v24;
	v43 =	vmul.f32 v43, v53  }
0x1b1: {  	v51 =	vmul.f32 v59, v9;
	v41 =	vadd.f32 $-1.984127010e-04, v52;
	v39 =	vadd.f32 $-1.984127010e-04, v50  }
0x1b2: {  	v56 =	vld.idx.msk [tilespmem:v16+s14+$0x0], $0xffff;
	v25 =	vadd.f32 $-1.666666720e-01, v25;
	v40 =	vmul.f32 v40, v35;
	v43 =	vadd.f32 $8.333333770e-03, v43  }
0x1b3: {  	s30 =	simm.s32 $0x39E0;
	v55 =	vld.idx.msk [tilespmem:v16+s6+$0x0], $0xffff;
	v24 =	vmul.f32 v24, v60;
	v29 =	vadd.f32 v61, v51;
	v41 =	vmul.f32 v41, v49  }
0x1b4: {  	v63 =	vld.idx.msk [tilespmem:v15+s30+$0x0], $0xffff;
	v39 =	vmul.f32 v39, v48;
	v40 =	vadd.f32 $8.333333770e-03, v40;
	v60 =	vmul.f32 v43, v53  }
0x1b5: {  	s22 =	simm.s32 $0xB1E0;
	v45 =	vld.idx.msk [tilespmem:v16+s0+$0x0], $0xffff;
	v25 =	vmul.f32 v25, v58;
	v24 =	vadd.f32 $1.000000000e+00, v24;
	v41 =	vadd.f32 $8.333333770e-03, v41  }
0x1b6: {  	s4 =	simm.s32 $0xD1E0;
	v54 =	vld.idx.msk [tilespmem:v15+s22+$0x0], $0xffff;
	v39 =	vadd.f32 $8.333333770e-03, v39;
	v40 =	vmul.f32 v40, v35;
	v47 =	vadd.f32 $-1.666666720e-01, v60  }
0x1b7: {  	v59 =	vld.idx.msk [tilespmem:v15+s4+$0x0], $0xffff;
	v25 =	vadd.f32 $1.000000000e+00, v25;
	v24 =	vmul.f32 v24, v26;
	v41 =	vmul.f32 v41, v49  }
0x1b8: {  	s19 =	simm.s32 $0xE1E0;
	v50 =	vld.idx.msk [tilespmem:v16+s16+$0x0], $0xffff;
	v39 =	vmul.f32 v39, v48;
	v40 =	vadd.f32 $-1.666666720e-01, v40;
	v38 =	vmul.f32 v47, v53  }
0x1b9: {  	s24 =	simm.s32 $0xC9E0;
	v61 =	vld.idx.msk [tilespmem:v15+s19+$0x0], $0xffff;
	v25 =	vmul.f32 v25, v34;
	v24 =	vmul.f32 v24, v56;
	v58 =	vadd.f32 $-1.666666720e-01, v41  }
0x1ba: {  	s23 =	simm.s32 $0xB9E0;
	v56 =	vld.idx.msk [tilespmem:v15+s24+$0x0], $0xffff;
	v39 =	vadd.f32 $-1.666666720e-01, v39;
	v35 =	vmul.f32 v40, v35;
	v53 =	vadd.f32 $1.000000000e+00, v38  }
0x1bb: {  	s28 =	simm.s32 $0x51E0;
	v21 =	vadd.f32 v36, v21;
	v25 =	vmul.f32 v25, v55;
	v55 =	vld.idx.msk [tilespmem:v15+s23+$0x0], $0xffff;
	v62 =	vmul.f32 v58, v49  }
0x1bc: {  	s26 =	simm.s32 $0x41E0;
	v49 =	vld.idx.msk [tilespmem:v15+s28+$0x0], $0xffff;
	v33 =	vmul.f32 v39, v48;
	v35 =	vadd.f32 $1.000000000e+00, v35;
	v30 =	vmul.f32 v53, v30  }
0x1bd: {  	s31 =	simm.s32 $0x109E0;
	v34 =	vmul.f32 v63, v12;
	v38 =	vmul.f32 v54, v9;
	v48 =	vld.idx.msk [tilespmem:v15+s26+$0x0], $0xffff;
	v26 =	vadd.f32 $1.000000000e+00, v62  }
0x1be: {  	s29 =	simm.s32 $0x59E0;
	v57 =	vld.idx.msk [tilespmem:v16+s31+$0x0], $0xffff;
	v33 =	vadd.f32 $1.000000000e+00, v33;
	v31 =	vmul.f32 v35, v31;
	v30 =	vmul.f32 v30, v50  }
0x1bf: {  	v21 =	vadd.f32 v37, v21;
	v52 =	vld.idx.msk [tilespmem:v15+s29+$0x0], $0xffff;
	v35 =	vmul.f32 v56, v12;
	v50 =	vmul.f32 v61, v10  }
0x1c0: {  	v26 =	vmul.f32 v26, v32;
	v32 =	vadd.f32 v55, v38;
	v27 =	vmul.f32 v33, v27  }
0x1c1: {  	v28 =	vmul.f32 v49, v10;
	v31 =	vmul.f32 v31, v45;
	v35 =	vadd.f32 v59, v35  }
0x1c2: {  	s2 =	simm.s32 $0xE9E0;
	v26 =	vmul.f32 v26, v46;
	v34 =	vadd.f32 v48, v34;
	v49 =	vmul.f32 v32, v32  }
0x1c3: {  	v20 =	vadd.f32 v22, v20;
	s22 =	simm.s32 $0x69E0;
	v46 =	vld.idx.msk [tilespmem:v15+s2+$0x0], $0xffff;
	v27 =	vmul.f32 v27, v57;
	v57 =	vmul.f32 v29, v29  }
0x1c4: {  	v61 =	vld.idx.msk [tilespmem:v15+s22+$0x0], $0xffff;
	v28 =	vadd.f32 v52, v28;
	v52 =	vmul.f32 v35, v35;
	v58 =	vmul.f32 v34, v34  }
0x1c5: {  	v51 =	vmul.f32 $2.755731880e-06, v49;
	v26 =	vadd.f32 v26, v27;
	v60 =	vmul.f32 $2.755731880e-06, v57  }
0x1c6: {  	v24 =	vadd.f32 v24, v25;
	v63 =	vmul.f32 v28, v28;
	v54 =	vmul.f32 $2.755731880e-06, v52  }
0x1c7: {  	v62 =	vmul.f32 $2.755731880e-06, v58;
	v53 =	vadd.f32 $-1.984127010e-04, v51;
	v26 =	vadd.f32 v30, v26  }
0x1c8: {  	v37 =	vadd.f32 $-1.984127010e-04, v60;
	v48 =	vmul.f32 $2.755731880e-06, v63;
	v36 =	vadd.f32 v46, v50  }
0x1c9: {  	v47 =	vadd.f32 $-1.984127010e-04, v62;
	v38 =	vmul.f32 v53, v49;
	v53 =	vmul.f32 v61, v9  }
0x1ca: {  	v21 =	vmul.f32 v26, v21;
	v37 =	vmul.f32 v37, v57;
	v30 =	vadd.f32 $-1.984127010e-04, v48  }
0x1cb: {  	v39 =	vadd.f32 $-1.984127010e-04, v54;
	v43 =	vmul.f32 v36, v36;
	v26 =	vmul.f32 v47, v58  }
0x1cc: {  	s9 =	simm.s32 $0xC1E0;
	v38 =	vadd.f32 $8.333333770e-03, v38;
	v37 =	vadd.f32 $8.333333770e-03, v37;
	v30 =	vmul.f32 v30, v63  }
0x1cd: {  	s7 =	simm.s32 $0x99E0;
	v40 =	vld.idx.msk [tilespmem:v15+s9+$0x0], $0xffff;
	v39 =	vmul.f32 v39, v52;
	v55 =	vmul.f32 $2.755731880e-06, v43;
	v26 =	vadd.f32 $8.333333770e-03, v26  }
0x1ce: {  	s25 =	simm.s32 $0x31E0;
	v51 =	vld.idx.msk [tilespmem:v15+s7+$0x0], $0xffff;
	v38 =	vmul.f32 v38, v49;
	v37 =	vmul.f32 v37, v57;
	v30 =	vadd.f32 $8.333333770e-03, v30  }
0x1cf: {  	s17 =	simm.s32 $0xF9E0;
	v56 =	vld.idx.msk [tilespmem:v15+s25+$0x0], $0xffff;
	v39 =	vadd.f32 $8.333333770e-03, v39;
	v44 =	vadd.f32 $-1.984127010e-04, v55;
	v26 =	vmul.f32 v26, v58  }
0x1d0: {  	s11 =	simm.s32 $0x131E0;
	v54 =	vld.idx.msk [tilespmem:v15+s17+$0x0], $0xffff;
	v38 =	vadd.f32 $-1.666666720e-01, v38;
	v37 =	vadd.f32 $-1.666666720e-01, v37;
	v30 =	vmul.f32 v30, v63  }
0x1d1: {  	s20 =	simm.s32 $0x71E0;
	v45 =	vld.idx.msk [tilespmem:v15+s11+$0x0], $0xffff;
	v39 =	vmul.f32 v39, v52;
	v44 =	vmul.f32 v44, v43;
	v26 =	vadd.f32 $-1.666666720e-01, v26  }
0x1d2: {  	s3 =	simm.s32 $0xD9E0;
	v62 =	vmul.f32 v38, v49;
	v49 =	vld.idx.msk [tilespmem:v15+s20+$0x0], $0xffff;
	v27 =	vmul.f32 v37, v57;
	v30 =	vadd.f32 $-1.666666720e-01, v30  }
0x1d3: {  	s23 =	simm.s32 $0x81E0;
	v46 =	vld.idx.msk [tilespmem:v15+s3+$0x0], $0xffff;
	v33 =	vmul.f32 v51, v10;
	v60 =	vadd.f32 $8.333333770e-03, v44;
	v26 =	vmul.f32 v26, v58  }
0x1d4: {  	s10 =	simm.s32 $0x49E0;
	v47 =	vld.idx.msk [tilespmem:v15+s23+$0x0], $0xffff;
	v27 =	vadd.f32 $1.000000000e+00, v27;
	v30 =	vmul.f32 v30, v63;
	v63 =	vadd.f32 $-1.666666720e-01, v39  }
0x1d5: {  	s24 =	simm.s32 $0x89E0;
	v9 =	vmul.f32 v54, v9;
	v57 =	vld.idx.msk [tilespmem:v15+s10+$0x0], $0xffff;
	v48 =	vmul.f32 v60, v43;
	v26 =	vadd.f32 $1.000000000e+00, v26  }
0x1d6: {  	s13 =	simm.s32 $0x61E0;
	v50 =	vld.idx.msk [tilespmem:v15+s24+$0x0], $0xffff;
	v27 =	vmul.f32 v27, v29;
	v59 =	vadd.f32 $1.000000000e+00, v30;
	v38 =	vmul.f32 v63, v52  }
0x1d7: {  	v58 =	vld.idx.msk [tilespmem:v15+s13+$0x0], $0xffff;
	v29 =	vadd.f32 $-1.666666720e-01, v48;
	v30 =	vadd.f32 v49, v53;
	v26 =	vmul.f32 v26, v34  }
0x1d8: {  	s8 =	simm.s32 $0x111E0;
	v34 =	vadd.f32 $1.000000000e+00, v62;
	v62 =	vld.idx.msk [tilespmem:v15+s5+$0x0], $0xffff;
	v28 =	vmul.f32 v59, v28;
	v27 =	vmul.f32 v27, v56  }
0x1d9: {  	s15 =	simm.s32 $0xA1E0;
	v52 =	vadd.f32 $1.000000000e+00, v38;
	v55 =	vmul.f32 v29, v43;
	v56 =	vmul.f32 v47, v12;
	v59 =	vld.idx.msk [tilespmem:v15+s8+$0x0], $0xffff  }
0x1da: {  	s21 =	simm.s32 $0x101E0;
	v20 =	vadd.f32 v23, v20;
	v61 =	vmul.f32 v30, v30;
	v43 =	vld.idx.msk [tilespmem:v15+s15+$0x0], $0xffff;
	v26 =	vmul.f32 v26, v57  }
0x1db: {  	v24 =	vadd.f32 v31, v24;
	v32 =	vmul.f32 v34, v32;
	v57 =	vld.idx.msk [tilespmem:v15+s21+$0x0], $0xffff;
	v34 =	vmul.f32 v52, v35  }
0x1dc: {  	v60 =	vld.idx.msk [tilespmem:v15+s1+$0x0], $0xffff;
	v28 =	vmul.f32 v28, v58;
	v29 =	vadd.f32 v50, v56;
	v44 =	vmul.f32 $2.755731880e-06, v61  }
0x1dd: {  	v58 =	vor.u32 v3, v11;
	v32 =	vmul.f32 v32, v40;
	v22 =	vmul.f32 v34, v46  }
0x1de: {  	v19 =	vadd.f32 $1.000000000e+00, v55;
	v63 =	vmul.f32 v29, v29;
	v10 =	vmul.f32 v62, v10  }
0x1df: {  	v23 =	vadd.f32 $-1.984127010e-04, v44;
	v12 =	vmul.f32 v59, v12;
	v33 =	vadd.f32 v43, v33  }
0x1e0: {  	v46 =	vmul.f32 $2.755731880e-06, v63;
	v9 =	vadd.f32 v57, v9;
	v10 =	vadd.f32 v45, v10  }
0x1e1: {  	v23 =	vmul.f32 v23, v61;
	v12 =	vadd.f32 v60, v12;
	v49 =	vmul.f32 v33, v33  }
0x1e2: {  	v31 =	vadd.f32 $-1.984127010e-04, v46;
	v47 =	vmul.f32 v9, v9;
	v52 =	vmul.f32 v10, v10  }
0x1e3: {  	v23 =	vadd.f32 $8.333333770e-03, v23;
	v48 =	vmul.f32 v12, v12;
	v53 =	vmul.f32 $2.755731880e-06, v49  }
0x1e4: {  	v26 =	vadd.f32 v26, v27;
	v31 =	vmul.f32 v31, v63;
	v50 =	vmul.f32 $2.755731880e-06, v47  }
0x1e5: {  	v23 =	vmul.f32 v23, v61;
	v51 =	vmul.f32 $2.755731880e-06, v48;
	v40 =	vadd.f32 $-1.984127010e-04, v53  }
0x1e6: {  	v54 =	vmul.f32 $2.755731880e-06, v52;
	v38 =	vadd.f32 $-1.984127010e-04, v50;
	v31 =	vadd.f32 $8.333333770e-03, v31  }
0x1e7: {  	v23 =	vadd.f32 $-1.666666720e-01, v23;
	v27 =	vadd.f32 $-1.984127010e-04, v51;
	v55 =	vmul.f32 v40, v49  }
0x1e8: {  	v41 =	vadd.f32 $-1.984127010e-04, v54;
	v38 =	vmul.f32 v38, v47;
	v31 =	vmul.f32 v31, v63  }
0x1e9: {  	v23 =	vmul.f32 v23, v61;
	v27 =	vmul.f32 v27, v48;
	v34 =	vadd.f32 $8.333333770e-03, v55  }
0x1ea: {  	s28 =	simm.s32 $0x79E0;
	v56 =	vmul.f32 v41, v52;
	v38 =	vadd.f32 $8.333333770e-03, v38;
	v31 =	vadd.f32 $-1.666666720e-01, v31  }
0x1eb: {  	s25 =	simm.s32 $0x11E0;
	v59 =	vld.idx.msk [tilespmem:v15+s28+$0x0], $0xffff;
	v23 =	vadd.f32 $1.000000000e+00, v23;
	v27 =	vadd.f32 $8.333333770e-03, v27;
	v60 =	vmul.f32 v34, v49  }
0x1ec: {  	v57 =	vld.idx.msk [tilespmem:v58+s25+$0x0], $0xffff;
	v58 =	vadd.f32 $8.333333770e-03, v56;
	v38 =	vmul.f32 v38, v47;
	v25 =	vmul.f32 v31, v63  }
0x1ed: {  	s26 =	simm.s32 $0x1E0;
	v23 =	vmul.f32 v23, v30;
	v27 =	vmul.f32 v27, v48  }
0x1ee: {  	s6 =	simm.s32 $0x91E0;
	v42 =	vld.idx.msk [tilespmem:v16+s26+$0x0], $0xffff;
	v31 =	vmul.f32 v58, v52;
	v30 =	vadd.f32 $-1.666666720e-01, v60;
	v61 =	vadd.f32 $-1.666666720e-01, v38  }
0x1ef: {  	s29 =	simm.s32 $0xF1E0;
	v19 =	vmul.f32 v19, v36;
	v62 =	vld.idx.msk [tilespmem:v15+s6+$0x0], $0xffff;
	v25 =	vadd.f32 $1.000000000e+00, v25;
	v27 =	vadd.f32 $-1.666666720e-01, v27  }
0x1f0: {  	s18 =	simm.s32 $0x109E0;
	v45 =	vld.idx.msk [tilespmem:v15+s29+$0x0], $0xffff;
	v31 =	vadd.f32 $-1.666666720e-01, v31;
	v23 =	vmul.f32 v23, v59;
	v30 =	vmul.f32 v30, v49  }
0x1f1: {  	s31 =	simm.s32 $0x121E0;
	v46 =	vld.idx.msk [tilespmem:v15+s18+$0x0], $0xffff;
	v34 =	vmul.f32 v61, v47;
	v27 =	vmul.f32 v27, v48  }
0x1f2: {  	s14 =	simm.s32 $0xA9E0;
	v51 =	vor.u32 v7, v11;
	v25 =	vmul.f32 v25, v29;
	v31 =	vmul.f32 v31, v52;
	v48 =	vld.idx.msk [tilespmem:v15+s31+$0x0], $0xffff  }
0x1f3: {  	s30 =	simm.s32 $0x139E0;
	v49 =	vld.idx.msk [tilespmem:v15+s14+$0x0], $0xffff;
	v47 =	vor.u32 v5, v11;
	v34 =	vadd.f32 $1.000000000e+00, v34;
	v27 =	vadd.f32 $1.000000000e+00, v27  }
0x1f4: {  	v50 =	vld.idx.msk [tilespmem:v15+s30+$0x0], $0xffff;
	s30 =	simm.s32 $0x9E0;
	v30 =	vadd.f32 $1.000000000e+00, v30;
	v25 =	vmul.f32 v25, v62;
	v31 =	vadd.f32 $1.000000000e+00, v31  }
0x1f5: {  	v16 =	vld.idx.msk [tilespmem:v16+s30+$0x0], $0xffff;
	v63 =	vor.u32 v4, v11;
	v9 =	vmul.f32 v34, v9;
	v12 =	vmul.f32 v27, v12  }
0x1f6: {  	s7 =	simm.s32 $0x11E0;
	v55 =	vld.idx.msk [tilespmem:v15+s26+$0x0], $0xffff;
	v11 =	vor.u32 v6, v11;
	v30 =	vmul.f32 v30, v33;
	v10 =	vmul.f32 v31, v10  }
0x1f7: {  	v22 =	vadd.f32 v22, v32;
	v58 =	vld.idx.msk [tilespmem:v51+s7+$0x0], $0xffff;
	v9 =	vmul.f32 v9, v46;
	v12 =	vmul.f32 v12, v48  }
0x1f8: {  	v19 =	vmul.f32 v19, v45;
	v23 =	vadd.f32 v25, v23;
	v53 =	vld.idx.msk [tilespmem:v47+s7+$0x0], $0xffff;
	v54 =	vmul.f32 v30, v49  }
0x1f9: {  	v20 =	vmul.f32 v24, v20;
	v15 =	vld.idx.msk [tilespmem:v15+s30+$0x0], $0xffff;
	v10 =	vmul.f32 v10, v50;
	v9 =	vadd.f32 v12, v9  }
0x1fa: {  	v19 =	vadd.f32 v19, v22;
	v56 =	vmul.f32 $5.000000000e-01, v57;
	v52 =	vld.idx.msk [tilespmem:v63+s7+$0x0], $0xffff;
	v59 =	vadd.f32 v54, v23  }
0x1fb: {  	v57 =	vadd.f32 v28, v26;
	v60 =	vmul.f32 v16, v42;
	v11 =	vld.idx.msk [tilespmem:v11+s7+$0x0], $0xffff;
	v9 =	vadd.f32 v10, v9  }
0x1fc: {  	v13 =	vadd.f32 v14, v13;
	v12 =	vmul.f32 v18, v56;
	v62 =	vmul.f32 v59, v19  }
0x1fd: {  	v20 =	vadd.f32 v21, v20;
	v61 =	vmul.f32 $5.000000000e-01, v53;
	v9 =	vmul.f32 v9, v57  }
0x1fe: {  	v63 =	vmul.f32 $5.000000000e-01, v58;
	v15 =	vmul.f32 v15, v55;
	v12 =	vadd.f32 v12, v17  }
0x1ff: {  	v10 =	vmul.f32 v52, v60;
	v16 =	vmul.f32 v20, v61;
	v9 =	vadd.f32 v9, v62  }
0x200: {  	v11 =	vmul.f32 v11, v15  }
0x201: {  	v12 =	vadd.f32 v12, v13;
	v10 =	vadd.f32 v16, v10;
	v9 =	vmul.f32 v9, v63  }
0x202: {  	p0 =	sne.s32 s12, $0x1F  }
.Ltmp0:
0x203: {  	v10 =	vadd.f32 v10, v12;
	v9 =	vadd.f32 v9, v11;
	(pc) =	sbr.rel @p0 .LBB2_3-.Ltmp0, $4  }
0x204: {  	_ = 	snop  }
0x205: {  	v9 =	vadd.f32 v9, v10  }
0x206: {  	s31 =	simm.s32 $0x141E0  }
0x207: {  	s12 =	sadd.s32 $0x1, s12;
	[tilespmem:v8+s31+$0x0] =	vst.idx.msk $0xffff, v9  }
0x208: {  	v8 =	vmul.u32 $0x80, v0;
	_ =	sdelay $0x2  }
0x209: {  	v9 =	vor.u32 $0x1, v8;
	_ =	sdelay $0x1  }
0x20a: {  	s0 =	simm.s32 $0x141E0;
	v10 =	vor.u32 $0x2, v8  }
0x20b: {  	v11 =	vld.idx.msk [tilespmem:v8+s0+$0x0], $0xffff  }
0x20c: {  	v12 =	vor.u32 $0x3, v8  }
0x20d: {  	v9 =	vld.idx.msk [tilespmem:v9+s0+$0x0], $0xffff  }
0x20e: {  	v13 =	vor.u32 $0x4, v8  }
0x20f: {  	v10 =	vld.idx.msk [tilespmem:v10+s0+$0x0], $0xffff  }
0x210: {  	v14 =	vor.u32 $0x5, v8;
	v11 =	vadd.f32 $0.0e+00, v11  }
0x211: {  	v12 =	vld.idx.msk [tilespmem:v12+s0+$0x0], $0xffff  }
0x212: {  	v36 =	vor.u32 $0x6, v8;
	v9 =	vadd.f32 v9, v11  }
0x213: {  	v13 =	vld.idx.msk [tilespmem:v13+s0+$0x0], $0xffff  }
0x214: {  	v37 =	vor.u32 $0x7, v8;
	v9 =	vadd.f32 v10, v9  }
0x215: {  	v14 =	vld.idx.msk [tilespmem:v14+s0+$0x0], $0xffff  }
0x216: {  	v38 =	vor.u32 $0x8, v8;
	v9 =	vadd.f32 v12, v9  }
0x217: {  	v11 =	vld.idx.msk [tilespmem:v36+s0+$0x0], $0xffff  }
0x218: {  	v39 =	vor.u32 $0x9, v8;
	v9 =	vadd.f32 v13, v9  }
0x219: {  	v10 =	vld.idx.msk [tilespmem:v37+s0+$0x0], $0xffff  }
0x21a: {  	v40 =	vor.u32 $0xA, v8;
	v9 =	vadd.f32 v14, v9  }
0x21b: {  	v12 =	vld.idx.msk [tilespmem:v38+s0+$0x0], $0xffff  }
0x21c: {  	v41 =	vor.u32 $0xB, v8;
	v9 =	vadd.f32 v11, v9  }
0x21d: {  	v13 =	vld.idx.msk [tilespmem:v39+s0+$0x0], $0xffff  }
0x21e: {  	v42 =	vor.u32 $0xC, v8;
	v9 =	vadd.f32 v10, v9  }
0x21f: {  	v14 =	vld.idx.msk [tilespmem:v40+s0+$0x0], $0xffff  }
0x220: {  	v43 =	vor.u32 $0xD, v8;
	v9 =	vadd.f32 v12, v9  }
0x221: {  	v11 =	vld.idx.msk [tilespmem:v41+s0+$0x0], $0xffff  }
0x222: {  	v44 =	vor.u32 $0xE, v8;
	v9 =	vadd.f32 v13, v9  }
0x223: {  	v10 =	vld.idx.msk [tilespmem:v42+s0+$0x0], $0xffff  }
0x224: {  	v45 =	vor.u32 $0xF, v8;
	v9 =	vadd.f32 v14, v9  }
0x225: {  	v12 =	vld.idx.msk [tilespmem:v43+s0+$0x0], $0xffff  }
0x226: {  	v9 =	vadd.f32 v11, v9  }
0x227: {  	v46 =	vld.idx.msk [tilespmem:v44+s0+$0x0], $0xffff  }
0x228: {  	v9 =	vadd.f32 v10, v9  }
0x229: {  	v47 =	vld.idx.msk [tilespmem:v45+s0+$0x0], $0xffff  }
0x22a: {  	v9 =	vadd.f32 v12, v9;
	_ =	sdelay $0x1  }
0x22b: {  	v48 =	vor.u32 $0x800, v8;
	v9 =	vadd.f32 v46, v9;
	_ =	sdelay $0x1  }
0x22c: {  	v49 =	vor.u32 $0x801, v8;
	v9 =	vadd.f32 v47, v9;
	_ =	sdelay $0x1  }
0x22d: {  	v50 =	vor.u32 $0x802, v8;
	[tilespmem:$0x151E0] =	vst v9  }
0x22e: {  	v11 =	vld.idx.msk [tilespmem:v48+s0+$0x0], $0xffff  }
0x22f: {  	v51 =	vor.u32 $0x803, v8  }
0x230: {  	v10 =	vld.idx.msk [tilespmem:v49+s0+$0x0], $0xffff  }
0x231: {  	v52 =	vor.u32 $0x804, v8  }
0x232: {  	v9 =	vld.idx.msk [tilespmem:v50+s0+$0x0], $0xffff  }
0x233: {  	v53 =	vor.u32 $0x805, v8;
	v11 =	vadd.f32 $0.0e+00, v11  }
0x234: {  	v12 =	vld.idx.msk [tilespmem:v51+s0+$0x0], $0xffff  }
0x235: {  	v54 =	vor.u32 $0x806, v8;
	v10 =	vadd.f32 v10, v11  }
0x236: {  	v13 =	vld.idx.msk [tilespmem:v52+s0+$0x0], $0xffff  }
0x237: {  	v55 =	vor.u32 $0x807, v8;
	v9 =	vadd.f32 v9, v10  }
0x238: {  	v14 =	vld.idx.msk [tilespmem:v53+s0+$0x0], $0xffff  }
0x239: {  	v56 =	vor.u32 $0x808, v8;
	v9 =	vadd.f32 v12, v9  }
0x23a: {  	v11 =	vld.idx.msk [tilespmem:v54+s0+$0x0], $0xffff  }
0x23b: {  	v57 =	vor.u32 $0x809, v8;
	v9 =	vadd.f32 v13, v9  }
0x23c: {  	v10 =	vld.idx.msk [tilespmem:v55+s0+$0x0], $0xffff  }
0x23d: {  	v58 =	vor.u32 $0x80A, v8;
	v9 =	vadd.f32 v14, v9  }
0x23e: {  	v12 =	vld.idx.msk [tilespmem:v56+s0+$0x0], $0xffff  }
0x23f: {  	v59 =	vor.u32 $0x80B, v8;
	v9 =	vadd.f32 v11, v9  }
0x240: {  	v13 =	vld.idx.msk [tilespmem:v57+s0+$0x0], $0xffff  }
0x241: {  	v60 =	vor.u32 $0x80C, v8;
	v9 =	vadd.f32 v10, v9  }
0x242: {  	v14 =	vld.idx.msk [tilespmem:v58+s0+$0x0], $0xffff  }
0x243: {  	v61 =	vor.u32 $0x80D, v8;
	v9 =	vadd.f32 v12, v9  }
0x244: {  	v11 =	vld.idx.msk [tilespmem:v59+s0+$0x0], $0xffff  }
0x245: {  	v62 =	vor.u32 $0x80E, v8;
	v9 =	vadd.f32 v13, v9  }
0x246: {  	v10 =	vld.idx.msk [tilespmem:v60+s0+$0x0], $0xffff  }
0x247: {  	v8 =	vor.u32 $0x80F, v8;
	v9 =	vadd.f32 v14, v9  }
0x248: {  	v12 =	vld.idx.msk [tilespmem:v61+s0+$0x0], $0xffff  }
0x249: {  	v9 =	vadd.f32 v11, v9  }
0x24a: {  	v63 =	vld.idx.msk [tilespmem:v62+s0+$0x0], $0xffff  }
0x24b: {  	v9 =	vadd.f32 v10, v9  }
0x24c: {  	v8 =	vld.idx.msk [tilespmem:v8+s0+$0x0], $0xffff  }
0x24d: {  	v9 =	vadd.f32 v12, v9;
	_ =	sdelay $0x1  }
0x24e: {  	v9 =	vadd.f32 v63, v9  }
0x24f: {  	s28 =	sld [smem:$0x7FD]  }
0x250: {  	v8 =	vadd.f32 v8, v9  }
0x251: {  	s12 =	rddreg [dreg:$0x8];
	s13 =	simm.s32 $0x0  }
0x252: {  	s29 =	simm.s32 $0x151E0;
	s30 =	simm.s32 $0x2;
	s12 =	sadd.s32 s12, s28;
	[tilespmem:$0x151F0] =	vst v8  }
0x253: {  	[hbm4b:s12+s13] =	stream.linear.scatter [tilespmem:s29], [sflag:$0x2], $0x20, $0x38;
	[tilespmem:$0x15200] =	vst v63  }
0x254: {  	_ =	swait.ge [sflag:s30], $0x20  }
0x255: {  	s31 =	sld [smem:$0x7FC];
	_ =	sdelay $0x2  }
0x256: {  	s0 =	sadd.s32 $0x1, s31  }
0x257: {  	p0 =	sne.s32 s0, $0x10  }
.Ltmp1:
0x258: {  	_ = 	snop;
	(pc) =	sbr.rel @p0 .LBB2_2-.Ltmp1, $3  }
0x259: {  	_ =	sdelay $0x1  }
0x25a: {  	[sflag:s30] =	ssyncset.done $0x0  }
0x25b: {  	[sflag:s30] =	ssyncadd.s32 $0xFFFFFFE0  }
0x25c: {  	s0 =	rddreg [dreg:$0x1f]  }
0x25d: {  	s12 =	rddreg [dreg:$0x1e];
	s0 =	sadd.s32 $0x1, s0  }
0x25e: {  	p0 =	sne.s32 s0, s12  }
.Ltmp2:
0x25f: {  	_ = 	snop;
	(pc) =	sbr.rel @p0 .LBB2_1-.Ltmp2, $1  }
0x260: {  	_ =	sdelay $0x3  }
0x261: {  	_ =	sfence.sel $0x180000  }
0x262: {  	[bflag:$0x0] =	sbarrier.arrive $0xFFFF  }
0x263: {  	_ =	strace $0x90000047  }
0x264: {  	s0 =	stileid.u32;
	[bflag:$0x2] =	sbarrier.arrive $0xFFFF  }
0x265: {  	p0 =	sne.s32 s0, $0x0;
	s0 =	rddreg [dreg:$0x9]  }
0x266: {  	s0 =	sadd.s32 @!p0 $0x100000, s0  }
0x267: {  	[sflag:s0] =	ssyncadd.tile.s32 @!p0 $0x1;
	_ =	shalt  }
.Lfunc_end2:
_tile_overlayer_lowered:
.L_overlay_start_2:
0x268: {  	(tag) =	ssettag $0x2  }
0x269: {  	s0 =	rddreg [dreg:$0x0];
	s2 =	stileid.u32  }
0x26a: {  	s1 =	rddreg [dreg:$0x1];
	p0 =	sne.s32 s2, $0x0  }
0x26b: {  	s3 =	rddreg [dreg:$0x2];
	[bflag:$0x3] =	sbarrier.arrive $0xFFFF;
	s2 =	simm.s32 @!p0 $0x1C02  }
0x26c: {  	[timem:s3], [sflag:s2] =	dma.local @!p0 [hbm:s0], s1  }
0x26d: {  	s0 =	simm.s32 @!p0 $0x2  }
0x26e: {  	_ =	swait.ge @!p0 [sflag:s0], s1  }
0x26f: {  	s1 =	ssub.s32 @!p0 $0x0, s1;
	[sflag:s0] =	ssyncset.done @!p0 $0x0  }
0x270: {  	[sflag:s0] =	ssyncadd.s32 @!p0 s1  }
0x271: {  	[bflag:$0x3] =	sbarrier.arrive $0xFFFF  }
0x272: {  	_ =	shalt  }

</sc_bundles>
